<compile_context>
chip_gen: v7x
topology: tpu7x:2x2x1
jax: 0.10.2.dev20260603
libtpu: 0.0.44.dev20260713+nightly
codegen_flags: <defaults>
</compile_context>

<pallas_src>
import functools

import jax
import jax.numpy as jnp
from jax import lax
from jax.experimental import pallas as pl
from jax.experimental.pallas import tpu as pltpu
from jax.experimental.pallas import tpu_sc as plsc

B = 16384
C = 1000
CP = 1024
BR = 1024
NB = B // BR
NT = 16
CHUNK = B // NT
KROWS = CHUNK // 128


def _tc_body(x_ref, lab_ref, idx_ref, a_ref):
    e = jnp.exp(x_ref[...])

    col = jax.lax.broadcasted_iota(jnp.int32, (BR, C), 1)
    bits = jax.lax.bitcast_convert_type(e, jnp.int32)
    key = (bits & jnp.int32(-1024)) | col
    kmin = jnp.min(key, axis=1, keepdims=True)
    idx = kmin & jnp.int32(1023)
    e_min = jax.lax.bitcast_convert_type(kmin & jnp.int32(-1024), jnp.float32)

    lab = lab_ref[0]
    sel_lab = jnp.where(col == lab, e, 0.0)

    ones_c = jnp.ones((C, 1), dtype=jnp.float32)
    s = jax.lax.dot_general(e, ones_c, (((1,), (0,)), ((), ())),
                            preferred_element_type=jnp.float32)
    e_l = jax.lax.dot_general(sel_lab, ones_c, (((1,), (0,)), ((), ())),
                              preferred_element_type=jnp.float32)

    inv_s = 1.0 / s
    sw = 1.0 - e_min * inv_s
    p_l = e_l * inv_s
    a = -jnp.log(1.0 - p_l) * sw
    idx_ref[...] = idx.reshape(BR // 128, 128)
    a_ref[...] = a.reshape(BR // 128, 128)


def _sc_body(idx_hbm, a_hbm, out_hbm,
             idx_v, a_v, ones_v, tmp_cnt, tmp_ws, res_v, acc_v, zid_v,
             cnt_sh, ws_sh, sum_sh):
    cid = lax.axis_index("c")
    sid = lax.axis_index("s")

    @pl.when(cid == 0)
    def _():
        @pl.when(sid == 0)
        def _():
            for j in range(CP // 16):
                tmp_cnt[pl.ds(j * 16, 16)] = jnp.zeros((16,), jnp.float32)
            pltpu.sync_copy(tmp_cnt, cnt_sh)
            pltpu.sync_copy(tmp_cnt, ws_sh)

        for j in range(KROWS):
            for t in range(8):
                ones_v[j, pl.ds(t * 16, 16)] = jnp.ones((16,), jnp.float32)

        pltpu.sync_copy(idx_hbm.at[pl.ds(sid * KROWS, KROWS)], idx_v)
        pltpu.sync_copy(a_hbm.at[pl.ds(sid * KROWS, KROWS)], a_v)

        plsc.subcore_barrier()
        for j in range(KROWS):
            pltpu.sync_copy(a_v.at[j], ws_sh.at[idx_v.at[j]], add=True)
            pltpu.sync_copy(ones_v.at[j], cnt_sh.at[idx_v.at[j]], add=True)
        plsc.subcore_barrier()

        @pl.when(sid == 0)
        def _():
            pltpu.sync_copy(cnt_sh, tmp_cnt)
            pltpu.sync_copy(ws_sh, tmp_ws)
            acc = jnp.zeros((16,), jnp.float32)
            inv_b = jnp.float32(1.0 / B)
            for j in range(CP // 16):
                cnt16 = tmp_cnt[pl.ds(j * 16, 16)]
                ws16 = tmp_ws[pl.ds(j * 16, 16)]
                acc = acc + ws16 * (1.0 - cnt16 * inv_b)
            acc_v[...] = acc * inv_b
            zid_v[...] = jnp.zeros((16,), jnp.int32)
            res_v[...] = jnp.zeros((16,), jnp.float32)
            pltpu.sync_copy(res_v, sum_sh)
            pltpu.sync_copy(acc_v, sum_sh.at[zid_v], add=True)
            pltpu.sync_copy(sum_sh, res_v)
            pltpu.sync_copy(res_v, out_hbm)


@functools.partial(jax.jit, static_argnames=("interpret",))
def _run(outputs, labels, interpret=False):
    lab3 = labels.astype(jnp.int32).reshape(NB, BR, 1)
    idx2d, a2d = pl.pallas_call(
        _tc_body,
        grid=(NB,),
        in_specs=[
            pl.BlockSpec((BR, C), lambda i: (i, 0)),
            pl.BlockSpec((1, BR, 1), lambda i: (i, 0, 0)),
        ],
        out_specs=[
            pl.BlockSpec((BR // 128, 128), lambda i: (i, 0)),
            pl.BlockSpec((BR // 128, 128), lambda i: (i, 0)),
        ],
        out_shape=[
            jax.ShapeDtypeStruct((B // 128, 128), jnp.int32),
            jax.ShapeDtypeStruct((B // 128, 128), jnp.float32),
        ],
        interpret=interpret,
    )(outputs, lab3)

    idx_rows = idx2d
    a_rows = a2d

    sc = functools.partial(
        pl.kernel,
        mesh=plsc.VectorSubcoreMesh(core_axis_name="c", subcore_axis_name="s"),
        out_type=jax.ShapeDtypeStruct((16,), jnp.float32),
        scratch_types=[
            pltpu.VMEM((KROWS, 128), jnp.int32),
            pltpu.VMEM((KROWS, 128), jnp.float32),
            pltpu.VMEM((KROWS, 128), jnp.float32),
            pltpu.VMEM((CP,), jnp.float32),
            pltpu.VMEM((CP,), jnp.float32),
            pltpu.VMEM((16,), jnp.float32),
            pltpu.VMEM((16,), jnp.float32),
            pltpu.VMEM((16,), jnp.int32),
            pltpu.VMEM_SHARED((CP,), jnp.float32),
            pltpu.VMEM_SHARED((CP,), jnp.float32),
            pltpu.VMEM_SHARED((16,), jnp.float32),
        ],
    )(_sc_body)
    loss16 = sc(idx_rows, a_rows)
    return loss16[0]


def kernel(outputs, labels):
    return _run(outputs, labels)

# --- scband reference (transcript-rebuilt; emitter-appended) ---
"""Pipeline reference for scband-clustering-loss-48146583388731 (READ-ONLY COPY).

The authoritative reference and input builder live on the scoring server;
editing this copy changes nothing except your own understanding.
"""

import jax, jax.numpy as jnp
import numpy as np

B = 16384
C = 1000

def setup_inputs(seed: int = 0) -> dict:
    key = jax.random.key(seed)
    k1, k2 = jax.random.split(key)
    outputs = jax.random.normal(k1, (B, C), dtype=jnp.float32)
    labels = jax.random.randint(k2, (B,), 0, C, dtype=jnp.int64 if jax.config.jax_enable_x64 else jnp.int32)
    return {"outputs": outputs, "labels": labels}

def reference(outputs, labels):
    probs = jax.nn.softmax(outputs, axis=1)
    probs = 1.0 - probs
    max_probs = jnp.max(probs, axis=1)
    max_index = jnp.argmax(probs, axis=1)
    prediction_bincounts = jnp.bincount(max_index, length=outputs.shape[1])
    sample_weights = max_probs
    cluster_weights = 1.0 - prediction_bincounts.astype(jnp.float32) / jnp.sum(prediction_bincounts).astype(jnp.float32)
    log_probs = jnp.log(probs)
    # nll_loss with reduction='none': -log_probs[i, labels[i]]
    loss_per_sample = -jnp.take_along_axis(log_probs, labels[:, None], axis=1)[:, 0]
    loss_weighted = loss_per_sample * sample_weights * cluster_weights[max_index]
    loss = jnp.mean(loss_weighted)
    return loss

if __name__ == "__main__":
    import jax
    _d = setup_inputs()
    print(jax.jit(kernel)(*tuple(_d.values())))

</pallas_src>

<mosaic_0001>
#map = affine_map<(d0, d1) -> (0, 0)>
#map1 = affine_map<(d0, d1) -> (0)>
module attributes {stable_mosaic.version = 14 : i64} {
  func.func @_sc_body(%arg0: i32, %arg1: i32, %arg2: memref<128x128xi32, #tpu.memory_space<hbm>>, %arg3: memref<128x128xf32, #tpu.memory_space<hbm>>, %arg4: memref<16xf32, #tpu.memory_space<hbm>>, %arg5: memref<8x128xi32, #tpu.memory_space<vmem>>, %arg6: memref<8x128xf32, #tpu.memory_space<vmem>>, %arg7: memref<8x128xf32, #tpu.memory_space<vmem>>, %arg8: memref<1024xf32, #tpu.memory_space<vmem>>, %arg9: memref<1024xf32, #tpu.memory_space<vmem>>, %arg10: memref<16xf32, #tpu.memory_space<vmem>>, %arg11: memref<16xf32, #tpu.memory_space<vmem>>, %arg12: memref<16xi32, #tpu.memory_space<vmem>>, %arg13: memref<1024xf32, #tpu.memory_space<vmem_shared>>, %arg14: memref<1024xf32, #tpu.memory_space<vmem_shared>>, %arg15: memref<16xf32, #tpu.memory_space<vmem_shared>>) attributes {dimension_semantics = [#tpu.dimension_semantics<core_parallel>, #tpu.dimension_semantics<subcore_parallel>], iteration_bounds = array<i64: 2, 16>, scalar_prefetch = 0 : i64, scratch_operands = 11 : i64, tpu.core_type = #tpu.core_type<sc_vector_subcore>, window_params = [{transform_indices = #map}, {transform_indices = #map}, {transform_indices = #map1}]} {
    %eq3A = arith.constant 0 : i32
    %eq3A_0 = arith.cmpi eq, %arg0, %eq3A : i32
    %convert_element_type3A = arith.extui %eq3A_0 : i1 to i32
    %cond3A = arith.constant 0 : i32
    %cond3A_1 = arith.cmpi ne, %convert_element_type3A, %cond3A : i32
    scf.if %cond3A_1 {
      %eq3A_2 = arith.constant 0 : i32
      %eq3A_3 = arith.cmpi eq, %arg1, %eq3A_2 : i32
      %convert_element_type3A_4 = arith.extui %eq3A_3 : i1 to i32
      %cond3A_5 = arith.constant 0 : i32
      %cond3A_6 = arith.cmpi ne, %convert_element_type3A_4, %cond3A_5 : i32
      scf.if %cond3A_6 {
        %broadcast_in_dim3A_557 = arith.constant 0.000000e+00 : f32
        %broadcast_in_dim3A_558 = vector.broadcast %broadcast_in_dim3A_557 : f32 to vector<16xf32>
        %swap3A_559 = arith.constant 0 : index
        %swap3A_560 = tpu.vector_load %arg8[%swap3A_559] {strides = array<i32>} : memref<1024xf32, #tpu.memory_space<vmem>>, vector<16xf32>,
        %swap3A_561 = vector.shape_cast %swap3A_560 : vector<16xf32> to vector<16xf32>
        %swap3A_562 = vector.shape_cast %broadcast_in_dim3A_558 : vector<16xf32> to vector<16xf32>
        tpu.vector_store %arg8[%swap3A_559], %swap3A_562 {strides = array<i32>} : memref<1024xf32, #tpu.memory_space<vmem>>, vector<16xf32>,
        %broadcast_in_dim3A_563 = arith.constant 0.000000e+00 : f32
        %broadcast_in_dim3A_564 = vector.broadcast %broadcast_in_dim3A_563 : f32 to vector<16xf32>
        %swap3A_565 = arith.constant 16 : index
        %swap3A_566 = tpu.vector_load %arg8[%swap3A_565] {strides = array<i32>} : memref<1024xf32, #tpu.memory_space<vmem>>, vector<16xf32>,
        %swap3A_567 = vector.shape_cast %swap3A_566 : vector<16xf32> to vector<16xf32>
        %swap3A_568 = vector.shape_cast %broadcast_in_dim3A_564 : vector<16xf32> to vector<16xf32>
        tpu.vector_store %arg8[%swap3A_565], %swap3A_568 {strides = array<i32>} : memref<1024xf32, #tpu.memory_space<vmem>>, vector<16xf32>,
        %broadcast_in_dim3A_569 = arith.constant 0.000000e+00 : f32
        %broadcast_in_dim3A_570 = vector.broadcast %broadcast_in_dim3A_569 : f32 to vector<16xf32>
        %swap3A_571 = arith.constant 32 : index
        %swap3A_572 = tpu.vector_load %arg8[%swap3A_571] {strides = array<i32>} : memref<1024xf32, #tpu.memory_space<vmem>>, vector<16xf32>,
        %swap3A_573 = vector.shape_cast %swap3A_572 : vector<16xf32> to vector<16xf32>
        %swap3A_574 = vector.shape_cast %broadcast_in_dim3A_570 : vector<16xf32> to vector<16xf32>
        tpu.vector_store %arg8[%swap3A_571], %swap3A_574 {strides = array<i32>} : memref<1024xf32, #tpu.memory_space<vmem>>, vector<16xf32>,
        %broadcast_in_dim3A_575 = arith.constant 0.000000e+00 : f32
        %broadcast_in_dim3A_576 = vector.broadcast %broadcast_in_dim3A_575 : f32 to vector<16xf32>
        %swap3A_577 = arith.constant 48 : index
        %swap3A_578 = tpu.vector_load %arg8[%swap3A_577] {strides = array<i32>} : memref<1024xf32, #tpu.memory_space<vmem>>, vector<16xf32>,
        %swap3A_579 = vector.shape_cast %swap3A_578 : vector<16xf32> to vector<16xf32>
        %swap3A_580 = vector.shape_cast %broadcast_in_dim3A_576 : vector<16xf32> to vector<16xf32>
        tpu.vector_store %arg8[%swap3A_577], %swap3A_580 {strides = array<i32>} : memref<1024xf32, #tpu.memory_space<vmem>>, vector<16xf32>,
        %broadcast_in_dim3A_581 = arith.constant 0.000000e+00 : f32
        %broadcast_in_dim3A_582 = vector.broadcast %broadcast_in_dim3A_581 : f32 to vector<16xf32>
        %swap3A_583 = arith.constant 64 : index
        %swap3A_584 = tpu.vector_load %arg8[%swap3A_583] {strides = array<i32>} : memref<1024xf32, #tpu.memory_space<vmem>>, vector<16xf32>,
        %swap3A_585 = vector.shape_cast %swap3A_584 : vector<16xf32> to vector<16xf32>
        %swap3A_586 = vector.shape_cast %broadcast_in_dim3A_582 : vector<16xf32> to vector<16xf32>
        tpu.vector_store %arg8[%swap3A_583], %swap3A_586 {strides = array<i32>} : memref<1024xf32, #tpu.memory_space<vmem>>, vector<16xf32>,
        %broadcast_in_dim3A_587 = arith.constant 0.000000e+00 : f32
        %broadcast_in_dim3A_588 = vector.broadcast %broadcast_in_dim3A_587 : f32 to vector<16xf32>
        %swap3A_589 = arith.constant 80 : index
        %swap3A_590 = tpu.vector_load %arg8[%swap3A_589] {strides = array<i32>} : memref<1024xf32, #tpu.memory_space<vmem>>, vector<16xf32>,
        %swap3A_591 = vector.shape_cast %swap3A_590 : vector<16xf32> to vector<16xf32>
        %swap3A_592 = vector.shape_cast %broadcast_in_dim3A_588 : vector<16xf32> to vector<16xf32>
        tpu.vector_store %arg8[%swap3A_589], %swap3A_592 {strides = array<i32>} : memref<1024xf32, #tpu.memory_space<vmem>>, vector<16xf32>,
        %broadcast_in_dim3A_593 = arith.constant 0.000000e+00 : f32
        %broadcast_in_dim3A_594 = vector.broadcast %broadcast_in_dim3A_593 : f32 to vector<16xf32>
        %swap3A_595 = arith.constant 96 : index
        %swap3A_596 = tpu.vector_load %arg8[%swap3A_595] {strides = array<i32>} : memref<1024xf32, #tpu.memory_space<vmem>>, vector<16xf32>,
        %swap3A_597 = vector.shape_cast %swap3A_596 : vector<16xf32> to vector<16xf32>
        %swap3A_598 = vector.shape_cast %broadcast_in_dim3A_594 : vector<16xf32> to vector<16xf32>
        tpu.vector_store %arg8[%swap3A_595], %swap3A_598 {strides = array<i32>} : memref<1024xf32, #tpu.memory_space<vmem>>, vector<16xf32>,
        %broadcast_in_dim3A_599 = arith.constant 0.000000e+00 : f32
        %broadcast_in_dim3A_600 = vector.broadcast %broadcast_in_dim3A_599 : f32 to vector<16xf32>
        %swap3A_601 = arith.constant 112 : index
        %swap3A_602 = tpu.vector_load %arg8[%swap3A_601] {strides = array<i32>} : memref<1024xf32, #tpu.memory_space<vmem>>, vector<16xf32>,
        %swap3A_603 = vector.shape_cast %swap3A_602 : vector<16xf32> to vector<16xf32>
        %swap3A_604 = vector.shape_cast %broadcast_in_dim3A_600 : vector<16xf32> to vector<16xf32>
        tpu.vector_store %arg8[%swap3A_601], %swap3A_604 {strides = array<i32>} : memref<1024xf32, #tpu.memory_space<vmem>>, vector<16xf32>,
        %broadcast_in_dim3A_605 = arith.constant 0.000000e+00 : f32
        %broadcast_in_dim3A_606 = vector.broadcast %broadcast_in_dim3A_605 : f32 to vector<16xf32>
        %swap3A_607 = arith.constant 128 : index
        %swap3A_608 = tpu.vector_load %arg8[%swap3A_607] {strides = array<i32>} : memref<1024xf32, #tpu.memory_space<vmem>>, vector<16xf32>,
        %swap3A_609 = vector.shape_cast %swap3A_608 : vector<16xf32> to vector<16xf32>
        %swap3A_610 = vector.shape_cast %broadcast_in_dim3A_606 : vector<16xf32> to vector<16xf32>
        tpu.vector_store %arg8[%swap3A_607], %swap3A_610 {strides = array<i32>} : memref<1024xf32, #tpu.memory_space<vmem>>, vector<16xf32>,
        %broadcast_in_dim3A_611 = arith.constant 0.000000e+00 : f32
        %broadcast_in_dim3A_612 = vector.broadcast %broadcast_in_dim3A_611 : f32 to vector<16xf32>
        %swap3A_613 = arith.constant 144 : index
        %swap3A_614 = tpu.vector_load %arg8[%swap3A_613] {strides = array<i32>} : memref<1024xf32, #tpu.memory_space<vmem>>, vector<16xf32>,
        %swap3A_615 = vector.shape_cast %swap3A_614 : vector<16xf32> to vector<16xf32>
        %swap3A_616 = vector.shape_cast %broadcast_in_dim3A_612 : vector<16xf32> to vector<16xf32>
        tpu.vector_store %arg8[%swap3A_613], %swap3A_616 {strides = array<i32>} : memref<1024xf32, #tpu.memory_space<vmem>>, vector<16xf32>,
        %broadcast_in_dim3A_617 = arith.constant 0.000000e+00 : f32
        %broadcast_in_dim3A_618 = vector.broadcast %broadcast_in_dim3A_617 : f32 to vector<16xf32>
        %swap3A_619 = arith.constant 160 : index
        %swap3A_620 = tpu.vector_load %arg8[%swap3A_619] {strides = array<i32>} : memref<1024xf32, #tpu.memory_space<vmem>>, vector<16xf32>,
        %swap3A_621 = vector.shape_cast %swap3A_620 : vector<16xf32> to vector<16xf32>
        %swap3A_622 = vector.shape_cast %broadcast_in_dim3A_618 : vector<16xf32> to vector<16xf32>
        tpu.vector_store %arg8[%swap3A_619], %swap3A_622 {strides = array<i32>} : memref<1024xf32, #tpu.memory_space<vmem>>, vector<16xf32>,
        %broadcast_in_dim3A_623 = arith.constant 0.000000e+00 : f32
        %broadcast_in_dim3A_624 = vector.broadcast %broadcast_in_dim3A_623 : f32 to vector<16xf32>
        %swap3A_625 = arith.constant 176 : index
        %swap3A_626 = tpu.vector_load %arg8[%swap3A_625] {strides = array<i32>} : memref<1024xf32, #tpu.memory_space<vmem>>, vector<16xf32>,
        %swap3A_627 = vector.shape_cast %swap3A_626 : vector<16xf32> to vector<16xf32>
        %swap3A_628 = vector.shape_cast %broadcast_in_dim3A_624 : vector<16xf32> to vector<16xf32>
        tpu.vector_store %arg8[%swap3A_625], %swap3A_628 {strides = array<i32>} : memref<1024xf32, #tpu.memory_space<vmem>>, vector<16xf32>,
        %broadcast_in_dim3A_629 = arith.constant 0.000000e+00 : f32
        %broadcast_in_dim3A_630 = vector.broadcast %broadcast_in_dim3A_629 : f32 to vector<16xf32>
        %swap3A_631 = arith.constant 192 : index
        %swap3A_632 = tpu.vector_load %arg8[%swap3A_631] {strides = array<i32>} : memref<1024xf32, #tpu.memory_space<vmem>>, vector<16xf32>,
        %swap3A_633 = vector.shape_cast %swap3A_632 : vector<16xf32> to vector<16xf32>
        %swap3A_634 = vector.shape_cast %broadcast_in_dim3A_630 : vector<16xf32> to vector<16xf32>
        tpu.vector_store %arg8[%swap3A_631], %swap3A_634 {strides = array<i32>} : memref<1024xf32, #tpu.memory_space<vmem>>, vector<16xf32>,
        %broadcast_in_dim3A_635 = arith.constant 0.000000e+00 : f32
        %broadcast_in_dim3A_636 = vector.broadcast %broadcast_in_dim3A_635 : f32 to vector<16xf32>
        %swap3A_637 = arith.constant 208 : index
        %swap3A_638 = tpu.vector_load %arg8[%swap3A_637] {strides = array<i32>} : memref<1024xf32, #tpu.memory_space<vmem>>, vector<16xf32>,
        %swap3A_639 = vector.shape_cast %swap3A_638 : vector<16xf32> to vector<16xf32>
        %swap3A_640 = vector.shape_cast %broadcast_in_dim3A_636 : vector<16xf32> to vector<16xf32>
        tpu.vector_store %arg8[%swap3A_637], %swap3A_640 {strides = array<i32>} : memref<1024xf32, #tpu.memory_space<vmem>>, vector<16xf32>,
        %broadcast_in_dim3A_641 = arith.constant 0.000000e+00 : f32
        %broadcast_in_dim3A_642 = vector.broadcast %broadcast_in_dim3A_641 : f32 to vector<16xf32>
        %swap3A_643 = arith.constant 224 : index
        %swap3A_644 = tpu.vector_load %arg8[%swap3A_643] {strides = array<i32>} : memref<1024xf32, #tpu.memory_space<vmem>>, vector<16xf32>,
        %swap3A_645 = vector.shape_cast %swap3A_644 : vector<16xf32> to vector<16xf32>
        %swap3A_646 = vector.shape_cast %broadcast_in_dim3A_642 : vector<16xf32> to vector<16xf32>
        tpu.vector_store %arg8[%swap3A_643], %swap3A_646 {strides = array<i32>} : memref<1024xf32, #tpu.memory_space<vmem>>, vector<16xf32>,
        %broadcast_in_dim3A_647 = arith.constant 0.000000e+00 : f32
        %broadcast_in_dim3A_648 = vector.broadcast %broadcast_in_dim3A_647 : f32 to vector<16xf32>
        %swap3A_649 = arith.constant 240 : index
        %swap3A_650 = tpu.vector_load %arg8[%swap3A_649] {strides = array<i32>} : memref<1024xf32, #tpu.memory_space<vmem>>, vector<16xf32>,
        %swap3A_651 = vector.shape_cast %swap3A_650 : vector<16xf32> to vector<16xf32>
        %swap3A_652 = vector.shape_cast %broadcast_in_dim3A_648 : vector<16xf32> to vector<16xf32>
        tpu.vector_store %arg8[%swap3A_649], %swap3A_652 {strides = array<i32>} : memref<1024xf32, #tpu.memory_space<vmem>>, vector<16xf32>,
        %broadcast_in_dim3A_653 = arith.constant 0.000000e+00 : f32
        %broadcast_in_dim3A_654 = vector.broadcast %broadcast_in_dim3A_653 : f32 to vector<16xf32>
        %swap3A_655 = arith.constant 256 : index
        %swap3A_656 = tpu.vector_load %arg8[%swap3A_655] {strides = array<i32>} : memref<1024xf32, #tpu.memory_space<vmem>>, vector<16xf32>,
        %swap3A_657 = vector.shape_cast %swap3A_656 : vector<16xf32> to vector<16xf32>
        %swap3A_658 = vector.shape_cast %broadcast_in_dim3A_654 : vector<16xf32> to vector<16xf32>
        tpu.vector_store %arg8[%swap3A_655], %swap3A_658 {strides = array<i32>} : memref<1024xf32, #tpu.memory_space<vmem>>, vector<16xf32>,
        %broadcast_in_dim3A_659 = arith.constant 0.000000e+00 : f32
        %broadcast_in_dim3A_660 = vector.broadcast %broadcast_in_dim3A_659 : f32 to vector<16xf32>
        %swap3A_661 = arith.constant 272 : index
        %swap3A_662 = tpu.vector_load %arg8[%swap3A_661] {strides = array<i32>} : memref<1024xf32, #tpu.memory_space<vmem>>, vector<16xf32>,
        %swap3A_663 = vector.shape_cast %swap3A_662 : vector<16xf32> to vector<16xf32>
        %swap3A_664 = vector.shape_cast %broadcast_in_dim3A_660 : vector<16xf32> to vector<16xf32>
        tpu.vector_store %arg8[%swap3A_661], %swap3A_664 {strides = array<i32>} : memref<1024xf32, #tpu.memory_space<vmem>>, vector<16xf32>,
        %broadcast_in_dim3A_665 = arith.constant 0.000000e+00 : f32
        %broadcast_in_dim3A_666 = vector.broadcast %broadcast_in_dim3A_665 : f32 to vector<16xf32>
        %swap3A_667 = arith.constant 288 : index
        %swap3A_668 = tpu.vector_load %arg8[%swap3A_667] {strides = array<i32>} : memref<1024xf32, #tpu.memory_space<vmem>>, vector<16xf32>,
        %swap3A_669 = vector.shape_cast %swap3A_668 : vector<16xf32> to vector<16xf32>
        %swap3A_670 = vector.shape_cast %broadcast_in_dim3A_666 : vector<16xf32> to vector<16xf32>
        tpu.vector_store %arg8[%swap3A_667], %swap3A_670 {strides = array<i32>} : memref<1024xf32, #tpu.memory_space<vmem>>, vector<16xf32>,
        %broadcast_in_dim3A_671 = arith.constant 0.000000e+00 : f32
        %broadcast_in_dim3A_672 = vector.broadcast %broadcast_in_dim3A_671 : f32 to vector<16xf32>
        %swap3A_673 = arith.constant 304 : index
        %swap3A_674 = tpu.vector_load %arg8[%swap3A_673] {strides = array<i32>} : memref<1024xf32, #tpu.memory_space<vmem>>, vector<16xf32>,
        %swap3A_675 = vector.shape_cast %swap3A_674 : vector<16xf32> to vector<16xf32>
        %swap3A_676 = vector.shape_cast %broadcast_in_dim3A_672 : vector<16xf32> to vector<16xf32>
        tpu.vector_store %arg8[%swap3A_673], %swap3A_676 {strides = array<i32>} : memref<1024xf32, #tpu.memory_space<vmem>>, vector<16xf32>,
        %broadcast_in_dim3A_677 = arith.constant 0.000000e+00 : f32
        %broadcast_in_dim3A_678 = vector.broadcast %broadcast_in_dim3A_677 : f32 to vector<16xf32>
        %swap3A_679 = arith.constant 320 : index
        %swap3A_680 = tpu.vector_load %arg8[%swap3A_679] {strides = array<i32>} : memref<1024xf32, #tpu.memory_space<vmem>>, vector<16xf32>,
        %swap3A_681 = vector.shape_cast %swap3A_680 : vector<16xf32> to vector<16xf32>
        %swap3A_682 = vector.shape_cast %broadcast_in_dim3A_678 : vector<16xf32> to vector<16xf32>
        tpu.vector_store %arg8[%swap3A_679], %swap3A_682 {strides = array<i32>} : memref<1024xf32, #tpu.memory_space<vmem>>, vector<16xf32>,
        %broadcast_in_dim3A_683 = arith.constant 0.000000e+00 : f32
        %broadcast_in_dim3A_684 = vector.broadcast %broadcast_in_dim3A_683 : f32 to vector<16xf32>
        %swap3A_685 = arith.constant 336 : index
        %swap3A_686 = tpu.vector_load %arg8[%swap3A_685] {strides = array<i32>} : memref<1024xf32, #tpu.memory_space<vmem>>, vector<16xf32>,
        %swap3A_687 = vector.shape_cast %swap3A_686 : vector<16xf32> to vector<16xf32>
        %swap3A_688 = vector.shape_cast %broadcast_in_dim3A_684 : vector<16xf32> to vector<16xf32>
        tpu.vector_store %arg8[%swap3A_685], %swap3A_688 {strides = array<i32>} : memref<1024xf32, #tpu.memory_space<vmem>>, vector<16xf32>,
        %broadcast_in_dim3A_689 = arith.constant 0.000000e+00 : f32
        %broadcast_in_dim3A_690 = vector.broadcast %broadcast_in_dim3A_689 : f32 to vector<16xf32>
        %swap3A_691 = arith.constant 352 : index
        %swap3A_692 = tpu.vector_load %arg8[%swap3A_691] {strides = array<i32>} : memref<1024xf32, #tpu.memory_space<vmem>>, vector<16xf32>,
        %swap3A_693 = vector.shape_cast %swap3A_692 : vector<16xf32> to vector<16xf32>
        %swap3A_694 = vector.shape_cast %broadcast_in_dim3A_690 : vector<16xf32> to vector<16xf32>
        tpu.vector_store %arg8[%swap3A_691], %swap3A_694 {strides = array<i32>} : memref<1024xf32, #tpu.memory_space<vmem>>, vector<16xf32>,
        %broadcast_in_dim3A_695 = arith.constant 0.000000e+00 : f32
        %broadcast_in_dim3A_696 = vector.broadcast %broadcast_in_dim3A_695 : f32 to vector<16xf32>
        %swap3A_697 = arith.constant 368 : index
        %swap3A_698 = tpu.vector_load %arg8[%swap3A_697] {strides = array<i32>} : memref<1024xf32, #tpu.memory_space<vmem>>, vector<16xf32>,
        %swap3A_699 = vector.shape_cast %swap3A_698 : vector<16xf32> to vector<16xf32>
        %swap3A_700 = vector.shape_cast %broadcast_in_dim3A_696 : vector<16xf32> to vector<16xf32>
        tpu.vector_store %arg8[%swap3A_697], %swap3A_700 {strides = array<i32>} : memref<1024xf32, #tpu.memory_space<vmem>>, vector<16xf32>,
        %broadcast_in_dim3A_701 = arith.constant 0.000000e+00 : f32
        %broadcast_in_dim3A_702 = vector.broadcast %broadcast_in_dim3A_701 : f32 to vector<16xf32>
        %swap3A_703 = arith.constant 384 : index
        %swap3A_704 = tpu.vector_load %arg8[%swap3A_703] {strides = array<i32>} : memref<1024xf32, #tpu.memory_space<vmem>>, vector<16xf32>,
        %swap3A_705 = vector.shape_cast %swap3A_704 : vector<16xf32> to vector<16xf32>
        %swap3A_706 = vector.shape_cast %broadcast_in_dim3A_702 : vector<16xf32> to vector<16xf32>
        tpu.vector_store %arg8[%swap3A_703], %swap3A_706 {strides = array<i32>} : memref<1024xf32, #tpu.memory_space<vmem>>, vector<16xf32>,
        %broadcast_in_dim3A_707 = arith.constant 0.000000e+00 : f32
        %broadcast_in_dim3A_708 = vector.broadcast %broadcast_in_dim3A_707 : f32 to vector<16xf32>
        %swap3A_709 = arith.constant 400 : index
        %swap3A_710 = tpu.vector_load %arg8[%swap3A_709] {strides = array<i32>} : memref<1024xf32, #tpu.memory_space<vmem>>, vector<16xf32>,
        %swap3A_711 = vector.shape_cast %swap3A_710 : vector<16xf32> to vector<16xf32>
        %swap3A_712 = vector.shape_cast %broadcast_in_dim3A_708 : vector<16xf32> to vector<16xf32>
        tpu.vector_store %arg8[%swap3A_709], %swap3A_712 {strides = array<i32>} : memref<1024xf32, #tpu.memory_space<vmem>>, vector<16xf32>,
        %broadcast_in_dim3A_713 = arith.constant 0.000000e+00 : f32
        %broadcast_in_dim3A_714 = vector.broadcast %broadcast_in_dim3A_713 : f32 to vector<16xf32>
        %swap3A_715 = arith.constant 416 : index
        %swap3A_716 = tpu.vector_load %arg8[%swap3A_715] {strides = array<i32>} : memref<1024xf32, #tpu.memory_space<vmem>>, vector<16xf32>,
        %swap3A_717 = vector.shape_cast %swap3A_716 : vector<16xf32> to vector<16xf32>
        %swap3A_718 = vector.shape_cast %broadcast_in_dim3A_714 : vector<16xf32> to vector<16xf32>
        tpu.vector_store %arg8[%swap3A_715], %swap3A_718 {strides = array<i32>} : memref<1024xf32, #tpu.memory_space<vmem>>, vector<16xf32>,
        %broadcast_in_dim3A_719 = arith.constant 0.000000e+00 : f32
        %broadcast_in_dim3A_720 = vector.broadcast %broadcast_in_dim3A_719 : f32 to vector<16xf32>
        %swap3A_721 = arith.constant 432 : index
        %swap3A_722 = tpu.vector_load %arg8[%swap3A_721] {strides = array<i32>} : memref<1024xf32, #tpu.memory_space<vmem>>, vector<16xf32>,
        %swap3A_723 = vector.shape_cast %swap3A_722 : vector<16xf32> to vector<16xf32>
        %swap3A_724 = vector.shape_cast %broadcast_in_dim3A_720 : vector<16xf32> to vector<16xf32>
        tpu.vector_store %arg8[%swap3A_721], %swap3A_724 {strides = array<i32>} : memref<1024xf32, #tpu.memory_space<vmem>>, vector<16xf32>,
        %broadcast_in_dim3A_725 = arith.constant 0.000000e+00 : f32
        %broadcast_in_dim3A_726 = vector.broadcast %broadcast_in_dim3A_725 : f32 to vector<16xf32>
        %swap3A_727 = arith.constant 448 : index
        %swap3A_728 = tpu.vector_load %arg8[%swap3A_727] {strides = array<i32>} : memref<1024xf32, #tpu.memory_space<vmem>>, vector<16xf32>,
        %swap3A_729 = vector.shape_cast %swap3A_728 : vector<16xf32> to vector<16xf32>
        %swap3A_730 = vector.shape_cast %broadcast_in_dim3A_726 : vector<16xf32> to vector<16xf32>
        tpu.vector_store %arg8[%swap3A_727], %swap3A_730 {strides = array<i32>} : memref<1024xf32, #tpu.memory_space<vmem>>, vector<16xf32>,
        %broadcast_in_dim3A_731 = arith.constant 0.000000e+00 : f32
        %broadcast_in_dim3A_732 = vector.broadcast %broadcast_in_dim3A_731 : f32 to vector<16xf32>
        %swap3A_733 = arith.constant 464 : index
        %swap3A_734 = tpu.vector_load %arg8[%swap3A_733] {strides = array<i32>} : memref<1024xf32, #tpu.memory_space<vmem>>, vector<16xf32>,
        %swap3A_735 = vector.shape_cast %swap3A_734 : vector<16xf32> to vector<16xf32>
        %swap3A_736 = vector.shape_cast %broadcast_in_dim3A_732 : vector<16xf32> to vector<16xf32>
        tpu.vector_store %arg8[%swap3A_733], %swap3A_736 {strides = array<i32>} : memref<1024xf32, #tpu.memory_space<vmem>>, vector<16xf32>,
        %broadcast_in_dim3A_737 = arith.constant 0.000000e+00 : f32
        %broadcast_in_dim3A_738 = vector.broadcast %broadcast_in_dim3A_737 : f32 to vector<16xf32>
        %swap3A_739 = arith.constant 480 : index
        %swap3A_740 = tpu.vector_load %arg8[%swap3A_739] {strides = array<i32>} : memref<1024xf32, #tpu.memory_space<vmem>>, vector<16xf32>,
        %swap3A_741 = vector.shape_cast %swap3A_740 : vector<16xf32> to vector<16xf32>
        %swap3A_742 = vector.shape_cast %broadcast_in_dim3A_738 : vector<16xf32> to vector<16xf32>
        tpu.vector_store %arg8[%swap3A_739], %swap3A_742 {strides = array<i32>} : memref<1024xf32, #tpu.memory_space<vmem>>, vector<16xf32>,
        %broadcast_in_dim3A_743 = arith.constant 0.000000e+00 : f32
        %broadcast_in_dim3A_744 = vector.broadcast %broadcast_in_dim3A_743 : f32 to vector<16xf32>
        %swap3A_745 = arith.constant 496 : index
        %swap3A_746 = tpu.vector_load %arg8[%swap3A_745] {strides = array<i32>} : memref<1024xf32, #tpu.memory_space<vmem>>, vector<16xf32>,
        %swap3A_747 = vector.shape_cast %swap3A_746 : vector<16xf32> to vector<16xf32>
        %swap3A_748 = vector.shape_cast %broadcast_in_dim3A_744 : vector<16xf32> to vector<16xf32>
        tpu.vector_store %arg8[%swap3A_745], %swap3A_748 {strides = array<i32>} : memref<1024xf32, #tpu.memory_space<vmem>>, vector<16xf32>,
        %broadcast_in_dim3A_749 = arith.constant 0.000000e+00 : f32
        %broadcast_in_dim3A_750 = vector.broadcast %broadcast_in_dim3A_749 : f32 to vector<16xf32>
        %swap3A_751 = arith.constant 512 : index
        %swap3A_752 = tpu.vector_load %arg8[%swap3A_751] {strides = array<i32>} : memref<1024xf32, #tpu.memory_space<vmem>>, vector<16xf32>,
        %swap3A_753 = vector.shape_cast %swap3A_752 : vector<16xf32> to vector<16xf32>
        %swap3A_754 = vector.shape_cast %broadcast_in_dim3A_750 : vector<16xf32> to vector<16xf32>
        tpu.vector_store %arg8[%swap3A_751], %swap3A_754 {strides = array<i32>} : memref<1024xf32, #tpu.memory_space<vmem>>, vector<16xf32>,
        %broadcast_in_dim3A_755 = arith.constant 0.000000e+00 : f32
        %broadcast_in_dim3A_756 = vector.broadcast %broadcast_in_dim3A_755 : f32 to vector<16xf32>
        %swap3A_757 = arith.constant 528 : index
        %swap3A_758 = tpu.vector_load %arg8[%swap3A_757] {strides = array<i32>} : memref<1024xf32, #tpu.memory_space<vmem>>, vector<16xf32>,
        %swap3A_759 = vector.shape_cast %swap3A_758 : vector<16xf32> to vector<16xf32>
        %swap3A_760 = vector.shape_cast %broadcast_in_dim3A_756 : vector<16xf32> to vector<16xf32>
        tpu.vector_store %arg8[%swap3A_757], %swap3A_760 {strides = array<i32>} : memref<1024xf32, #tpu.memory_space<vmem>>, vector<16xf32>,
        %broadcast_in_dim3A_761 = arith.constant 0.000000e+00 : f32
        %broadcast_in_dim3A_762 = vector.broadcast %broadcast_in_dim3A_761 : f32 to vector<16xf32>
        %swap3A_763 = arith.constant 544 : index
        %swap3A_764 = tpu.vector_load %arg8[%swap3A_763] {strides = array<i32>} : memref<1024xf32, #tpu.memory_space<vmem>>, vector<16xf32>,
        %swap3A_765 = vector.shape_cast %swap3A_764 : vector<16xf32> to vector<16xf32>
        %swap3A_766 = vector.shape_cast %broadcast_in_dim3A_762 : vector<16xf32> to vector<16xf32>
        tpu.vector_store %arg8[%swap3A_763], %swap3A_766 {strides = array<i32>} : memref<1024xf32, #tpu.memory_space<vmem>>, vector<16xf32>,
        %broadcast_in_dim3A_767 = arith.constant 0.000000e+00 : f32
        %broadcast_in_dim3A_768 = vector.broadcast %broadcast_in_dim3A_767 : f32 to vector<16xf32>
        %swap3A_769 = arith.constant 560 : index
        %swap3A_770 = tpu.vector_load %arg8[%swap3A_769] {strides = array<i32>} : memref<1024xf32, #tpu.memory_space<vmem>>, vector<16xf32>,
        %swap3A_771 = vector.shape_cast %swap3A_770 : vector<16xf32> to vector<16xf32>
        %swap3A_772 = vector.shape_cast %broadcast_in_dim3A_768 : vector<16xf32> to vector<16xf32>
        tpu.vector_store %arg8[%swap3A_769], %swap3A_772 {strides = array<i32>} : memref<1024xf32, #tpu.memory_space<vmem>>, vector<16xf32>,
        %broadcast_in_dim3A_773 = arith.constant 0.000000e+00 : f32
        %broadcast_in_dim3A_774 = vector.broadcast %broadcast_in_dim3A_773 : f32 to vector<16xf32>
        %swap3A_775 = arith.constant 576 : index
        %swap3A_776 = tpu.vector_load %arg8[%swap3A_775] {strides = array<i32>} : memref<1024xf32, #tpu.memory_space<vmem>>, vector<16xf32>,
        %swap3A_777 = vector.shape_cast %swap3A_776 : vector<16xf32> to vector<16xf32>
        %swap3A_778 = vector.shape_cast %broadcast_in_dim3A_774 : vector<16xf32> to vector<16xf32>
        tpu.vector_store %arg8[%swap3A_775], %swap3A_778 {strides = array<i32>} : memref<1024xf32, #tpu.memory_space<vmem>>, vector<16xf32>,
        %broadcast_in_dim3A_779 = arith.constant 0.000000e+00 : f32
        %broadcast_in_dim3A_780 = vector.broadcast %broadcast_in_dim3A_779 : f32 to vector<16xf32>
        %swap3A_781 = arith.constant 592 : index
        %swap3A_782 = tpu.vector_load %arg8[%swap3A_781] {strides = array<i32>} : memref<1024xf32, #tpu.memory_space<vmem>>, vector<16xf32>,
        %swap3A_783 = vector.shape_cast %swap3A_782 : vector<16xf32> to vector<16xf32>
        %swap3A_784 = vector.shape_cast %broadcast_in_dim3A_780 : vector<16xf32> to vector<16xf32>
        tpu.vector_store %arg8[%swap3A_781], %swap3A_784 {strides = array<i32>} : memref<1024xf32, #tpu.memory_space<vmem>>, vector<16xf32>,
        %broadcast_in_dim3A_785 = arith.constant 0.000000e+00 : f32
        %broadcast_in_dim3A_786 = vector.broadcast %broadcast_in_dim3A_785 : f32 to vector<16xf32>
        %swap3A_787 = arith.constant 608 : index
        %swap3A_788 = tpu.vector_load %arg8[%swap3A_787] {strides = array<i32>} : memref<1024xf32, #tpu.memory_space<vmem>>, vector<16xf32>,
        %swap3A_789 = vector.shape_cast %swap3A_788 : vector<16xf32> to vector<16xf32>
        %swap3A_790 = vector.shape_cast %broadcast_in_dim3A_786 : vector<16xf32> to vector<16xf32>
        tpu.vector_store %arg8[%swap3A_787], %swap3A_790 {strides = array<i32>} : memref<1024xf32, #tpu.memory_space<vmem>>, vector<16xf32>,
        %broadcast_in_dim3A_791 = arith.constant 0.000000e+00 : f32
        %broadcast_in_dim3A_792 = vector.broadcast %broadcast_in_dim3A_791 : f32 to vector<16xf32>
        %swap3A_793 = arith.constant 624 : index
        %swap3A_794 = tpu.vector_load %arg8[%swap3A_793] {strides = array<i32>} : memref<1024xf32, #tpu.memory_space<vmem>>, vector<16xf32>,
        %swap3A_795 = vector.shape_cast %swap3A_794 : vector<16xf32> to vector<16xf32>
        %swap3A_796 = vector.shape_cast %broadcast_in_dim3A_792 : vector<16xf32> to vector<16xf32>
        tpu.vector_store %arg8[%swap3A_793], %swap3A_796 {strides = array<i32>} : memref<1024xf32, #tpu.memory_space<vmem>>, vector<16xf32>,
        %broadcast_in_dim3A_797 = arith.constant 0.000000e+00 : f32
        %broadcast_in_dim3A_798 = vector.broadcast %broadcast_in_dim3A_797 : f32 to vector<16xf32>
        %swap3A_799 = arith.constant 640 : index
        %swap3A_800 = tpu.vector_load %arg8[%swap3A_799] {strides = array<i32>} : memref<1024xf32, #tpu.memory_space<vmem>>, vector<16xf32>,
        %swap3A_801 = vector.shape_cast %swap3A_800 : vector<16xf32> to vector<16xf32>
        %swap3A_802 = vector.shape_cast %broadcast_in_dim3A_798 : vector<16xf32> to vector<16xf32>
        tpu.vector_store %arg8[%swap3A_799], %swap3A_802 {strides = array<i32>} : memref<1024xf32, #tpu.memory_space<vmem>>, vector<16xf32>,
        %broadcast_in_dim3A_803 = arith.constant 0.000000e+00 : f32
        %broadcast_in_dim3A_804 = vector.broadcast %broadcast_in_dim3A_803 : f32 to vector<16xf32>
        %swap3A_805 = arith.constant 656 : index
        %swap3A_806 = tpu.vector_load %arg8[%swap3A_805] {strides = array<i32>} : memref<1024xf32, #tpu.memory_space<vmem>>, vector<16xf32>,
        %swap3A_807 = vector.shape_cast %swap3A_806 : vector<16xf32> to vector<16xf32>
        %swap3A_808 = vector.shape_cast %broadcast_in_dim3A_804 : vector<16xf32> to vector<16xf32>
        tpu.vector_store %arg8[%swap3A_805], %swap3A_808 {strides = array<i32>} : memref<1024xf32, #tpu.memory_space<vmem>>, vector<16xf32>,
        %broadcast_in_dim3A_809 = arith.constant 0.000000e+00 : f32
        %broadcast_in_dim3A_810 = vector.broadcast %broadcast_in_dim3A_809 : f32 to vector<16xf32>
        %swap3A_811 = arith.constant 672 : index
        %swap3A_812 = tpu.vector_load %arg8[%swap3A_811] {strides = array<i32>} : memref<1024xf32, #tpu.memory_space<vmem>>, vector<16xf32>,
        %swap3A_813 = vector.shape_cast %swap3A_812 : vector<16xf32> to vector<16xf32>
        %swap3A_814 = vector.shape_cast %broadcast_in_dim3A_810 : vector<16xf32> to vector<16xf32>
        tpu.vector_store %arg8[%swap3A_811], %swap3A_814 {strides = array<i32>} : memref<1024xf32, #tpu.memory_space<vmem>>, vector<16xf32>,
        %broadcast_in_dim3A_815 = arith.constant 0.000000e+00 : f32
        %broadcast_in_dim3A_816 = vector.broadcast %broadcast_in_dim3A_815 : f32 to vector<16xf32>
        %swap3A_817 = arith.constant 688 : index
        %swap3A_818 = tpu.vector_load %arg8[%swap3A_817] {strides = array<i32>} : memref<1024xf32, #tpu.memory_space<vmem>>, vector<16xf32>,
        %swap3A_819 = vector.shape_cast %swap3A_818 : vector<16xf32> to vector<16xf32>
        %swap3A_820 = vector.shape_cast %broadcast_in_dim3A_816 : vector<16xf32> to vector<16xf32>
        tpu.vector_store %arg8[%swap3A_817], %swap3A_820 {strides = array<i32>} : memref<1024xf32, #tpu.memory_space<vmem>>, vector<16xf32>,
        %broadcast_in_dim3A_821 = arith.constant 0.000000e+00 : f32
        %broadcast_in_dim3A_822 = vector.broadcast %broadcast_in_dim3A_821 : f32 to vector<16xf32>
        %swap3A_823 = arith.constant 704 : index
        %swap3A_824 = tpu.vector_load %arg8[%swap3A_823] {strides = array<i32>} : memref<1024xf32, #tpu.memory_space<vmem>>, vector<16xf32>,
        %swap3A_825 = vector.shape_cast %swap3A_824 : vector<16xf32> to vector<16xf32>
        %swap3A_826 = vector.shape_cast %broadcast_in_dim3A_822 : vector<16xf32> to vector<16xf32>
        tpu.vector_store %arg8[%swap3A_823], %swap3A_826 {strides = array<i32>} : memref<1024xf32, #tpu.memory_space<vmem>>, vector<16xf32>,
        %broadcast_in_dim3A_827 = arith.constant 0.000000e+00 : f32
        %broadcast_in_dim3A_828 = vector.broadcast %broadcast_in_dim3A_827 : f32 to vector<16xf32>
        %swap3A_829 = arith.constant 720 : index
        %swap3A_830 = tpu.vector_load %arg8[%swap3A_829] {strides = array<i32>} : memref<1024xf32, #tpu.memory_space<vmem>>, vector<16xf32>,
        %swap3A_831 = vector.shape_cast %swap3A_830 : vector<16xf32> to vector<16xf32>
        %swap3A_832 = vector.shape_cast %broadcast_in_dim3A_828 : vector<16xf32> to vector<16xf32>
        tpu.vector_store %arg8[%swap3A_829], %swap3A_832 {strides = array<i32>} : memref<1024xf32, #tpu.memory_space<vmem>>, vector<16xf32>,
        %broadcast_in_dim3A_833 = arith.constant 0.000000e+00 : f32
        %broadcast_in_dim3A_834 = vector.broadcast %broadcast_in_dim3A_833 : f32 to vector<16xf32>
        %swap3A_835 = arith.constant 736 : index
        %swap3A_836 = tpu.vector_load %arg8[%swap3A_835] {strides = array<i32>} : memref<1024xf32, #tpu.memory_space<vmem>>, vector<16xf32>,
        %swap3A_837 = vector.shape_cast %swap3A_836 : vector<16xf32> to vector<16xf32>
        %swap3A_838 = vector.shape_cast %broadcast_in_dim3A_834 : vector<16xf32> to vector<16xf32>
        tpu.vector_store %arg8[%swap3A_835], %swap3A_838 {strides = array<i32>} : memref<1024xf32, #tpu.memory_space<vmem>>, vector<16xf32>,
        %broadcast_in_dim3A_839 = arith.constant 0.000000e+00 : f32
        %broadcast_in_dim3A_840 = vector.broadcast %broadcast_in_dim3A_839 : f32 to vector<16xf32>
        %swap3A_841 = arith.constant 752 : index
        %swap3A_842 = tpu.vector_load %arg8[%swap3A_841] {strides = array<i32>} : memref<1024xf32, #tpu.memory_space<vmem>>, vector<16xf32>,
        %swap3A_843 = vector.shape_cast %swap3A_842 : vector<16xf32> to vector<16xf32>
        %swap3A_844 = vector.shape_cast %broadcast_in_dim3A_840 : vector<16xf32> to vector<16xf32>
        tpu.vector_store %arg8[%swap3A_841], %swap3A_844 {strides = array<i32>} : memref<1024xf32, #tpu.memory_space<vmem>>, vector<16xf32>,
        %broadcast_in_dim3A_845 = arith.constant 0.000000e+00 : f32
        %broadcast_in_dim3A_846 = vector.broadcast %broadcast_in_dim3A_845 : f32 to vector<16xf32>
        %swap3A_847 = arith.constant 768 : index
        %swap3A_848 = tpu.vector_load %arg8[%swap3A_847] {strides = array<i32>} : memref<1024xf32, #tpu.memory_space<vmem>>, vector<16xf32>,
        %swap3A_849 = vector.shape_cast %swap3A_848 : vector<16xf32> to vector<16xf32>
        %swap3A_850 = vector.shape_cast %broadcast_in_dim3A_846 : vector<16xf32> to vector<16xf32>
        tpu.vector_store %arg8[%swap3A_847], %swap3A_850 {strides = array<i32>} : memref<1024xf32, #tpu.memory_space<vmem>>, vector<16xf32>,
        %broadcast_in_dim3A_851 = arith.constant 0.000000e+00 : f32
        %broadcast_in_dim3A_852 = vector.broadcast %broadcast_in_dim3A_851 : f32 to vector<16xf32>
        %swap3A_853 = arith.constant 784 : index
        %swap3A_854 = tpu.vector_load %arg8[%swap3A_853] {strides = array<i32>} : memref<1024xf32, #tpu.memory_space<vmem>>, vector<16xf32>,
        %swap3A_855 = vector.shape_cast %swap3A_854 : vector<16xf32> to vector<16xf32>
        %swap3A_856 = vector.shape_cast %broadcast_in_dim3A_852 : vector<16xf32> to vector<16xf32>
        tpu.vector_store %arg8[%swap3A_853], %swap3A_856 {strides = array<i32>} : memref<1024xf32, #tpu.memory_space<vmem>>, vector<16xf32>,
        %broadcast_in_dim3A_857 = arith.constant 0.000000e+00 : f32
        %broadcast_in_dim3A_858 = vector.broadcast %broadcast_in_dim3A_857 : f32 to vector<16xf32>
        %swap3A_859 = arith.constant 800 : index
        %swap3A_860 = tpu.vector_load %arg8[%swap3A_859] {strides = array<i32>} : memref<1024xf32, #tpu.memory_space<vmem>>, vector<16xf32>,
        %swap3A_861 = vector.shape_cast %swap3A_860 : vector<16xf32> to vector<16xf32>
        %swap3A_862 = vector.shape_cast %broadcast_in_dim3A_858 : vector<16xf32> to vector<16xf32>
        tpu.vector_store %arg8[%swap3A_859], %swap3A_862 {strides = array<i32>} : memref<1024xf32, #tpu.memory_space<vmem>>, vector<16xf32>,
        %broadcast_in_dim3A_863 = arith.constant 0.000000e+00 : f32
        %broadcast_in_dim3A_864 = vector.broadcast %broadcast_in_dim3A_863 : f32 to vector<16xf32>
        %swap3A_865 = arith.constant 816 : index
        %swap3A_866 = tpu.vector_load %arg8[%swap3A_865] {strides = array<i32>} : memref<1024xf32, #tpu.memory_space<vmem>>, vector<16xf32>,
        %swap3A_867 = vector.shape_cast %swap3A_866 : vector<16xf32> to vector<16xf32>
        %swap3A_868 = vector.shape_cast %broadcast_in_dim3A_864 : vector<16xf32> to vector<16xf32>
        tpu.vector_store %arg8[%swap3A_865], %swap3A_868 {strides = array<i32>} : memref<1024xf32, #tpu.memory_space<vmem>>, vector<16xf32>,
        %broadcast_in_dim3A_869 = arith.constant 0.000000e+00 : f32
        %broadcast_in_dim3A_870 = vector.broadcast %broadcast_in_dim3A_869 : f32 to vector<16xf32>
        %swap3A_871 = arith.constant 832 : index
        %swap3A_872 = tpu.vector_load %arg8[%swap3A_871] {strides = array<i32>} : memref<1024xf32, #tpu.memory_space<vmem>>, vector<16xf32>,
        %swap3A_873 = vector.shape_cast %swap3A_872 : vector<16xf32> to vector<16xf32>
        %swap3A_874 = vector.shape_cast %broadcast_in_dim3A_870 : vector<16xf32> to vector<16xf32>
        tpu.vector_store %arg8[%swap3A_871], %swap3A_874 {strides = array<i32>} : memref<1024xf32, #tpu.memory_space<vmem>>, vector<16xf32>,
        %broadcast_in_dim3A_875 = arith.constant 0.000000e+00 : f32
        %broadcast_in_dim3A_876 = vector.broadcast %broadcast_in_dim3A_875 : f32 to vector<16xf32>
        %swap3A_877 = arith.constant 848 : index
        %swap3A_878 = tpu.vector_load %arg8[%swap3A_877] {strides = array<i32>} : memref<1024xf32, #tpu.memory_space<vmem>>, vector<16xf32>,
        %swap3A_879 = vector.shape_cast %swap3A_878 : vector<16xf32> to vector<16xf32>
        %swap3A_880 = vector.shape_cast %broadcast_in_dim3A_876 : vector<16xf32> to vector<16xf32>
        tpu.vector_store %arg8[%swap3A_877], %swap3A_880 {strides = array<i32>} : memref<1024xf32, #tpu.memory_space<vmem>>, vector<16xf32>,
        %broadcast_in_dim3A_881 = arith.constant 0.000000e+00 : f32
        %broadcast_in_dim3A_882 = vector.broadcast %broadcast_in_dim3A_881 : f32 to vector<16xf32>
        %swap3A_883 = arith.constant 864 : index
        %swap3A_884 = tpu.vector_load %arg8[%swap3A_883] {strides = array<i32>} : memref<1024xf32, #tpu.memory_space<vmem>>, vector<16xf32>,
        %swap3A_885 = vector.shape_cast %swap3A_884 : vector<16xf32> to vector<16xf32>
        %swap3A_886 = vector.shape_cast %broadcast_in_dim3A_882 : vector<16xf32> to vector<16xf32>
        tpu.vector_store %arg8[%swap3A_883], %swap3A_886 {strides = array<i32>} : memref<1024xf32, #tpu.memory_space<vmem>>, vector<16xf32>,
        %broadcast_in_dim3A_887 = arith.constant 0.000000e+00 : f32
        %broadcast_in_dim3A_888 = vector.broadcast %broadcast_in_dim3A_887 : f32 to vector<16xf32>
        %swap3A_889 = arith.constant 880 : index
        %swap3A_890 = tpu.vector_load %arg8[%swap3A_889] {strides = array<i32>} : memref<1024xf32, #tpu.memory_space<vmem>>, vector<16xf32>,
        %swap3A_891 = vector.shape_cast %swap3A_890 : vector<16xf32> to vector<16xf32>
        %swap3A_892 = vector.shape_cast %broadcast_in_dim3A_888 : vector<16xf32> to vector<16xf32>
        tpu.vector_store %arg8[%swap3A_889], %swap3A_892 {strides = array<i32>} : memref<1024xf32, #tpu.memory_space<vmem>>, vector<16xf32>,
        %broadcast_in_dim3A_893 = arith.constant 0.000000e+00 : f32
        %broadcast_in_dim3A_894 = vector.broadcast %broadcast_in_dim3A_893 : f32 to vector<16xf32>
        %swap3A_895 = arith.constant 896 : index
        %swap3A_896 = tpu.vector_load %arg8[%swap3A_895] {strides = array<i32>} : memref<1024xf32, #tpu.memory_space<vmem>>, vector<16xf32>,
        %swap3A_897 = vector.shape_cast %swap3A_896 : vector<16xf32> to vector<16xf32>
        %swap3A_898 = vector.shape_cast %broadcast_in_dim3A_894 : vector<16xf32> to vector<16xf32>
        tpu.vector_store %arg8[%swap3A_895], %swap3A_898 {strides = array<i32>} : memref<1024xf32, #tpu.memory_space<vmem>>, vector<16xf32>,
        %broadcast_in_dim3A_899 = arith.constant 0.000000e+00 : f32
        %broadcast_in_dim3A_900 = vector.broadcast %broadcast_in_dim3A_899 : f32 to vector<16xf32>
        %swap3A_901 = arith.constant 912 : index
        %swap3A_902 = tpu.vector_load %arg8[%swap3A_901] {strides = array<i32>} : memref<1024xf32, #tpu.memory_space<vmem>>, vector<16xf32>,
        %swap3A_903 = vector.shape_cast %swap3A_902 : vector<16xf32> to vector<16xf32>
        %swap3A_904 = vector.shape_cast %broadcast_in_dim3A_900 : vector<16xf32> to vector<16xf32>
        tpu.vector_store %arg8[%swap3A_901], %swap3A_904 {strides = array<i32>} : memref<1024xf32, #tpu.memory_space<vmem>>, vector<16xf32>,
        %broadcast_in_dim3A_905 = arith.constant 0.000000e+00 : f32
        %broadcast_in_dim3A_906 = vector.broadcast %broadcast_in_dim3A_905 : f32 to vector<16xf32>
        %swap3A_907 = arith.constant 928 : index
        %swap3A_908 = tpu.vector_load %arg8[%swap3A_907] {strides = array<i32>} : memref<1024xf32, #tpu.memory_space<vmem>>, vector<16xf32>,
        %swap3A_909 = vector.shape_cast %swap3A_908 : vector<16xf32> to vector<16xf32>
        %swap3A_910 = vector.shape_cast %broadcast_in_dim3A_906 : vector<16xf32> to vector<16xf32>
        tpu.vector_store %arg8[%swap3A_907], %swap3A_910 {strides = array<i32>} : memref<1024xf32, #tpu.memory_space<vmem>>, vector<16xf32>,
        %broadcast_in_dim3A_911 = arith.constant 0.000000e+00 : f32
        %broadcast_in_dim3A_912 = vector.broadcast %broadcast_in_dim3A_911 : f32 to vector<16xf32>
        %swap3A_913 = arith.constant 944 : index
        %swap3A_914 = tpu.vector_load %arg8[%swap3A_913] {strides = array<i32>} : memref<1024xf32, #tpu.memory_space<vmem>>, vector<16xf32>,
        %swap3A_915 = vector.shape_cast %swap3A_914 : vector<16xf32> to vector<16xf32>
        %swap3A_916 = vector.shape_cast %broadcast_in_dim3A_912 : vector<16xf32> to vector<16xf32>
        tpu.vector_store %arg8[%swap3A_913], %swap3A_916 {strides = array<i32>} : memref<1024xf32, #tpu.memory_space<vmem>>, vector<16xf32>,
        %broadcast_in_dim3A_917 = arith.constant 0.000000e+00 : f32
        %broadcast_in_dim3A_918 = vector.broadcast %broadcast_in_dim3A_917 : f32 to vector<16xf32>
        %swap3A_919 = arith.constant 960 : index
        %swap3A_920 = tpu.vector_load %arg8[%swap3A_919] {strides = array<i32>} : memref<1024xf32, #tpu.memory_space<vmem>>, vector<16xf32>,
        %swap3A_921 = vector.shape_cast %swap3A_920 : vector<16xf32> to vector<16xf32>
        %swap3A_922 = vector.shape_cast %broadcast_in_dim3A_918 : vector<16xf32> to vector<16xf32>
        tpu.vector_store %arg8[%swap3A_919], %swap3A_922 {strides = array<i32>} : memref<1024xf32, #tpu.memory_space<vmem>>, vector<16xf32>,
        %broadcast_in_dim3A_923 = arith.constant 0.000000e+00 : f32
        %broadcast_in_dim3A_924 = vector.broadcast %broadcast_in_dim3A_923 : f32 to vector<16xf32>
        %swap3A_925 = arith.constant 976 : index
        %swap3A_926 = tpu.vector_load %arg8[%swap3A_925] {strides = array<i32>} : memref<1024xf32, #tpu.memory_space<vmem>>, vector<16xf32>,
        %swap3A_927 = vector.shape_cast %swap3A_926 : vector<16xf32> to vector<16xf32>
        %swap3A_928 = vector.shape_cast %broadcast_in_dim3A_924 : vector<16xf32> to vector<16xf32>
        tpu.vector_store %arg8[%swap3A_925], %swap3A_928 {strides = array<i32>} : memref<1024xf32, #tpu.memory_space<vmem>>, vector<16xf32>,
        %broadcast_in_dim3A_929 = arith.constant 0.000000e+00 : f32
        %broadcast_in_dim3A_930 = vector.broadcast %broadcast_in_dim3A_929 : f32 to vector<16xf32>
        %swap3A_931 = arith.constant 992 : index
        %swap3A_932 = tpu.vector_load %arg8[%swap3A_931] {strides = array<i32>} : memref<1024xf32, #tpu.memory_space<vmem>>, vector<16xf32>,
        %swap3A_933 = vector.shape_cast %swap3A_932 : vector<16xf32> to vector<16xf32>
        %swap3A_934 = vector.shape_cast %broadcast_in_dim3A_930 : vector<16xf32> to vector<16xf32>
        tpu.vector_store %arg8[%swap3A_931], %swap3A_934 {strides = array<i32>} : memref<1024xf32, #tpu.memory_space<vmem>>, vector<16xf32>,
        %broadcast_in_dim3A_935 = arith.constant 0.000000e+00 : f32
        %broadcast_in_dim3A_936 = vector.broadcast %broadcast_in_dim3A_935 : f32 to vector<16xf32>
        %swap3A_937 = arith.constant 1008 : index
        %swap3A_938 = tpu.vector_load %arg8[%swap3A_937] {strides = array<i32>} : memref<1024xf32, #tpu.memory_space<vmem>>, vector<16xf32>,
        %swap3A_939 = vector.shape_cast %swap3A_938 : vector<16xf32> to vector<16xf32>
        %swap3A_940 = vector.shape_cast %broadcast_in_dim3A_936 : vector<16xf32> to vector<16xf32>
        tpu.vector_store %arg8[%swap3A_937], %swap3A_940 {strides = array<i32>} : memref<1024xf32, #tpu.memory_space<vmem>>, vector<16xf32>,
        "tpu.region"() ({
          %run_scoped3A_941 = tpu.sem_alloc : memref<!tpu.dma_semaphore, #tpu.memory_space<semaphore_mem>>
          tpu.enqueue_dma source(%arg8 : memref<1024xf32, #tpu.memory_space<vmem>>) target(%arg13 : memref<1024xf32, #tpu.memory_space<vmem_shared>>) target_semaphore(%run_scoped3A_941 : memref<!tpu.dma_semaphore, #tpu.memory_space<semaphore_mem>>)
          tpu.wait_dma2 semaphore(%run_scoped3A_941 : memref<!tpu.dma_semaphore, #tpu.memory_space<semaphore_mem>>) src(%arg8 : memref<1024xf32, #tpu.memory_space<vmem>>) dst(%arg13 : memref<1024xf32, #tpu.memory_space<vmem_shared>>)
          tpu.yield
        }) : () -> ()
        "tpu.region"() ({
          %run_scoped3A_941 = tpu.sem_alloc : memref<!tpu.dma_semaphore, #tpu.memory_space<semaphore_mem>>
          tpu.enqueue_dma source(%arg8 : memref<1024xf32, #tpu.memory_space<vmem>>) target(%arg14 : memref<1024xf32, #tpu.memory_space<vmem_shared>>) target_semaphore(%run_scoped3A_941 : memref<!tpu.dma_semaphore, #tpu.memory_space<semaphore_mem>>)
          tpu.wait_dma2 semaphore(%run_scoped3A_941 : memref<!tpu.dma_semaphore, #tpu.memory_space<semaphore_mem>>) src(%arg8 : memref<1024xf32, #tpu.memory_space<vmem>>) dst(%arg14 : memref<1024xf32, #tpu.memory_space<vmem_shared>>)
          tpu.yield
        }) : () -> ()
      } else {
      }
      %broadcast_in_dim3A = arith.constant 1.000000e+00 : f32
      %broadcast_in_dim3A_7 = vector.broadcast %broadcast_in_dim3A : f32 to vector<16xf32>
      %swap3A = arith.constant 0 : i32
      %swap3A_8 = arith.index_cast %swap3A : i32 to index
      %swap3A_9 = arith.constant 0 : index
      %swap3A_10 = tpu.vector_load %arg7[%swap3A_8, %swap3A_9] {strides = array<i32>} : memref<8x128xf32, #tpu.memory_space<vmem>>, vector<1x16xf32>,
      %swap3A_11 = vector.shape_cast %swap3A_10 : vector<1x16xf32> to vector<16xf32>
      %swap3A_12 = vector.shape_cast %broadcast_in_dim3A_7 : vector<16xf32> to vector<1x16xf32>
      tpu.vector_store %arg7[%swap3A_8, %swap3A_9], %swap3A_12 {strides = array<i32>} : memref<8x128xf32, #tpu.memory_space<vmem>>, vector<1x16xf32>,
      %broadcast_in_dim3A_13 = arith.constant 1.000000e+00 : f32
      %broadcast_in_dim3A_14 = vector.broadcast %broadcast_in_dim3A_13 : f32 to vector<16xf32>
      %swap3A_15 = arith.constant 0 : i32
      %swap3A_16 = arith.index_cast %swap3A_15 : i32 to index
      %swap3A_17 = arith.constant 16 : index
      %swap3A_18 = tpu.vector_load %arg7[%swap3A_16, %swap3A_17] {strides = array<i32>} : memref<8x128xf32, #tpu.memory_space<vmem>>, vector<1x16xf32>,
      %swap3A_19 = vector.shape_cast %swap3A_18 : vector<1x16xf32> to vector<16xf32>
      %swap3A_20 = vector.shape_cast %broadcast_in_dim3A_14 : vector<16xf32> to vector<1x16xf32>
      tpu.vector_store %arg7[%swap3A_16, %swap3A_17], %swap3A_20 {strides = array<i32>} : memref<8x128xf32, #tpu.memory_space<vmem>>, vector<1x16xf32>,
      %broadcast_in_dim3A_21 = arith.constant 1.000000e+00 : f32
      %broadcast_in_dim3A_22 = vector.broadcast %broadcast_in_dim3A_21 : f32 to vector<16xf32>
      %swap3A_23 = arith.constant 0 : i32
      %swap3A_24 = arith.index_cast %swap3A_23 : i32 to index
      %swap3A_25 = arith.constant 32 : index
      %swap3A_26 = tpu.vector_load %arg7[%swap3A_24, %swap3A_25] {strides = array<i32>} : memref<8x128xf32, #tpu.memory_space<vmem>>, vector<1x16xf32>,
      %swap3A_27 = vector.shape_cast %swap3A_26 : vector<1x16xf32> to vector<16xf32>
      %swap3A_28 = vector.shape_cast %broadcast_in_dim3A_22 : vector<16xf32> to vector<1x16xf32>
      tpu.vector_store %arg7[%swap3A_24, %swap3A_25], %swap3A_28 {strides = array<i32>} : memref<8x128xf32, #tpu.memory_space<vmem>>, vector<1x16xf32>,
      %broadcast_in_dim3A_29 = arith.constant 1.000000e+00 : f32
      %broadcast_in_dim3A_30 = vector.broadcast %broadcast_in_dim3A_29 : f32 to vector<16xf32>
      %swap3A_31 = arith.constant 0 : i32
      %swap3A_32 = arith.index_cast %swap3A_31 : i32 to index
      %swap3A_33 = arith.constant 48 : index
      %swap3A_34 = tpu.vector_load %arg7[%swap3A_32, %swap3A_33] {strides = array<i32>} : memref<8x128xf32, #tpu.memory_space<vmem>>, vector<1x16xf32>,
      %swap3A_35 = vector.shape_cast %swap3A_34 : vector<1x16xf32> to vector<16xf32>
      %swap3A_36 = vector.shape_cast %broadcast_in_dim3A_30 : vector<16xf32> to vector<1x16xf32>
      tpu.vector_store %arg7[%swap3A_32, %swap3A_33], %swap3A_36 {strides = array<i32>} : memref<8x128xf32, #tpu.memory_space<vmem>>, vector<1x16xf32>,
      %broadcast_in_dim3A_37 = arith.constant 1.000000e+00 : f32
      %broadcast_in_dim3A_38 = vector.broadcast %broadcast_in_dim3A_37 : f32 to vector<16xf32>
      %swap3A_39 = arith.constant 0 : i32
      %swap3A_40 = arith.index_cast %swap3A_39 : i32 to index
      %swap3A_41 = arith.constant 64 : index
      %swap3A_42 = tpu.vector_load %arg7[%swap3A_40, %swap3A_41] {strides = array<i32>} : memref<8x128xf32, #tpu.memory_space<vmem>>, vector<1x16xf32>,
      %swap3A_43 = vector.shape_cast %swap3A_42 : vector<1x16xf32> to vector<16xf32>
      %swap3A_44 = vector.shape_cast %broadcast_in_dim3A_38 : vector<16xf32> to vector<1x16xf32>
      tpu.vector_store %arg7[%swap3A_40, %swap3A_41], %swap3A_44 {strides = array<i32>} : memref<8x128xf32, #tpu.memory_space<vmem>>, vector<1x16xf32>,
      %broadcast_in_dim3A_45 = arith.constant 1.000000e+00 : f32
      %broadcast_in_dim3A_46 = vector.broadcast %broadcast_in_dim3A_45 : f32 to vector<16xf32>
      %swap3A_47 = arith.constant 0 : i32
      %swap3A_48 = arith.index_cast %swap3A_47 : i32 to index
      %swap3A_49 = arith.constant 80 : index
      %swap3A_50 = tpu.vector_load %arg7[%swap3A_48, %swap3A_49] {strides = array<i32>} : memref<8x128xf32, #tpu.memory_space<vmem>>, vector<1x16xf32>,
      %swap3A_51 = vector.shape_cast %swap3A_50 : vector<1x16xf32> to vector<16xf32>
      %swap3A_52 = vector.shape_cast %broadcast_in_dim3A_46 : vector<16xf32> to vector<1x16xf32>
      tpu.vector_store %arg7[%swap3A_48, %swap3A_49], %swap3A_52 {strides = array<i32>} : memref<8x128xf32, #tpu.memory_space<vmem>>, vector<1x16xf32>,
      %broadcast_in_dim3A_53 = arith.constant 1.000000e+00 : f32
      %broadcast_in_dim3A_54 = vector.broadcast %broadcast_in_dim3A_53 : f32 to vector<16xf32>
      %swap3A_55 = arith.constant 0 : i32
      %swap3A_56 = arith.index_cast %swap3A_55 : i32 to index
      %swap3A_57 = arith.constant 96 : index
      %swap3A_58 = tpu.vector_load %arg7[%swap3A_56, %swap3A_57] {strides = array<i32>} : memref<8x128xf32, #tpu.memory_space<vmem>>, vector<1x16xf32>,
      %swap3A_59 = vector.shape_cast %swap3A_58 : vector<1x16xf32> to vector<16xf32>
      %swap3A_60 = vector.shape_cast %broadcast_in_dim3A_54 : vector<16xf32> to vector<1x16xf32>
      tpu.vector_store %arg7[%swap3A_56, %swap3A_57], %swap3A_60 {strides = array<i32>} : memref<8x128xf32, #tpu.memory_space<vmem>>, vector<1x16xf32>,
      %broadcast_in_dim3A_61 = arith.constant 1.000000e+00 : f32
      %broadcast_in_dim3A_62 = vector.broadcast %broadcast_in_dim3A_61 : f32 to vector<16xf32>
      %swap3A_63 = arith.constant 0 : i32
      %swap3A_64 = arith.index_cast %swap3A_63 : i32 to index
      %swap3A_65 = arith.constant 112 : index
      %swap3A_66 = tpu.vector_load %arg7[%swap3A_64, %swap3A_65] {strides = array<i32>} : memref<8x128xf32, #tpu.memory_space<vmem>>, vector<1x16xf32>,
      %swap3A_67 = vector.shape_cast %swap3A_66 : vector<1x16xf32> to vector<16xf32>
      %swap3A_68 = vector.shape_cast %broadcast_in_dim3A_62 : vector<16xf32> to vector<1x16xf32>
      tpu.vector_store %arg7[%swap3A_64, %swap3A_65], %swap3A_68 {strides = array<i32>} : memref<8x128xf32, #tpu.memory_space<vmem>>, vector<1x16xf32>,
      %broadcast_in_dim3A_69 = arith.constant 1.000000e+00 : f32
      %broadcast_in_dim3A_70 = vector.broadcast %broadcast_in_dim3A_69 : f32 to vector<16xf32>
      %swap3A_71 = arith.constant 1 : i32
      %swap3A_72 = arith.index_cast %swap3A_71 : i32 to index
      %swap3A_73 = arith.constant 0 : index
      %swap3A_74 = tpu.vector_load %arg7[%swap3A_72, %swap3A_73] {strides = array<i32>} : memref<8x128xf32, #tpu.memory_space<vmem>>, vector<1x16xf32>,
      %swap3A_75 = vector.shape_cast %swap3A_74 : vector<1x16xf32> to vector<16xf32>
      %swap3A_76 = vector.shape_cast %broadcast_in_dim3A_70 : vector<16xf32> to vector<1x16xf32>
      tpu.vector_store %arg7[%swap3A_72, %swap3A_73], %swap3A_76 {strides = array<i32>} : memref<8x128xf32, #tpu.memory_space<vmem>>, vector<1x16xf32>,
      %broadcast_in_dim3A_77 = arith.constant 1.000000e+00 : f32
      %broadcast_in_dim3A_78 = vector.broadcast %broadcast_in_dim3A_77 : f32 to vector<16xf32>
      %swap3A_79 = arith.constant 1 : i32
      %swap3A_80 = arith.index_cast %swap3A_79 : i32 to index
      %swap3A_81 = arith.constant 16 : index
      %swap3A_82 = tpu.vector_load %arg7[%swap3A_80, %swap3A_81] {strides = array<i32>} : memref<8x128xf32, #tpu.memory_space<vmem>>, vector<1x16xf32>,
      %swap3A_83 = vector.shape_cast %swap3A_82 : vector<1x16xf32> to vector<16xf32>
      %swap3A_84 = vector.shape_cast %broadcast_in_dim3A_78 : vector<16xf32> to vector<1x16xf32>
      tpu.vector_store %arg7[%swap3A_80, %swap3A_81], %swap3A_84 {strides = array<i32>} : memref<8x128xf32, #tpu.memory_space<vmem>>, vector<1x16xf32>,
      %broadcast_in_dim3A_85 = arith.constant 1.000000e+00 : f32
      %broadcast_in_dim3A_86 = vector.broadcast %broadcast_in_dim3A_85 : f32 to vector<16xf32>
      %swap3A_87 = arith.constant 1 : i32
      %swap3A_88 = arith.index_cast %swap3A_87 : i32 to index
      %swap3A_89 = arith.constant 32 : index
      %swap3A_90 = tpu.vector_load %arg7[%swap3A_88, %swap3A_89] {strides = array<i32>} : memref<8x128xf32, #tpu.memory_space<vmem>>, vector<1x16xf32>,
      %swap3A_91 = vector.shape_cast %swap3A_90 : vector<1x16xf32> to vector<16xf32>
      %swap3A_92 = vector.shape_cast %broadcast_in_dim3A_86 : vector<16xf32> to vector<1x16xf32>
      tpu.vector_store %arg7[%swap3A_88, %swap3A_89], %swap3A_92 {strides = array<i32>} : memref<8x128xf32, #tpu.memory_space<vmem>>, vector<1x16xf32>,
      %broadcast_in_dim3A_93 = arith.constant 1.000000e+00 : f32
      %broadcast_in_dim3A_94 = vector.broadcast %broadcast_in_dim3A_93 : f32 to vector<16xf32>
      %swap3A_95 = arith.constant 1 : i32
      %swap3A_96 = arith.index_cast %swap3A_95 : i32 to index
      %swap3A_97 = arith.constant 48 : index
      %swap3A_98 = tpu.vector_load %arg7[%swap3A_96, %swap3A_97] {strides = array<i32>} : memref<8x128xf32, #tpu.memory_space<vmem>>, vector<1x16xf32>,
      %swap3A_99 = vector.shape_cast %swap3A_98 : vector<1x16xf32> to vector<16xf32>
      %swap3A_100 = vector.shape_cast %broadcast_in_dim3A_94 : vector<16xf32> to vector<1x16xf32>
      tpu.vector_store %arg7[%swap3A_96, %swap3A_97], %swap3A_100 {strides = array<i32>} : memref<8x128xf32, #tpu.memory_space<vmem>>, vector<1x16xf32>,
      %broadcast_in_dim3A_101 = arith.constant 1.000000e+00 : f32
      %broadcast_in_dim3A_102 = vector.broadcast %broadcast_in_dim3A_101 : f32 to vector<16xf32>
      %swap3A_103 = arith.constant 1 : i32
      %swap3A_104 = arith.index_cast %swap3A_103 : i32 to index
      %swap3A_105 = arith.constant 64 : index
      %swap3A_106 = tpu.vector_load %arg7[%swap3A_104, %swap3A_105] {strides = array<i32>} : memref<8x128xf32, #tpu.memory_space<vmem>>, vector<1x16xf32>,
      %swap3A_107 = vector.shape_cast %swap3A_106 : vector<1x16xf32> to vector<16xf32>
      %swap3A_108 = vector.shape_cast %broadcast_in_dim3A_102 : vector<16xf32> to vector<1x16xf32>
      tpu.vector_store %arg7[%swap3A_104, %swap3A_105], %swap3A_108 {strides = array<i32>} : memref<8x128xf32, #tpu.memory_space<vmem>>, vector<1x16xf32>,
      %broadcast_in_dim3A_109 = arith.constant 1.000000e+00 : f32
      %broadcast_in_dim3A_110 = vector.broadcast %broadcast_in_dim3A_109 : f32 to vector<16xf32>
      %swap3A_111 = arith.constant 1 : i32
      %swap3A_112 = arith.index_cast %swap3A_111 : i32 to index
      %swap3A_113 = arith.constant 80 : index
      %swap3A_114 = tpu.vector_load %arg7[%swap3A_112, %swap3A_113] {strides = array<i32>} : memref<8x128xf32, #tpu.memory_space<vmem>>, vector<1x16xf32>,
      %swap3A_115 = vector.shape_cast %swap3A_114 : vector<1x16xf32> to vector<16xf32>
      %swap3A_116 = vector.shape_cast %broadcast_in_dim3A_110 : vector<16xf32> to vector<1x16xf32>
      tpu.vector_store %arg7[%swap3A_112, %swap3A_113], %swap3A_116 {strides = array<i32>} : memref<8x128xf32, #tpu.memory_space<vmem>>, vector<1x16xf32>,
      %broadcast_in_dim3A_117 = arith.constant 1.000000e+00 : f32
      %broadcast_in_dim3A_118 = vector.broadcast %broadcast_in_dim3A_117 : f32 to vector<16xf32>
      %swap3A_119 = arith.constant 1 : i32
      %swap3A_120 = arith.index_cast %swap3A_119 : i32 to index
      %swap3A_121 = arith.constant 96 : index
      %swap3A_122 = tpu.vector_load %arg7[%swap3A_120, %swap3A_121] {strides = array<i32>} : memref<8x128xf32, #tpu.memory_space<vmem>>, vector<1x16xf32>,
      %swap3A_123 = vector.shape_cast %swap3A_122 : vector<1x16xf32> to vector<16xf32>
      %swap3A_124 = vector.shape_cast %broadcast_in_dim3A_118 : vector<16xf32> to vector<1x16xf32>
      tpu.vector_store %arg7[%swap3A_120, %swap3A_121], %swap3A_124 {strides = array<i32>} : memref<8x128xf32, #tpu.memory_space<vmem>>, vector<1x16xf32>,
      %broadcast_in_dim3A_125 = arith.constant 1.000000e+00 : f32
      %broadcast_in_dim3A_126 = vector.broadcast %broadcast_in_dim3A_125 : f32 to vector<16xf32>
      %swap3A_127 = arith.constant 1 : i32
      %swap3A_128 = arith.index_cast %swap3A_127 : i32 to index
      %swap3A_129 = arith.constant 112 : index
      %swap3A_130 = tpu.vector_load %arg7[%swap3A_128, %swap3A_129] {strides = array<i32>} : memref<8x128xf32, #tpu.memory_space<vmem>>, vector<1x16xf32>,
      %swap3A_131 = vector.shape_cast %swap3A_130 : vector<1x16xf32> to vector<16xf32>
      %swap3A_132 = vector.shape_cast %broadcast_in_dim3A_126 : vector<16xf32> to vector<1x16xf32>
      tpu.vector_store %arg7[%swap3A_128, %swap3A_129], %swap3A_132 {strides = array<i32>} : memref<8x128xf32, #tpu.memory_space<vmem>>, vector<1x16xf32>,
      %broadcast_in_dim3A_133 = arith.constant 1.000000e+00 : f32
      %broadcast_in_dim3A_134 = vector.broadcast %broadcast_in_dim3A_133 : f32 to vector<16xf32>
      %swap3A_135 = arith.constant 2 : i32
      %swap3A_136 = arith.index_cast %swap3A_135 : i32 to index
      %swap3A_137 = arith.constant 0 : index
      %swap3A_138 = tpu.vector_load %arg7[%swap3A_136, %swap3A_137] {strides = array<i32>} : memref<8x128xf32, #tpu.memory_space<vmem>>, vector<1x16xf32>,
      %swap3A_139 = vector.shape_cast %swap3A_138 : vector<1x16xf32> to vector<16xf32>
      %swap3A_140 = vector.shape_cast %broadcast_in_dim3A_134 : vector<16xf32> to vector<1x16xf32>
      tpu.vector_store %arg7[%swap3A_136, %swap3A_137], %swap3A_140 {strides = array<i32>} : memref<8x128xf32, #tpu.memory_space<vmem>>, vector<1x16xf32>,
      %broadcast_in_dim3A_141 = arith.constant 1.000000e+00 : f32
      %broadcast_in_dim3A_142 = vector.broadcast %broadcast_in_dim3A_141 : f32 to vector<16xf32>
      %swap3A_143 = arith.constant 2 : i32
      %swap3A_144 = arith.index_cast %swap3A_143 : i32 to index
      %swap3A_145 = arith.constant 16 : index
      %swap3A_146 = tpu.vector_load %arg7[%swap3A_144, %swap3A_145] {strides = array<i32>} : memref<8x128xf32, #tpu.memory_space<vmem>>, vector<1x16xf32>,
      %swap3A_147 = vector.shape_cast %swap3A_146 : vector<1x16xf32> to vector<16xf32>
      %swap3A_148 = vector.shape_cast %broadcast_in_dim3A_142 : vector<16xf32> to vector<1x16xf32>
      tpu.vector_store %arg7[%swap3A_144, %swap3A_145], %swap3A_148 {strides = array<i32>} : memref<8x128xf32, #tpu.memory_space<vmem>>, vector<1x16xf32>,
      %broadcast_in_dim3A_149 = arith.constant 1.000000e+00 : f32
      %broadcast_in_dim3A_150 = vector.broadcast %broadcast_in_dim3A_149 : f32 to vector<16xf32>
      %swap3A_151 = arith.constant 2 : i32
      %swap3A_152 = arith.index_cast %swap3A_151 : i32 to index
      %swap3A_153 = arith.constant 32 : index
      %swap3A_154 = tpu.vector_load %arg7[%swap3A_152, %swap3A_153] {strides = array<i32>} : memref<8x128xf32, #tpu.memory_space<vmem>>, vector<1x16xf32>,
      %swap3A_155 = vector.shape_cast %swap3A_154 : vector<1x16xf32> to vector<16xf32>
      %swap3A_156 = vector.shape_cast %broadcast_in_dim3A_150 : vector<16xf32> to vector<1x16xf32>
      tpu.vector_store %arg7[%swap3A_152, %swap3A_153], %swap3A_156 {strides = array<i32>} : memref<8x128xf32, #tpu.memory_space<vmem>>, vector<1x16xf32>,
      %broadcast_in_dim3A_157 = arith.constant 1.000000e+00 : f32
      %broadcast_in_dim3A_158 = vector.broadcast %broadcast_in_dim3A_157 : f32 to vector<16xf32>
      %swap3A_159 = arith.constant 2 : i32
      %swap3A_160 = arith.index_cast %swap3A_159 : i32 to index
      %swap3A_161 = arith.constant 48 : index
      %swap3A_162 = tpu.vector_load %arg7[%swap3A_160, %swap3A_161] {strides = array<i32>} : memref<8x128xf32, #tpu.memory_space<vmem>>, vector<1x16xf32>,
      %swap3A_163 = vector.shape_cast %swap3A_162 : vector<1x16xf32> to vector<16xf32>
      %swap3A_164 = vector.shape_cast %broadcast_in_dim3A_158 : vector<16xf32> to vector<1x16xf32>
      tpu.vector_store %arg7[%swap3A_160, %swap3A_161], %swap3A_164 {strides = array<i32>} : memref<8x128xf32, #tpu.memory_space<vmem>>, vector<1x16xf32>,
      %broadcast_in_dim3A_165 = arith.constant 1.000000e+00 : f32
      %broadcast_in_dim3A_166 = vector.broadcast %broadcast_in_dim3A_165 : f32 to vector<16xf32>
      %swap3A_167 = arith.constant 2 : i32
      %swap3A_168 = arith.index_cast %swap3A_167 : i32 to index
      %swap3A_169 = arith.constant 64 : index
      %swap3A_170 = tpu.vector_load %arg7[%swap3A_168, %swap3A_169] {strides = array<i32>} : memref<8x128xf32, #tpu.memory_space<vmem>>, vector<1x16xf32>,
      %swap3A_171 = vector.shape_cast %swap3A_170 : vector<1x16xf32> to vector<16xf32>
      %swap3A_172 = vector.shape_cast %broadcast_in_dim3A_166 : vector<16xf32> to vector<1x16xf32>
      tpu.vector_store %arg7[%swap3A_168, %swap3A_169], %swap3A_172 {strides = array<i32>} : memref<8x128xf32, #tpu.memory_space<vmem>>, vector<1x16xf32>,
      %broadcast_in_dim3A_173 = arith.constant 1.000000e+00 : f32
      %broadcast_in_dim3A_174 = vector.broadcast %broadcast_in_dim3A_173 : f32 to vector<16xf32>
      %swap3A_175 = arith.constant 2 : i32
      %swap3A_176 = arith.index_cast %swap3A_175 : i32 to index
      %swap3A_177 = arith.constant 80 : index
      %swap3A_178 = tpu.vector_load %arg7[%swap3A_176, %swap3A_177] {strides = array<i32>} : memref<8x128xf32, #tpu.memory_space<vmem>>, vector<1x16xf32>,
      %swap3A_179 = vector.shape_cast %swap3A_178 : vector<1x16xf32> to vector<16xf32>
      %swap3A_180 = vector.shape_cast %broadcast_in_dim3A_174 : vector<16xf32> to vector<1x16xf32>
      tpu.vector_store %arg7[%swap3A_176, %swap3A_177], %swap3A_180 {strides = array<i32>} : memref<8x128xf32, #tpu.memory_space<vmem>>, vector<1x16xf32>,
      %broadcast_in_dim3A_181 = arith.constant 1.000000e+00 : f32
      %broadcast_in_dim3A_182 = vector.broadcast %broadcast_in_dim3A_181 : f32 to vector<16xf32>
      %swap3A_183 = arith.constant 2 : i32
      %swap3A_184 = arith.index_cast %swap3A_183 : i32 to index
      %swap3A_185 = arith.constant 96 : index
      %swap3A_186 = tpu.vector_load %arg7[%swap3A_184, %swap3A_185] {strides = array<i32>} : memref<8x128xf32, #tpu.memory_space<vmem>>, vector<1x16xf32>,
      %swap3A_187 = vector.shape_cast %swap3A_186 : vector<1x16xf32> to vector<16xf32>
      %swap3A_188 = vector.shape_cast %broadcast_in_dim3A_182 : vector<16xf32> to vector<1x16xf32>
      tpu.vector_store %arg7[%swap3A_184, %swap3A_185], %swap3A_188 {strides = array<i32>} : memref<8x128xf32, #tpu.memory_space<vmem>>, vector<1x16xf32>,
      %broadcast_in_dim3A_189 = arith.constant 1.000000e+00 : f32
      %broadcast_in_dim3A_190 = vector.broadcast %broadcast_in_dim3A_189 : f32 to vector<16xf32>
      %swap3A_191 = arith.constant 2 : i32
      %swap3A_192 = arith.index_cast %swap3A_191 : i32 to index
      %swap3A_193 = arith.constant 112 : index
      %swap3A_194 = tpu.vector_load %arg7[%swap3A_192, %swap3A_193] {strides = array<i32>} : memref<8x128xf32, #tpu.memory_space<vmem>>, vector<1x16xf32>,
      %swap3A_195 = vector.shape_cast %swap3A_194 : vector<1x16xf32> to vector<16xf32>
      %swap3A_196 = vector.shape_cast %broadcast_in_dim3A_190 : vector<16xf32> to vector<1x16xf32>
      tpu.vector_store %arg7[%swap3A_192, %swap3A_193], %swap3A_196 {strides = array<i32>} : memref<8x128xf32, #tpu.memory_space<vmem>>, vector<1x16xf32>,
      %broadcast_in_dim3A_197 = arith.constant 1.000000e+00 : f32
      %broadcast_in_dim3A_198 = vector.broadcast %broadcast_in_dim3A_197 : f32 to vector<16xf32>
      %swap3A_199 = arith.constant 3 : i32
      %swap3A_200 = arith.index_cast %swap3A_199 : i32 to index
      %swap3A_201 = arith.constant 0 : index
      %swap3A_202 = tpu.vector_load %arg7[%swap3A_200, %swap3A_201] {strides = array<i32>} : memref<8x128xf32, #tpu.memory_space<vmem>>, vector<1x16xf32>,
      %swap3A_203 = vector.shape_cast %swap3A_202 : vector<1x16xf32> to vector<16xf32>
      %swap3A_204 = vector.shape_cast %broadcast_in_dim3A_198 : vector<16xf32> to vector<1x16xf32>
      tpu.vector_store %arg7[%swap3A_200, %swap3A_201], %swap3A_204 {strides = array<i32>} : memref<8x128xf32, #tpu.memory_space<vmem>>, vector<1x16xf32>,
      %broadcast_in_dim3A_205 = arith.constant 1.000000e+00 : f32
      %broadcast_in_dim3A_206 = vector.broadcast %broadcast_in_dim3A_205 : f32 to vector<16xf32>
      %swap3A_207 = arith.constant 3 : i32
      %swap3A_208 = arith.index_cast %swap3A_207 : i32 to index
      %swap3A_209 = arith.constant 16 : index
      %swap3A_210 = tpu.vector_load %arg7[%swap3A_208, %swap3A_209] {strides = array<i32>} : memref<8x128xf32, #tpu.memory_space<vmem>>, vector<1x16xf32>,
      %swap3A_211 = vector.shape_cast %swap3A_210 : vector<1x16xf32> to vector<16xf32>
      %swap3A_212 = vector.shape_cast %broadcast_in_dim3A_206 : vector<16xf32> to vector<1x16xf32>
      tpu.vector_store %arg7[%swap3A_208, %swap3A_209], %swap3A_212 {strides = array<i32>} : memref<8x128xf32, #tpu.memory_space<vmem>>, vector<1x16xf32>,
      %broadcast_in_dim3A_213 = arith.constant 1.000000e+00 : f32
      %broadcast_in_dim3A_214 = vector.broadcast %broadcast_in_dim3A_213 : f32 to vector<16xf32>
      %swap3A_215 = arith.constant 3 : i32
      %swap3A_216 = arith.index_cast %swap3A_215 : i32 to index
      %swap3A_217 = arith.constant 32 : index
      %swap3A_218 = tpu.vector_load %arg7[%swap3A_216, %swap3A_217] {strides = array<i32>} : memref<8x128xf32, #tpu.memory_space<vmem>>, vector<1x16xf32>,
      %swap3A_219 = vector.shape_cast %swap3A_218 : vector<1x16xf32> to vector<16xf32>
      %swap3A_220 = vector.shape_cast %broadcast_in_dim3A_214 : vector<16xf32> to vector<1x16xf32>
      tpu.vector_store %arg7[%swap3A_216, %swap3A_217], %swap3A_220 {strides = array<i32>} : memref<8x128xf32, #tpu.memory_space<vmem>>, vector<1x16xf32>,
      %broadcast_in_dim3A_221 = arith.constant 1.000000e+00 : f32
      %broadcast_in_dim3A_222 = vector.broadcast %broadcast_in_dim3A_221 : f32 to vector<16xf32>
      %swap3A_223 = arith.constant 3 : i32
      %swap3A_224 = arith.index_cast %swap3A_223 : i32 to index
      %swap3A_225 = arith.constant 48 : index
      %swap3A_226 = tpu.vector_load %arg7[%swap3A_224, %swap3A_225] {strides = array<i32>} : memref<8x128xf32, #tpu.memory_space<vmem>>, vector<1x16xf32>,
      %swap3A_227 = vector.shape_cast %swap3A_226 : vector<1x16xf32> to vector<16xf32>
      %swap3A_228 = vector.shape_cast %broadcast_in_dim3A_222 : vector<16xf32> to vector<1x16xf32>
      tpu.vector_store %arg7[%swap3A_224, %swap3A_225], %swap3A_228 {strides = array<i32>} : memref<8x128xf32, #tpu.memory_space<vmem>>, vector<1x16xf32>,
      %broadcast_in_dim3A_229 = arith.constant 1.000000e+00 : f32
      %broadcast_in_dim3A_230 = vector.broadcast %broadcast_in_dim3A_229 : f32 to vector<16xf32>
      %swap3A_231 = arith.constant 3 : i32
      %swap3A_232 = arith.index_cast %swap3A_231 : i32 to index
      %swap3A_233 = arith.constant 64 : index
      %swap3A_234 = tpu.vector_load %arg7[%swap3A_232, %swap3A_233] {strides = array<i32>} : memref<8x128xf32, #tpu.memory_space<vmem>>, vector<1x16xf32>,
      %swap3A_235 = vector.shape_cast %swap3A_234 : vector<1x16xf32> to vector<16xf32>
      %swap3A_236 = vector.shape_cast %broadcast_in_dim3A_230 : vector<16xf32> to vector<1x16xf32>
      tpu.vector_store %arg7[%swap3A_232, %swap3A_233], %swap3A_236 {strides = array<i32>} : memref<8x128xf32, #tpu.memory_space<vmem>>, vector<1x16xf32>,
      %broadcast_in_dim3A_237 = arith.constant 1.000000e+00 : f32
      %broadcast_in_dim3A_238 = vector.broadcast %broadcast_in_dim3A_237 : f32 to vector<16xf32>
      %swap3A_239 = arith.constant 3 : i32
      %swap3A_240 = arith.index_cast %swap3A_239 : i32 to index
      %swap3A_241 = arith.constant 80 : index
      %swap3A_242 = tpu.vector_load %arg7[%swap3A_240, %swap3A_241] {strides = array<i32>} : memref<8x128xf32, #tpu.memory_space<vmem>>, vector<1x16xf32>,
      %swap3A_243 = vector.shape_cast %swap3A_242 : vector<1x16xf32> to vector<16xf32>
      %swap3A_244 = vector.shape_cast %broadcast_in_dim3A_238 : vector<16xf32> to vector<1x16xf32>
      tpu.vector_store %arg7[%swap3A_240, %swap3A_241], %swap3A_244 {strides = array<i32>} : memref<8x128xf32, #tpu.memory_space<vmem>>, vector<1x16xf32>,
      %broadcast_in_dim3A_245 = arith.constant 1.000000e+00 : f32
      %broadcast_in_dim3A_246 = vector.broadcast %broadcast_in_dim3A_245 : f32 to vector<16xf32>
      %swap3A_247 = arith.constant 3 : i32
      %swap3A_248 = arith.index_cast %swap3A_247 : i32 to index
      %swap3A_249 = arith.constant 96 : index
      %swap3A_250 = tpu.vector_load %arg7[%swap3A_248, %swap3A_249] {strides = array<i32>} : memref<8x128xf32, #tpu.memory_space<vmem>>, vector<1x16xf32>,
      %swap3A_251 = vector.shape_cast %swap3A_250 : vector<1x16xf32> to vector<16xf32>
      %swap3A_252 = vector.shape_cast %broadcast_in_dim3A_246 : vector<16xf32> to vector<1x16xf32>
      tpu.vector_store %arg7[%swap3A_248, %swap3A_249], %swap3A_252 {strides = array<i32>} : memref<8x128xf32, #tpu.memory_space<vmem>>, vector<1x16xf32>,
      %broadcast_in_dim3A_253 = arith.constant 1.000000e+00 : f32
      %broadcast_in_dim3A_254 = vector.broadcast %broadcast_in_dim3A_253 : f32 to vector<16xf32>
      %swap3A_255 = arith.constant 3 : i32
      %swap3A_256 = arith.index_cast %swap3A_255 : i32 to index
      %swap3A_257 = arith.constant 112 : index
      %swap3A_258 = tpu.vector_load %arg7[%swap3A_256, %swap3A_257] {strides = array<i32>} : memref<8x128xf32, #tpu.memory_space<vmem>>, vector<1x16xf32>,
      %swap3A_259 = vector.shape_cast %swap3A_258 : vector<1x16xf32> to vector<16xf32>
      %swap3A_260 = vector.shape_cast %broadcast_in_dim3A_254 : vector<16xf32> to vector<1x16xf32>
      tpu.vector_store %arg7[%swap3A_256, %swap3A_257], %swap3A_260 {strides = array<i32>} : memref<8x128xf32, #tpu.memory_space<vmem>>, vector<1x16xf32>,
      %broadcast_in_dim3A_261 = arith.constant 1.000000e+00 : f32
      %broadcast_in_dim3A_262 = vector.broadcast %broadcast_in_dim3A_261 : f32 to vector<16xf32>
      %swap3A_263 = arith.constant 4 : i32
      %swap3A_264 = arith.index_cast %swap3A_263 : i32 to index
      %swap3A_265 = arith.constant 0 : index
      %swap3A_266 = tpu.vector_load %arg7[%swap3A_264, %swap3A_265] {strides = array<i32>} : memref<8x128xf32, #tpu.memory_space<vmem>>, vector<1x16xf32>,
      %swap3A_267 = vector.shape_cast %swap3A_266 : vector<1x16xf32> to vector<16xf32>
      %swap3A_268 = vector.shape_cast %broadcast_in_dim3A_262 : vector<16xf32> to vector<1x16xf32>
      tpu.vector_store %arg7[%swap3A_264, %swap3A_265], %swap3A_268 {strides = array<i32>} : memref<8x128xf32, #tpu.memory_space<vmem>>, vector<1x16xf32>,
      %broadcast_in_dim3A_269 = arith.constant 1.000000e+00 : f32
      %broadcast_in_dim3A_270 = vector.broadcast %broadcast_in_dim3A_269 : f32 to vector<16xf32>
      %swap3A_271 = arith.constant 4 : i32
      %swap3A_272 = arith.index_cast %swap3A_271 : i32 to index
      %swap3A_273 = arith.constant 16 : index
      %swap3A_274 = tpu.vector_load %arg7[%swap3A_272, %swap3A_273] {strides = array<i32>} : memref<8x128xf32, #tpu.memory_space<vmem>>, vector<1x16xf32>,
      %swap3A_275 = vector.shape_cast %swap3A_274 : vector<1x16xf32> to vector<16xf32>
      %swap3A_276 = vector.shape_cast %broadcast_in_dim3A_270 : vector<16xf32> to vector<1x16xf32>
      tpu.vector_store %arg7[%swap3A_272, %swap3A_273], %swap3A_276 {strides = array<i32>} : memref<8x128xf32, #tpu.memory_space<vmem>>, vector<1x16xf32>,
      %broadcast_in_dim3A_277 = arith.constant 1.000000e+00 : f32
      %broadcast_in_dim3A_278 = vector.broadcast %broadcast_in_dim3A_277 : f32 to vector<16xf32>
      %swap3A_279 = arith.constant 4 : i32
      %swap3A_280 = arith.index_cast %swap3A_279 : i32 to index
      %swap3A_281 = arith.constant 32 : index
      %swap3A_282 = tpu.vector_load %arg7[%swap3A_280, %swap3A_281] {strides = array<i32>} : memref<8x128xf32, #tpu.memory_space<vmem>>, vector<1x16xf32>,
      %swap3A_283 = vector.shape_cast %swap3A_282 : vector<1x16xf32> to vector<16xf32>
      %swap3A_284 = vector.shape_cast %broadcast_in_dim3A_278 : vector<16xf32> to vector<1x16xf32>
      tpu.vector_store %arg7[%swap3A_280, %swap3A_281], %swap3A_284 {strides = array<i32>} : memref<8x128xf32, #tpu.memory_space<vmem>>, vector<1x16xf32>,
      %broadcast_in_dim3A_285 = arith.constant 1.000000e+00 : f32
      %broadcast_in_dim3A_286 = vector.broadcast %broadcast_in_dim3A_285 : f32 to vector<16xf32>
      %swap3A_287 = arith.constant 4 : i32
      %swap3A_288 = arith.index_cast %swap3A_287 : i32 to index
      %swap3A_289 = arith.constant 48 : index
      %swap3A_290 = tpu.vector_load %arg7[%swap3A_288, %swap3A_289] {strides = array<i32>} : memref<8x128xf32, #tpu.memory_space<vmem>>, vector<1x16xf32>,
      %swap3A_291 = vector.shape_cast %swap3A_290 : vector<1x16xf32> to vector<16xf32>
      %swap3A_292 = vector.shape_cast %broadcast_in_dim3A_286 : vector<16xf32> to vector<1x16xf32>
      tpu.vector_store %arg7[%swap3A_288, %swap3A_289], %swap3A_292 {strides = array<i32>} : memref<8x128xf32, #tpu.memory_space<vmem>>, vector<1x16xf32>,
      %broadcast_in_dim3A_293 = arith.constant 1.000000e+00 : f32
      %broadcast_in_dim3A_294 = vector.broadcast %broadcast_in_dim3A_293 : f32 to vector<16xf32>
      %swap3A_295 = arith.constant 4 : i32
      %swap3A_296 = arith.index_cast %swap3A_295 : i32 to index
      %swap3A_297 = arith.constant 64 : index
      %swap3A_298 = tpu.vector_load %arg7[%swap3A_296, %swap3A_297] {strides = array<i32>} : memref<8x128xf32, #tpu.memory_space<vmem>>, vector<1x16xf32>,
      %swap3A_299 = vector.shape_cast %swap3A_298 : vector<1x16xf32> to vector<16xf32>
      %swap3A_300 = vector.shape_cast %broadcast_in_dim3A_294 : vector<16xf32> to vector<1x16xf32>
      tpu.vector_store %arg7[%swap3A_296, %swap3A_297], %swap3A_300 {strides = array<i32>} : memref<8x128xf32, #tpu.memory_space<vmem>>, vector<1x16xf32>,
      %broadcast_in_dim3A_301 = arith.constant 1.000000e+00 : f32
      %broadcast_in_dim3A_302 = vector.broadcast %broadcast_in_dim3A_301 : f32 to vector<16xf32>
      %swap3A_303 = arith.constant 4 : i32
      %swap3A_304 = arith.index_cast %swap3A_303 : i32 to index
      %swap3A_305 = arith.constant 80 : index
      %swap3A_306 = tpu.vector_load %arg7[%swap3A_304, %swap3A_305] {strides = array<i32>} : memref<8x128xf32, #tpu.memory_space<vmem>>, vector<1x16xf32>,
      %swap3A_307 = vector.shape_cast %swap3A_306 : vector<1x16xf32> to vector<16xf32>
      %swap3A_308 = vector.shape_cast %broadcast_in_dim3A_302 : vector<16xf32> to vector<1x16xf32>
      tpu.vector_store %arg7[%swap3A_304, %swap3A_305], %swap3A_308 {strides = array<i32>} : memref<8x128xf32, #tpu.memory_space<vmem>>, vector<1x16xf32>,
      %broadcast_in_dim3A_309 = arith.constant 1.000000e+00 : f32
      %broadcast_in_dim3A_310 = vector.broadcast %broadcast_in_dim3A_309 : f32 to vector<16xf32>
      %swap3A_311 = arith.constant 4 : i32
      %swap3A_312 = arith.index_cast %swap3A_311 : i32 to index
      %swap3A_313 = arith.constant 96 : index
      %swap3A_314 = tpu.vector_load %arg7[%swap3A_312, %swap3A_313] {strides = array<i32>} : memref<8x128xf32, #tpu.memory_space<vmem>>, vector<1x16xf32>,
      %swap3A_315 = vector.shape_cast %swap3A_314 : vector<1x16xf32> to vector<16xf32>
      %swap3A_316 = vector.shape_cast %broadcast_in_dim3A_310 : vector<16xf32> to vector<1x16xf32>
      tpu.vector_store %arg7[%swap3A_312, %swap3A_313], %swap3A_316 {strides = array<i32>} : memref<8x128xf32, #tpu.memory_space<vmem>>, vector<1x16xf32>,
      %broadcast_in_dim3A_317 = arith.constant 1.000000e+00 : f32
      %broadcast_in_dim3A_318 = vector.broadcast %broadcast_in_dim3A_317 : f32 to vector<16xf32>
      %swap3A_319 = arith.constant 4 : i32
      %swap3A_320 = arith.index_cast %swap3A_319 : i32 to index
      %swap3A_321 = arith.constant 112 : index
      %swap3A_322 = tpu.vector_load %arg7[%swap3A_320, %swap3A_321] {strides = array<i32>} : memref<8x128xf32, #tpu.memory_space<vmem>>, vector<1x16xf32>,
      %swap3A_323 = vector.shape_cast %swap3A_322 : vector<1x16xf32> to vector<16xf32>
      %swap3A_324 = vector.shape_cast %broadcast_in_dim3A_318 : vector<16xf32> to vector<1x16xf32>
      tpu.vector_store %arg7[%swap3A_320, %swap3A_321], %swap3A_324 {strides = array<i32>} : memref<8x128xf32, #tpu.memory_space<vmem>>, vector<1x16xf32>,
      %broadcast_in_dim3A_325 = arith.constant 1.000000e+00 : f32
      %broadcast_in_dim3A_326 = vector.broadcast %broadcast_in_dim3A_325 : f32 to vector<16xf32>
      %swap3A_327 = arith.constant 5 : i32
      %swap3A_328 = arith.index_cast %swap3A_327 : i32 to index
      %swap3A_329 = arith.constant 0 : index
      %swap3A_330 = tpu.vector_load %arg7[%swap3A_328, %swap3A_329] {strides = array<i32>} : memref<8x128xf32, #tpu.memory_space<vmem>>, vector<1x16xf32>,
      %swap3A_331 = vector.shape_cast %swap3A_330 : vector<1x16xf32> to vector<16xf32>
      %swap3A_332 = vector.shape_cast %broadcast_in_dim3A_326 : vector<16xf32> to vector<1x16xf32>
      tpu.vector_store %arg7[%swap3A_328, %swap3A_329], %swap3A_332 {strides = array<i32>} : memref<8x128xf32, #tpu.memory_space<vmem>>, vector<1x16xf32>,
      %broadcast_in_dim3A_333 = arith.constant 1.000000e+00 : f32
      %broadcast_in_dim3A_334 = vector.broadcast %broadcast_in_dim3A_333 : f32 to vector<16xf32>
      %swap3A_335 = arith.constant 5 : i32
      %swap3A_336 = arith.index_cast %swap3A_335 : i32 to index
      %swap3A_337 = arith.constant 16 : index
      %swap3A_338 = tpu.vector_load %arg7[%swap3A_336, %swap3A_337] {strides = array<i32>} : memref<8x128xf32, #tpu.memory_space<vmem>>, vector<1x16xf32>,
      %swap3A_339 = vector.shape_cast %swap3A_338 : vector<1x16xf32> to vector<16xf32>
      %swap3A_340 = vector.shape_cast %broadcast_in_dim3A_334 : vector<16xf32> to vector<1x16xf32>
      tpu.vector_store %arg7[%swap3A_336, %swap3A_337], %swap3A_340 {strides = array<i32>} : memref<8x128xf32, #tpu.memory_space<vmem>>, vector<1x16xf32>,
      %broadcast_in_dim3A_341 = arith.constant 1.000000e+00 : f32
      %broadcast_in_dim3A_342 = vector.broadcast %broadcast_in_dim3A_341 : f32 to vector<16xf32>
      %swap3A_343 = arith.constant 5 : i32
      %swap3A_344 = arith.index_cast %swap3A_343 : i32 to index
      %swap3A_345 = arith.constant 32 : index
      %swap3A_346 = tpu.vector_load %arg7[%swap3A_344, %swap3A_345] {strides = array<i32>} : memref<8x128xf32, #tpu.memory_space<vmem>>, vector<1x16xf32>,
      %swap3A_347 = vector.shape_cast %swap3A_346 : vector<1x16xf32> to vector<16xf32>
      %swap3A_348 = vector.shape_cast %broadcast_in_dim3A_342 : vector<16xf32> to vector<1x16xf32>
      tpu.vector_store %arg7[%swap3A_344, %swap3A_345], %swap3A_348 {strides = array<i32>} : memref<8x128xf32, #tpu.memory_space<vmem>>, vector<1x16xf32>,
      %broadcast_in_dim3A_349 = arith.constant 1.000000e+00 : f32
      %broadcast_in_dim3A_350 = vector.broadcast %broadcast_in_dim3A_349 : f32 to vector<16xf32>
      %swap3A_351 = arith.constant 5 : i32
      %swap3A_352 = arith.index_cast %swap3A_351 : i32 to index
      %swap3A_353 = arith.constant 48 : index
      %swap3A_354 = tpu.vector_load %arg7[%swap3A_352, %swap3A_353] {strides = array<i32>} : memref<8x128xf32, #tpu.memory_space<vmem>>, vector<1x16xf32>,
      %swap3A_355 = vector.shape_cast %swap3A_354 : vector<1x16xf32> to vector<16xf32>
      %swap3A_356 = vector.shape_cast %broadcast_in_dim3A_350 : vector<16xf32> to vector<1x16xf32>
      tpu.vector_store %arg7[%swap3A_352, %swap3A_353], %swap3A_356 {strides = array<i32>} : memref<8x128xf32, #tpu.memory_space<vmem>>, vector<1x16xf32>,
      %broadcast_in_dim3A_357 = arith.constant 1.000000e+00 : f32
      %broadcast_in_dim3A_358 = vector.broadcast %broadcast_in_dim3A_357 : f32 to vector<16xf32>
      %swap3A_359 = arith.constant 5 : i32
      %swap3A_360 = arith.index_cast %swap3A_359 : i32 to index
      %swap3A_361 = arith.constant 64 : index
      %swap3A_362 = tpu.vector_load %arg7[%swap3A_360, %swap3A_361] {strides = array<i32>} : memref<8x128xf32, #tpu.memory_space<vmem>>, vector<1x16xf32>,
      %swap3A_363 = vector.shape_cast %swap3A_362 : vector<1x16xf32> to vector<16xf32>
      %swap3A_364 = vector.shape_cast %broadcast_in_dim3A_358 : vector<16xf32> to vector<1x16xf32>
      tpu.vector_store %arg7[%swap3A_360, %swap3A_361], %swap3A_364 {strides = array<i32>} : memref<8x128xf32, #tpu.memory_space<vmem>>, vector<1x16xf32>,
      %broadcast_in_dim3A_365 = arith.constant 1.000000e+00 : f32
      %broadcast_in_dim3A_366 = vector.broadcast %broadcast_in_dim3A_365 : f32 to vector<16xf32>
      %swap3A_367 = arith.constant 5 : i32
      %swap3A_368 = arith.index_cast %swap3A_367 : i32 to index
      %swap3A_369 = arith.constant 80 : index
      %swap3A_370 = tpu.vector_load %arg7[%swap3A_368, %swap3A_369] {strides = array<i32>} : memref<8x128xf32, #tpu.memory_space<vmem>>, vector<1x16xf32>,
      %swap3A_371 = vector.shape_cast %swap3A_370 : vector<1x16xf32> to vector<16xf32>
      %swap3A_372 = vector.shape_cast %broadcast_in_dim3A_366 : vector<16xf32> to vector<1x16xf32>
      tpu.vector_store %arg7[%swap3A_368, %swap3A_369], %swap3A_372 {strides = array<i32>} : memref<8x128xf32, #tpu.memory_space<vmem>>, vector<1x16xf32>,
      %broadcast_in_dim3A_373 = arith.constant 1.000000e+00 : f32
      %broadcast_in_dim3A_374 = vector.broadcast %broadcast_in_dim3A_373 : f32 to vector<16xf32>
      %swap3A_375 = arith.constant 5 : i32
      %swap3A_376 = arith.index_cast %swap3A_375 : i32 to index
      %swap3A_377 = arith.constant 96 : index
      %swap3A_378 = tpu.vector_load %arg7[%swap3A_376, %swap3A_377] {strides = array<i32>} : memref<8x128xf32, #tpu.memory_space<vmem>>, vector<1x16xf32>,
      %swap3A_379 = vector.shape_cast %swap3A_378 : vector<1x16xf32> to vector<16xf32>
      %swap3A_380 = vector.shape_cast %broadcast_in_dim3A_374 : vector<16xf32> to vector<1x16xf32>
      tpu.vector_store %arg7[%swap3A_376, %swap3A_377], %swap3A_380 {strides = array<i32>} : memref<8x128xf32, #tpu.memory_space<vmem>>, vector<1x16xf32>,
      %broadcast_in_dim3A_381 = arith.constant 1.000000e+00 : f32
      %broadcast_in_dim3A_382 = vector.broadcast %broadcast_in_dim3A_381 : f32 to vector<16xf32>
      %swap3A_383 = arith.constant 5 : i32
      %swap3A_384 = arith.index_cast %swap3A_383 : i32 to index
      %swap3A_385 = arith.constant 112 : index
      %swap3A_386 = tpu.vector_load %arg7[%swap3A_384, %swap3A_385] {strides = array<i32>} : memref<8x128xf32, #tpu.memory_space<vmem>>, vector<1x16xf32>,
      %swap3A_387 = vector.shape_cast %swap3A_386 : vector<1x16xf32> to vector<16xf32>
      %swap3A_388 = vector.shape_cast %broadcast_in_dim3A_382 : vector<16xf32> to vector<1x16xf32>
      tpu.vector_store %arg7[%swap3A_384, %swap3A_385], %swap3A_388 {strides = array<i32>} : memref<8x128xf32, #tpu.memory_space<vmem>>, vector<1x16xf32>,
      %broadcast_in_dim3A_389 = arith.constant 1.000000e+00 : f32
      %broadcast_in_dim3A_390 = vector.broadcast %broadcast_in_dim3A_389 : f32 to vector<16xf32>
      %swap3A_391 = arith.constant 6 : i32
      %swap3A_392 = arith.index_cast %swap3A_391 : i32 to index
      %swap3A_393 = arith.constant 0 : index
      %swap3A_394 = tpu.vector_load %arg7[%swap3A_392, %swap3A_393] {strides = array<i32>} : memref<8x128xf32, #tpu.memory_space<vmem>>, vector<1x16xf32>,
      %swap3A_395 = vector.shape_cast %swap3A_394 : vector<1x16xf32> to vector<16xf32>
      %swap3A_396 = vector.shape_cast %broadcast_in_dim3A_390 : vector<16xf32> to vector<1x16xf32>
      tpu.vector_store %arg7[%swap3A_392, %swap3A_393], %swap3A_396 {strides = array<i32>} : memref<8x128xf32, #tpu.memory_space<vmem>>, vector<1x16xf32>,
      %broadcast_in_dim3A_397 = arith.constant 1.000000e+00 : f32
      %broadcast_in_dim3A_398 = vector.broadcast %broadcast_in_dim3A_397 : f32 to vector<16xf32>
      %swap3A_399 = arith.constant 6 : i32
      %swap3A_400 = arith.index_cast %swap3A_399 : i32 to index
      %swap3A_401 = arith.constant 16 : index
      %swap3A_402 = tpu.vector_load %arg7[%swap3A_400, %swap3A_401] {strides = array<i32>} : memref<8x128xf32, #tpu.memory_space<vmem>>, vector<1x16xf32>,
      %swap3A_403 = vector.shape_cast %swap3A_402 : vector<1x16xf32> to vector<16xf32>
      %swap3A_404 = vector.shape_cast %broadcast_in_dim3A_398 : vector<16xf32> to vector<1x16xf32>
      tpu.vector_store %arg7[%swap3A_400, %swap3A_401], %swap3A_404 {strides = array<i32>} : memref<8x128xf32, #tpu.memory_space<vmem>>, vector<1x16xf32>,
      %broadcast_in_dim3A_405 = arith.constant 1.000000e+00 : f32
      %broadcast_in_dim3A_406 = vector.broadcast %broadcast_in_dim3A_405 : f32 to vector<16xf32>
      %swap3A_407 = arith.constant 6 : i32
      %swap3A_408 = arith.index_cast %swap3A_407 : i32 to index
      %swap3A_409 = arith.constant 32 : index
      %swap3A_410 = tpu.vector_load %arg7[%swap3A_408, %swap3A_409] {strides = array<i32>} : memref<8x128xf32, #tpu.memory_space<vmem>>, vector<1x16xf32>,
      %swap3A_411 = vector.shape_cast %swap3A_410 : vector<1x16xf32> to vector<16xf32>
      %swap3A_412 = vector.shape_cast %broadcast_in_dim3A_406 : vector<16xf32> to vector<1x16xf32>
      tpu.vector_store %arg7[%swap3A_408, %swap3A_409], %swap3A_412 {strides = array<i32>} : memref<8x128xf32, #tpu.memory_space<vmem>>, vector<1x16xf32>,
      %broadcast_in_dim3A_413 = arith.constant 1.000000e+00 : f32
      %broadcast_in_dim3A_414 = vector.broadcast %broadcast_in_dim3A_413 : f32 to vector<16xf32>
      %swap3A_415 = arith.constant 6 : i32
      %swap3A_416 = arith.index_cast %swap3A_415 : i32 to index
      %swap3A_417 = arith.constant 48 : index
      %swap3A_418 = tpu.vector_load %arg7[%swap3A_416, %swap3A_417] {strides = array<i32>} : memref<8x128xf32, #tpu.memory_space<vmem>>, vector<1x16xf32>,
      %swap3A_419 = vector.shape_cast %swap3A_418 : vector<1x16xf32> to vector<16xf32>
      %swap3A_420 = vector.shape_cast %broadcast_in_dim3A_414 : vector<16xf32> to vector<1x16xf32>
      tpu.vector_store %arg7[%swap3A_416, %swap3A_417], %swap3A_420 {strides = array<i32>} : memref<8x128xf32, #tpu.memory_space<vmem>>, vector<1x16xf32>,
      %broadcast_in_dim3A_421 = arith.constant 1.000000e+00 : f32
      %broadcast_in_dim3A_422 = vector.broadcast %broadcast_in_dim3A_421 : f32 to vector<16xf32>
      %swap3A_423 = arith.constant 6 : i32
      %swap3A_424 = arith.index_cast %swap3A_423 : i32 to index
      %swap3A_425 = arith.constant 64 : index
      %swap3A_426 = tpu.vector_load %arg7[%swap3A_424, %swap3A_425] {strides = array<i32>} : memref<8x128xf32, #tpu.memory_space<vmem>>, vector<1x16xf32>,
      %swap3A_427 = vector.shape_cast %swap3A_426 : vector<1x16xf32> to vector<16xf32>
      %swap3A_428 = vector.shape_cast %broadcast_in_dim3A_422 : vector<16xf32> to vector<1x16xf32>
      tpu.vector_store %arg7[%swap3A_424, %swap3A_425], %swap3A_428 {strides = array<i32>} : memref<8x128xf32, #tpu.memory_space<vmem>>, vector<1x16xf32>,
      %broadcast_in_dim3A_429 = arith.constant 1.000000e+00 : f32
      %broadcast_in_dim3A_430 = vector.broadcast %broadcast_in_dim3A_429 : f32 to vector<16xf32>
      %swap3A_431 = arith.constant 6 : i32
      %swap3A_432 = arith.index_cast %swap3A_431 : i32 to index
      %swap3A_433 = arith.constant 80 : index
      %swap3A_434 = tpu.vector_load %arg7[%swap3A_432, %swap3A_433] {strides = array<i32>} : memref<8x128xf32, #tpu.memory_space<vmem>>, vector<1x16xf32>,
      %swap3A_435 = vector.shape_cast %swap3A_434 : vector<1x16xf32> to vector<16xf32>
      %swap3A_436 = vector.shape_cast %broadcast_in_dim3A_430 : vector<16xf32> to vector<1x16xf32>
      tpu.vector_store %arg7[%swap3A_432, %swap3A_433], %swap3A_436 {strides = array<i32>} : memref<8x128xf32, #tpu.memory_space<vmem>>, vector<1x16xf32>,
      %broadcast_in_dim3A_437 = arith.constant 1.000000e+00 : f32
      %broadcast_in_dim3A_438 = vector.broadcast %broadcast_in_dim3A_437 : f32 to vector<16xf32>
      %swap3A_439 = arith.constant 6 : i32
      %swap3A_440 = arith.index_cast %swap3A_439 : i32 to index
      %swap3A_441 = arith.constant 96 : index
      %swap3A_442 = tpu.vector_load %arg7[%swap3A_440, %swap3A_441] {strides = array<i32>} : memref<8x128xf32, #tpu.memory_space<vmem>>, vector<1x16xf32>,
      %swap3A_443 = vector.shape_cast %swap3A_442 : vector<1x16xf32> to vector<16xf32>
      %swap3A_444 = vector.shape_cast %broadcast_in_dim3A_438 : vector<16xf32> to vector<1x16xf32>
      tpu.vector_store %arg7[%swap3A_440, %swap3A_441], %swap3A_444 {strides = array<i32>} : memref<8x128xf32, #tpu.memory_space<vmem>>, vector<1x16xf32>,
      %broadcast_in_dim3A_445 = arith.constant 1.000000e+00 : f32
      %broadcast_in_dim3A_446 = vector.broadcast %broadcast_in_dim3A_445 : f32 to vector<16xf32>
      %swap3A_447 = arith.constant 6 : i32
      %swap3A_448 = arith.index_cast %swap3A_447 : i32 to index
      %swap3A_449 = arith.constant 112 : index
      %swap3A_450 = tpu.vector_load %arg7[%swap3A_448, %swap3A_449] {strides = array<i32>} : memref<8x128xf32, #tpu.memory_space<vmem>>, vector<1x16xf32>,
      %swap3A_451 = vector.shape_cast %swap3A_450 : vector<1x16xf32> to vector<16xf32>
      %swap3A_452 = vector.shape_cast %broadcast_in_dim3A_446 : vector<16xf32> to vector<1x16xf32>
      tpu.vector_store %arg7[%swap3A_448, %swap3A_449], %swap3A_452 {strides = array<i32>} : memref<8x128xf32, #tpu.memory_space<vmem>>, vector<1x16xf32>,
      %broadcast_in_dim3A_453 = arith.constant 1.000000e+00 : f32
      %broadcast_in_dim3A_454 = vector.broadcast %broadcast_in_dim3A_453 : f32 to vector<16xf32>
      %swap3A_455 = arith.constant 7 : i32
      %swap3A_456 = arith.index_cast %swap3A_455 : i32 to index
      %swap3A_457 = arith.constant 0 : index
      %swap3A_458 = tpu.vector_load %arg7[%swap3A_456, %swap3A_457] {strides = array<i32>} : memref<8x128xf32, #tpu.memory_space<vmem>>, vector<1x16xf32>,
      %swap3A_459 = vector.shape_cast %swap3A_458 : vector<1x16xf32> to vector<16xf32>
      %swap3A_460 = vector.shape_cast %broadcast_in_dim3A_454 : vector<16xf32> to vector<1x16xf32>
      tpu.vector_store %arg7[%swap3A_456, %swap3A_457], %swap3A_460 {strides = array<i32>} : memref<8x128xf32, #tpu.memory_space<vmem>>, vector<1x16xf32>,
      %broadcast_in_dim3A_461 = arith.constant 1.000000e+00 : f32
      %broadcast_in_dim3A_462 = vector.broadcast %broadcast_in_dim3A_461 : f32 to vector<16xf32>
      %swap3A_463 = arith.constant 7 : i32
      %swap3A_464 = arith.index_cast %swap3A_463 : i32 to index
      %swap3A_465 = arith.constant 16 : index
      %swap3A_466 = tpu.vector_load %arg7[%swap3A_464, %swap3A_465] {strides = array<i32>} : memref<8x128xf32, #tpu.memory_space<vmem>>, vector<1x16xf32>,
      %swap3A_467 = vector.shape_cast %swap3A_466 : vector<1x16xf32> to vector<16xf32>
      %swap3A_468 = vector.shape_cast %broadcast_in_dim3A_462 : vector<16xf32> to vector<1x16xf32>
      tpu.vector_store %arg7[%swap3A_464, %swap3A_465], %swap3A_468 {strides = array<i32>} : memref<8x128xf32, #tpu.memory_space<vmem>>, vector<1x16xf32>,
      %broadcast_in_dim3A_469 = arith.constant 1.000000e+00 : f32
      %broadcast_in_dim3A_470 = vector.broadcast %broadcast_in_dim3A_469 : f32 to vector<16xf32>
      %swap3A_471 = arith.constant 7 : i32
      %swap3A_472 = arith.index_cast %swap3A_471 : i32 to index
      %swap3A_473 = arith.constant 32 : index
      %swap3A_474 = tpu.vector_load %arg7[%swap3A_472, %swap3A_473] {strides = array<i32>} : memref<8x128xf32, #tpu.memory_space<vmem>>, vector<1x16xf32>,
      %swap3A_475 = vector.shape_cast %swap3A_474 : vector<1x16xf32> to vector<16xf32>
      %swap3A_476 = vector.shape_cast %broadcast_in_dim3A_470 : vector<16xf32> to vector<1x16xf32>
      tpu.vector_store %arg7[%swap3A_472, %swap3A_473], %swap3A_476 {strides = array<i32>} : memref<8x128xf32, #tpu.memory_space<vmem>>, vector<1x16xf32>,
      %broadcast_in_dim3A_477 = arith.constant 1.000000e+00 : f32
      %broadcast_in_dim3A_478 = vector.broadcast %broadcast_in_dim3A_477 : f32 to vector<16xf32>
      %swap3A_479 = arith.constant 7 : i32
      %swap3A_480 = arith.index_cast %swap3A_479 : i32 to index
      %swap3A_481 = arith.constant 48 : index
      %swap3A_482 = tpu.vector_load %arg7[%swap3A_480, %swap3A_481] {strides = array<i32>} : memref<8x128xf32, #tpu.memory_space<vmem>>, vector<1x16xf32>,
      %swap3A_483 = vector.shape_cast %swap3A_482 : vector<1x16xf32> to vector<16xf32>
      %swap3A_484 = vector.shape_cast %broadcast_in_dim3A_478 : vector<16xf32> to vector<1x16xf32>
      tpu.vector_store %arg7[%swap3A_480, %swap3A_481], %swap3A_484 {strides = array<i32>} : memref<8x128xf32, #tpu.memory_space<vmem>>, vector<1x16xf32>,
      %broadcast_in_dim3A_485 = arith.constant 1.000000e+00 : f32
      %broadcast_in_dim3A_486 = vector.broadcast %broadcast_in_dim3A_485 : f32 to vector<16xf32>
      %swap3A_487 = arith.constant 7 : i32
      %swap3A_488 = arith.index_cast %swap3A_487 : i32 to index
      %swap3A_489 = arith.constant 64 : index
      %swap3A_490 = tpu.vector_load %arg7[%swap3A_488, %swap3A_489] {strides = array<i32>} : memref<8x128xf32, #tpu.memory_space<vmem>>, vector<1x16xf32>,
      %swap3A_491 = vector.shape_cast %swap3A_490 : vector<1x16xf32> to vector<16xf32>
      %swap3A_492 = vector.shape_cast %broadcast_in_dim3A_486 : vector<16xf32> to vector<1x16xf32>
      tpu.vector_store %arg7[%swap3A_488, %swap3A_489], %swap3A_492 {strides = array<i32>} : memref<8x128xf32, #tpu.memory_space<vmem>>, vector<1x16xf32>,
      %broadcast_in_dim3A_493 = arith.constant 1.000000e+00 : f32
      %broadcast_in_dim3A_494 = vector.broadcast %broadcast_in_dim3A_493 : f32 to vector<16xf32>
      %swap3A_495 = arith.constant 7 : i32
      %swap3A_496 = arith.index_cast %swap3A_495 : i32 to index
      %swap3A_497 = arith.constant 80 : index
      %swap3A_498 = tpu.vector_load %arg7[%swap3A_496, %swap3A_497] {strides = array<i32>} : memref<8x128xf32, #tpu.memory_space<vmem>>, vector<1x16xf32>,
      %swap3A_499 = vector.shape_cast %swap3A_498 : vector<1x16xf32> to vector<16xf32>
      %swap3A_500 = vector.shape_cast %broadcast_in_dim3A_494 : vector<16xf32> to vector<1x16xf32>
      tpu.vector_store %arg7[%swap3A_496, %swap3A_497], %swap3A_500 {strides = array<i32>} : memref<8x128xf32, #tpu.memory_space<vmem>>, vector<1x16xf32>,
      %broadcast_in_dim3A_501 = arith.constant 1.000000e+00 : f32
      %broadcast_in_dim3A_502 = vector.broadcast %broadcast_in_dim3A_501 : f32 to vector<16xf32>
      %swap3A_503 = arith.constant 7 : i32
      %swap3A_504 = arith.index_cast %swap3A_503 : i32 to index
      %swap3A_505 = arith.constant 96 : index
      %swap3A_506 = tpu.vector_load %arg7[%swap3A_504, %swap3A_505] {strides = array<i32>} : memref<8x128xf32, #tpu.memory_space<vmem>>, vector<1x16xf32>,
      %swap3A_507 = vector.shape_cast %swap3A_506 : vector<1x16xf32> to vector<16xf32>
      %swap3A_508 = vector.shape_cast %broadcast_in_dim3A_502 : vector<16xf32> to vector<1x16xf32>
      tpu.vector_store %arg7[%swap3A_504, %swap3A_505], %swap3A_508 {strides = array<i32>} : memref<8x128xf32, #tpu.memory_space<vmem>>, vector<1x16xf32>,
      %broadcast_in_dim3A_509 = arith.constant 1.000000e+00 : f32
      %broadcast_in_dim3A_510 = vector.broadcast %broadcast_in_dim3A_509 : f32 to vector<16xf32>
      %swap3A_511 = arith.constant 7 : i32
      %swap3A_512 = arith.index_cast %swap3A_511 : i32 to index
      %swap3A_513 = arith.constant 112 : index
      %swap3A_514 = tpu.vector_load %arg7[%swap3A_512, %swap3A_513] {strides = array<i32>} : memref<8x128xf32, #tpu.memory_space<vmem>>, vector<1x16xf32>,
      %swap3A_515 = vector.shape_cast %swap3A_514 : vector<1x16xf32> to vector<16xf32>
      %swap3A_516 = vector.shape_cast %broadcast_in_dim3A_510 : vector<16xf32> to vector<1x16xf32>
      tpu.vector_store %arg7[%swap3A_512, %swap3A_513], %swap3A_516 {strides = array<i32>} : memref<8x128xf32, #tpu.memory_space<vmem>>, vector<1x16xf32>,
      %mul3A = arith.constant 8 : i32
      %mul3A_517 = arith.muli %arg1, %mul3A : i32
      "tpu.region"() ({
        %run_scoped3A_557 = tpu.sem_alloc : memref<!tpu.dma_semaphore, #tpu.memory_space<semaphore_mem>>
        %dma_start3A = arith.constant 0 : i32
        %dma_start3A_558 = tpu.memref_slice %arg2[%mul3A_517, %dma_start3A] : memref<128x128xi32, #tpu.memory_space<hbm>> -> memref<8x128xi32, #tpu.memory_space<hbm>>
        %dma_start3A_559 = arith.constant 0 : i32
        %dma_start3A_560 = tpu.memref_slice %arg2[%mul3A_517, %dma_start3A_559] : memref<128x128xi32, #tpu.memory_space<hbm>> -> memref<8x128xi32, #tpu.memory_space<hbm>>
        tpu.enqueue_dma source(%dma_start3A_560 : memref<8x128xi32, #tpu.memory_space<hbm>>) target(%arg5 : memref<8x128xi32, #tpu.memory_space<vmem>>) target_semaphore(%run_scoped3A_557 : memref<!tpu.dma_semaphore, #tpu.memory_space<semaphore_mem>>)
        %dma_wait3A = arith.constant 0 : i32
        %dma_wait3A_561 = tpu.memref_slice %arg2[%mul3A_517, %dma_wait3A] : memref<128x128xi32, #tpu.memory_space<hbm>> -> memref<8x128xi32, #tpu.memory_space<hbm>>
        %dma_wait3A_562 = arith.constant 0 : i32
        %dma_wait3A_563 = tpu.memref_slice %arg2[%mul3A_517, %dma_wait3A_562] : memref<128x128xi32, #tpu.memory_space<hbm>> -> memref<8x128xi32, #tpu.memory_space<hbm>>
        tpu.wait_dma2 semaphore(%run_scoped3A_557 : memref<!tpu.dma_semaphore, #tpu.memory_space<semaphore_mem>>) src(%dma_wait3A_563 : memref<8x128xi32, #tpu.memory_space<hbm>>) dst(%arg5 : memref<8x128xi32, #tpu.memory_space<vmem>>)
        tpu.yield
      }) : () -> ()
      %mul3A_518 = arith.constant 8 : i32
      %mul3A_519 = arith.muli %arg1, %mul3A_518 : i32
      "tpu.region"() ({
        %run_scoped3A_557 = tpu.sem_alloc : memref<!tpu.dma_semaphore, #tpu.memory_space<semaphore_mem>>
        %dma_start3A = arith.constant 0 : i32
        %dma_start3A_558 = tpu.memref_slice %arg3[%mul3A_519, %dma_start3A] : memref<128x128xf32, #tpu.memory_space<hbm>> -> memref<8x128xf32, #tpu.memory_space<hbm>>
        %dma_start3A_559 = arith.constant 0 : i32
        %dma_start3A_560 = tpu.memref_slice %arg3[%mul3A_519, %dma_start3A_559] : memref<128x128xf32, #tpu.memory_space<hbm>> -> memref<8x128xf32, #tpu.memory_space<hbm>>
        tpu.enqueue_dma source(%dma_start3A_560 : memref<8x128xf32, #tpu.memory_space<hbm>>) target(%arg6 : memref<8x128xf32, #tpu.memory_space<vmem>>) target_semaphore(%run_scoped3A_557 : memref<!tpu.dma_semaphore, #tpu.memory_space<semaphore_mem>>)
        %dma_wait3A = arith.constant 0 : i32
        %dma_wait3A_561 = tpu.memref_slice %arg3[%mul3A_519, %dma_wait3A] : memref<128x128xf32, #tpu.memory_space<hbm>> -> memref<8x128xf32, #tpu.memory_space<hbm>>
        %dma_wait3A_562 = arith.constant 0 : i32
        %dma_wait3A_563 = tpu.memref_slice %arg3[%mul3A_519, %dma_wait3A_562] : memref<128x128xf32, #tpu.memory_space<hbm>> -> memref<8x128xf32, #tpu.memory_space<hbm>>
        tpu.wait_dma2 semaphore(%run_scoped3A_557 : memref<!tpu.dma_semaphore, #tpu.memory_space<semaphore_mem>>) src(%dma_wait3A_563 : memref<8x128xf32, #tpu.memory_space<hbm>>) dst(%arg6 : memref<8x128xf32, #tpu.memory_space<vmem>>)
        tpu.yield
      }) : () -> ()
      %barrier3A = arith.constant 0 : index
      tpu.barrier barrier_id(%barrier3A)
      %run_scoped3A = arith.constant 0 : i32
      %run_scoped3A_520 = arith.constant 0 : i32
      "tpu.region"() ({
        %run_scoped3A_557 = tpu.sem_alloc : memref<!tpu.dma_semaphore, #tpu.memory_space<semaphore_mem>>
        %dma_start3A = arith.constant 0 : i32
        %dma_start3A_558 = tpu.memref_slice %arg6[%run_scoped3A, %dma_start3A] : memref<8x128xf32, #tpu.memory_space<vmem>> -> memref<1x128xf32, #tpu.memory_space<vmem>>
        %dma_start3A_559 = tpu.memref_squeeze %dma_start3A_558 : memref<1x128xf32, #tpu.memory_space<vmem>> -> memref<128xf32, #tpu.memory_space<vmem>>
        %dma_start3A_560 = arith.constant 0 : i32
        %dma_start3A_561 = tpu.memref_slice %arg5[%run_scoped3A_520, %dma_start3A_560] : memref<8x128xi32, #tpu.memory_space<vmem>> -> memref<1x128xi32, #tpu.memory_space<vmem>>
        %dma_start3A_562 = tpu.memref_squeeze %dma_start3A_561 : memref<1x128xi32, #tpu.memory_space<vmem>> -> memref<128xi32, #tpu.memory_space<vmem>>
        %dma_start3A_563 = arith.constant 0 : i32
        %dma_start3A_564 = tpu.memref_slice %arg14[%dma_start3A_563] : memref<1024xf32, #tpu.memory_space<vmem_shared>> -> memref<1024xf32, #tpu.memory_space<vmem_shared>>
        tpu.enqueue_indirect_dma source(%dma_start3A_559 : memref<128xf32, #tpu.memory_space<vmem>>) target(%dma_start3A_564 : memref<1024xf32, #tpu.memory_space<vmem_shared>>) offsets(%dma_start3A_562 : memref<128xi32, #tpu.memory_space<vmem>>) semaphore(%run_scoped3A_557 : memref<!tpu.dma_semaphore, #tpu.memory_space<semaphore_mem>>) {add = true}
        %dma_wait3A = arith.constant 0 : i32
        %dma_wait3A_565 = tpu.memref_slice %arg6[%run_scoped3A, %dma_wait3A] : memref<8x128xf32, #tpu.memory_space<vmem>> -> memref<1x128xf32, #tpu.memory_space<vmem>>
        %dma_wait3A_566 = tpu.memref_squeeze %dma_wait3A_565 : memref<1x128xf32, #tpu.memory_space<vmem>> -> memref<128xf32, #tpu.memory_space<vmem>>
        %dma_wait3A_567 = arith.constant 0 : i32
        %dma_wait3A_568 = tpu.memref_slice %arg5[%run_scoped3A_520, %dma_wait3A_567] : memref<8x128xi32, #tpu.memory_space<vmem>> -> memref<1x128xi32, #tpu.memory_space<vmem>>
        %dma_wait3A_569 = tpu.memref_squeeze %dma_wait3A_568 : memref<1x128xi32, #tpu.memory_space<vmem>> -> memref<128xi32, #tpu.memory_space<vmem>>
        %dma_wait3A_570 = arith.constant 0 : i32
        %dma_wait3A_571 = tpu.memref_slice %arg14[%dma_wait3A_570] : memref<1024xf32, #tpu.memory_space<vmem_shared>> -> memref<1024xf32, #tpu.memory_space<vmem_shared>>
        tpu.wait_indirect_dma semaphore(%run_scoped3A_557 : memref<!tpu.dma_semaphore, #tpu.memory_space<semaphore_mem>>) src(%dma_wait3A_566 : memref<128xf32, #tpu.memory_space<vmem>>) dst(%dma_wait3A_571 : memref<1024xf32, #tpu.memory_space<vmem_shared>>)
        tpu.yield
      }) : () -> ()
      %run_scoped3A_521 = arith.constant 0 : i32
      %run_scoped3A_522 = arith.constant 0 : i32
      "tpu.region"() ({
        %run_scoped3A_557 = tpu.sem_alloc : memref<!tpu.dma_semaphore, #tpu.memory_space<semaphore_mem>>
        %dma_start3A = arith.constant 0 : i32
        %dma_start3A_558 = tpu.memref_slice %arg7[%run_scoped3A_521, %dma_start3A] : memref<8x128xf32, #tpu.memory_space<vmem>> -> memref<1x128xf32, #tpu.memory_space<vmem>>
        %dma_start3A_559 = tpu.memref_squeeze %dma_start3A_558 : memref<1x128xf32, #tpu.memory_space<vmem>> -> memref<128xf32, #tpu.memory_space<vmem>>
        %dma_start3A_560 = arith.constant 0 : i32
        %dma_start3A_561 = tpu.memref_slice %arg5[%run_scoped3A_522, %dma_start3A_560] : memref<8x128xi32, #tpu.memory_space<vmem>> -> memref<1x128xi32, #tpu.memory_space<vmem>>
        %dma_start3A_562 = tpu.memref_squeeze %dma_start3A_561 : memref<1x128xi32, #tpu.memory_space<vmem>> -> memref<128xi32, #tpu.memory_space<vmem>>
        %dma_start3A_563 = arith.constant 0 : i32
        %dma_start3A_564 = tpu.memref_slice %arg13[%dma_start3A_563] : memref<1024xf32, #tpu.memory_space<vmem_shared>> -> memref<1024xf32, #tpu.memory_space<vmem_shared>>
        tpu.enqueue_indirect_dma source(%dma_start3A_559 : memref<128xf32, #tpu.memory_space<vmem>>) target(%dma_start3A_564 : memref<1024xf32, #tpu.memory_space<vmem_shared>>) offsets(%dma_start3A_562 : memref<128xi32, #tpu.memory_space<vmem>>) semaphore(%run_scoped3A_557 : memref<!tpu.dma_semaphore, #tpu.memory_space<semaphore_mem>>) {add = true}
        %dma_wait3A = arith.constant 0 : i32
        %dma_wait3A_565 = tpu.memref_slice %arg7[%run_scoped3A_521, %dma_wait3A] : memref<8x128xf32, #tpu.memory_space<vmem>> -> memref<1x128xf32, #tpu.memory_space<vmem>>
        %dma_wait3A_566 = tpu.memref_squeeze %dma_wait3A_565 : memref<1x128xf32, #tpu.memory_space<vmem>> -> memref<128xf32, #tpu.memory_space<vmem>>
        %dma_wait3A_567 = arith.constant 0 : i32
        %dma_wait3A_568 = tpu.memref_slice %arg5[%run_scoped3A_522, %dma_wait3A_567] : memref<8x128xi32, #tpu.memory_space<vmem>> -> memref<1x128xi32, #tpu.memory_space<vmem>>
        %dma_wait3A_569 = tpu.memref_squeeze %dma_wait3A_568 : memref<1x128xi32, #tpu.memory_space<vmem>> -> memref<128xi32, #tpu.memory_space<vmem>>
        %dma_wait3A_570 = arith.constant 0 : i32
        %dma_wait3A_571 = tpu.memref_slice %arg13[%dma_wait3A_570] : memref<1024xf32, #tpu.memory_space<vmem_shared>> -> memref<1024xf32, #tpu.memory_space<vmem_shared>>
        tpu.wait_indirect_dma semaphore(%run_scoped3A_557 : memref<!tpu.dma_semaphore, #tpu.memory_space<semaphore_mem>>) src(%dma_wait3A_566 : memref<128xf32, #tpu.memory_space<vmem>>) dst(%dma_wait3A_571 : memref<1024xf32, #tpu.memory_space<vmem_shared>>)
        tpu.yield
      }) : () -> ()
      %run_scoped3A_523 = arith.constant 1 : i32
      %run_scoped3A_524 = arith.constant 1 : i32
      "tpu.region"() ({
        %run_scoped3A_557 = tpu.sem_alloc : memref<!tpu.dma_semaphore, #tpu.memory_space<semaphore_mem>>
        %dma_start3A = arith.constant 0 : i32
        %dma_start3A_558 = tpu.memref_slice %arg6[%run_scoped3A_523, %dma_start3A] : memref<8x128xf32, #tpu.memory_space<vmem>> -> memref<1x128xf32, #tpu.memory_space<vmem>>
        %dma_start3A_559 = tpu.memref_squeeze %dma_start3A_558 : memref<1x128xf32, #tpu.memory_space<vmem>> -> memref<128xf32, #tpu.memory_space<vmem>>
        %dma_start3A_560 = arith.constant 0 : i32
        %dma_start3A_561 = tpu.memref_slice %arg5[%run_scoped3A_524, %dma_start3A_560] : memref<8x128xi32, #tpu.memory_space<vmem>> -> memref<1x128xi32, #tpu.memory_space<vmem>>
        %dma_start3A_562 = tpu.memref_squeeze %dma_start3A_561 : memref<1x128xi32, #tpu.memory_space<vmem>> -> memref<128xi32, #tpu.memory_space<vmem>>
        %dma_start3A_563 = arith.constant 0 : i32
        %dma_start3A_564 = tpu.memref_slice %arg14[%dma_start3A_563] : memref<1024xf32, #tpu.memory_space<vmem_shared>> -> memref<1024xf32, #tpu.memory_space<vmem_shared>>
        tpu.enqueue_indirect_dma source(%dma_start3A_559 : memref<128xf32, #tpu.memory_space<vmem>>) target(%dma_start3A_564 : memref<1024xf32, #tpu.memory_space<vmem_shared>>) offsets(%dma_start3A_562 : memref<128xi32, #tpu.memory_space<vmem>>) semaphore(%run_scoped3A_557 : memref<!tpu.dma_semaphore, #tpu.memory_space<semaphore_mem>>) {add = true}
        %dma_wait3A = arith.constant 0 : i32
        %dma_wait3A_565 = tpu.memref_slice %arg6[%run_scoped3A_523, %dma_wait3A] : memref<8x128xf32, #tpu.memory_space<vmem>> -> memref<1x128xf32, #tpu.memory_space<vmem>>
        %dma_wait3A_566 = tpu.memref_squeeze %dma_wait3A_565 : memref<1x128xf32, #tpu.memory_space<vmem>> -> memref<128xf32, #tpu.memory_space<vmem>>
        %dma_wait3A_567 = arith.constant 0 : i32
        %dma_wait3A_568 = tpu.memref_slice %arg5[%run_scoped3A_524, %dma_wait3A_567] : memref<8x128xi32, #tpu.memory_space<vmem>> -> memref<1x128xi32, #tpu.memory_space<vmem>>
        %dma_wait3A_569 = tpu.memref_squeeze %dma_wait3A_568 : memref<1x128xi32, #tpu.memory_space<vmem>> -> memref<128xi32, #tpu.memory_space<vmem>>
        %dma_wait3A_570 = arith.constant 0 : i32
        %dma_wait3A_571 = tpu.memref_slice %arg14[%dma_wait3A_570] : memref<1024xf32, #tpu.memory_space<vmem_shared>> -> memref<1024xf32, #tpu.memory_space<vmem_shared>>
        tpu.wait_indirect_dma semaphore(%run_scoped3A_557 : memref<!tpu.dma_semaphore, #tpu.memory_space<semaphore_mem>>) src(%dma_wait3A_566 : memref<128xf32, #tpu.memory_space<vmem>>) dst(%dma_wait3A_571 : memref<1024xf32, #tpu.memory_space<vmem_shared>>)
        tpu.yield
      }) : () -> ()
      %run_scoped3A_525 = arith.constant 1 : i32
      %run_scoped3A_526 = arith.constant 1 : i32
      "tpu.region"() ({
        %run_scoped3A_557 = tpu.sem_alloc : memref<!tpu.dma_semaphore, #tpu.memory_space<semaphore_mem>>
        %dma_start3A = arith.constant 0 : i32
        %dma_start3A_558 = tpu.memref_slice %arg7[%run_scoped3A_525, %dma_start3A] : memref<8x128xf32, #tpu.memory_space<vmem>> -> memref<1x128xf32, #tpu.memory_space<vmem>>
        %dma_start3A_559 = tpu.memref_squeeze %dma_start3A_558 : memref<1x128xf32, #tpu.memory_space<vmem>> -> memref<128xf32, #tpu.memory_space<vmem>>
        %dma_start3A_560 = arith.constant 0 : i32
        %dma_start3A_561 = tpu.memref_slice %arg5[%run_scoped3A_526, %dma_start3A_560] : memref<8x128xi32, #tpu.memory_space<vmem>> -> memref<1x128xi32, #tpu.memory_space<vmem>>
        %dma_start3A_562 = tpu.memref_squeeze %dma_start3A_561 : memref<1x128xi32, #tpu.memory_space<vmem>> -> memref<128xi32, #tpu.memory_space<vmem>>
        %dma_start3A_563 = arith.constant 0 : i32
        %dma_start3A_564 = tpu.memref_slice %arg13[%dma_start3A_563] : memref<1024xf32, #tpu.memory_space<vmem_shared>> -> memref<1024xf32, #tpu.memory_space<vmem_shared>>
        tpu.enqueue_indirect_dma source(%dma_start3A_559 : memref<128xf32, #tpu.memory_space<vmem>>) target(%dma_start3A_564 : memref<1024xf32, #tpu.memory_space<vmem_shared>>) offsets(%dma_start3A_562 : memref<128xi32, #tpu.memory_space<vmem>>) semaphore(%run_scoped3A_557 : memref<!tpu.dma_semaphore, #tpu.memory_space<semaphore_mem>>) {add = true}
        %dma_wait3A = arith.constant 0 : i32
        %dma_wait3A_565 = tpu.memref_slice %arg7[%run_scoped3A_525, %dma_wait3A] : memref<8x128xf32, #tpu.memory_space<vmem>> -> memref<1x128xf32, #tpu.memory_space<vmem>>
        %dma_wait3A_566 = tpu.memref_squeeze %dma_wait3A_565 : memref<1x128xf32, #tpu.memory_space<vmem>> -> memref<128xf32, #tpu.memory_space<vmem>>
        %dma_wait3A_567 = arith.constant 0 : i32
        %dma_wait3A_568 = tpu.memref_slice %arg5[%run_scoped3A_526, %dma_wait3A_567] : memref<8x128xi32, #tpu.memory_space<vmem>> -> memref<1x128xi32, #tpu.memory_space<vmem>>
        %dma_wait3A_569 = tpu.memref_squeeze %dma_wait3A_568 : memref<1x128xi32, #tpu.memory_space<vmem>> -> memref<128xi32, #tpu.memory_space<vmem>>
        %dma_wait3A_570 = arith.constant 0 : i32
        %dma_wait3A_571 = tpu.memref_slice %arg13[%dma_wait3A_570] : memref<1024xf32, #tpu.memory_space<vmem_shared>> -> memref<1024xf32, #tpu.memory_space<vmem_shared>>
        tpu.wait_indirect_dma semaphore(%run_scoped3A_557 : memref<!tpu.dma_semaphore, #tpu.memory_space<semaphore_mem>>) src(%dma_wait3A_566 : memref<128xf32, #tpu.memory_space<vmem>>) dst(%dma_wait3A_571 : memref<1024xf32, #tpu.memory_space<vmem_shared>>)
        tpu.yield
      }) : () -> ()
      %run_scoped3A_527 = arith.constant 2 : i32
      %run_scoped3A_528 = arith.constant 2 : i32
      "tpu.region"() ({
        %run_scoped3A_557 = tpu.sem_alloc : memref<!tpu.dma_semaphore, #tpu.memory_space<semaphore_mem>>
        %dma_start3A = arith.constant 0 : i32
        %dma_start3A_558 = tpu.memref_slice %arg6[%run_scoped3A_527, %dma_start3A] : memref<8x128xf32, #tpu.memory_space<vmem>> -> memref<1x128xf32, #tpu.memory_space<vmem>>
        %dma_start3A_559 = tpu.memref_squeeze %dma_start3A_558 : memref<1x128xf32, #tpu.memory_space<vmem>> -> memref<128xf32, #tpu.memory_space<vmem>>
        %dma_start3A_560 = arith.constant 0 : i32
        %dma_start3A_561 = tpu.memref_slice %arg5[%run_scoped3A_528, %dma_start3A_560] : memref<8x128xi32, #tpu.memory_space<vmem>> -> memref<1x128xi32, #tpu.memory_space<vmem>>
        %dma_start3A_562 = tpu.memref_squeeze %dma_start3A_561 : memref<1x128xi32, #tpu.memory_space<vmem>> -> memref<128xi32, #tpu.memory_space<vmem>>
        %dma_start3A_563 = arith.constant 0 : i32
        %dma_start3A_564 = tpu.memref_slice %arg14[%dma_start3A_563] : memref<1024xf32, #tpu.memory_space<vmem_shared>> -> memref<1024xf32, #tpu.memory_space<vmem_shared>>
        tpu.enqueue_indirect_dma source(%dma_start3A_559 : memref<128xf32, #tpu.memory_space<vmem>>) target(%dma_start3A_564 : memref<1024xf32, #tpu.memory_space<vmem_shared>>) offsets(%dma_start3A_562 : memref<128xi32, #tpu.memory_space<vmem>>) semaphore(%run_scoped3A_557 : memref<!tpu.dma_semaphore, #tpu.memory_space<semaphore_mem>>) {add = true}
        %dma_wait3A = arith.constant 0 : i32
        %dma_wait3A_565 = tpu.memref_slice %arg6[%run_scoped3A_527, %dma_wait3A] : memref<8x128xf32, #tpu.memory_space<vmem>> -> memref<1x128xf32, #tpu.memory_space<vmem>>
        %dma_wait3A_566 = tpu.memref_squeeze %dma_wait3A_565 : memref<1x128xf32, #tpu.memory_space<vmem>> -> memref<128xf32, #tpu.memory_space<vmem>>
        %dma_wait3A_567 = arith.constant 0 : i32
        %dma_wait3A_568 = tpu.memref_slice %arg5[%run_scoped3A_528, %dma_wait3A_567] : memref<8x128xi32, #tpu.memory_space<vmem>> -> memref<1x128xi32, #tpu.memory_space<vmem>>
        %dma_wait3A_569 = tpu.memref_squeeze %dma_wait3A_568 : memref<1x128xi32, #tpu.memory_space<vmem>> -> memref<128xi32, #tpu.memory_space<vmem>>
        %dma_wait3A_570 = arith.constant 0 : i32
        %dma_wait3A_571 = tpu.memref_slice %arg14[%dma_wait3A_570] : memref<1024xf32, #tpu.memory_space<vmem_shared>> -> memref<1024xf32, #tpu.memory_space<vmem_shared>>
        tpu.wait_indirect_dma semaphore(%run_scoped3A_557 : memref<!tpu.dma_semaphore, #tpu.memory_space<semaphore_mem>>) src(%dma_wait3A_566 : memref<128xf32, #tpu.memory_space<vmem>>) dst(%dma_wait3A_571 : memref<1024xf32, #tpu.memory_space<vmem_shared>>)
        tpu.yield
      }) : () -> ()
      %run_scoped3A_529 = arith.constant 2 : i32
      %run_scoped3A_530 = arith.constant 2 : i32
      "tpu.region"() ({
        %run_scoped3A_557 = tpu.sem_alloc : memref<!tpu.dma_semaphore, #tpu.memory_space<semaphore_mem>>
        %dma_start3A = arith.constant 0 : i32
        %dma_start3A_558 = tpu.memref_slice %arg7[%run_scoped3A_529, %dma_start3A] : memref<8x128xf32, #tpu.memory_space<vmem>> -> memref<1x128xf32, #tpu.memory_space<vmem>>
        %dma_start3A_559 = tpu.memref_squeeze %dma_start3A_558 : memref<1x128xf32, #tpu.memory_space<vmem>> -> memref<128xf32, #tpu.memory_space<vmem>>
        %dma_start3A_560 = arith.constant 0 : i32
        %dma_start3A_561 = tpu.memref_slice %arg5[%run_scoped3A_530, %dma_start3A_560] : memref<8x128xi32, #tpu.memory_space<vmem>> -> memref<1x128xi32, #tpu.memory_space<vmem>>
        %dma_start3A_562 = tpu.memref_squeeze %dma_start3A_561 : memref<1x128xi32, #tpu.memory_space<vmem>> -> memref<128xi32, #tpu.memory_space<vmem>>
        %dma_start3A_563 = arith.constant 0 : i32
        %dma_start3A_564 = tpu.memref_slice %arg13[%dma_start3A_563] : memref<1024xf32, #tpu.memory_space<vmem_shared>> -> memref<1024xf32, #tpu.memory_space<vmem_shared>>
        tpu.enqueue_indirect_dma source(%dma_start3A_559 : memref<128xf32, #tpu.memory_space<vmem>>) target(%dma_start3A_564 : memref<1024xf32, #tpu.memory_space<vmem_shared>>) offsets(%dma_start3A_562 : memref<128xi32, #tpu.memory_space<vmem>>) semaphore(%run_scoped3A_557 : memref<!tpu.dma_semaphore, #tpu.memory_space<semaphore_mem>>) {add = true}
        %dma_wait3A = arith.constant 0 : i32
        %dma_wait3A_565 = tpu.memref_slice %arg7[%run_scoped3A_529, %dma_wait3A] : memref<8x128xf32, #tpu.memory_space<vmem>> -> memref<1x128xf32, #tpu.memory_space<vmem>>
        %dma_wait3A_566 = tpu.memref_squeeze %dma_wait3A_565 : memref<1x128xf32, #tpu.memory_space<vmem>> -> memref<128xf32, #tpu.memory_space<vmem>>
        %dma_wait3A_567 = arith.constant 0 : i32
        %dma_wait3A_568 = tpu.memref_slice %arg5[%run_scoped3A_530, %dma_wait3A_567] : memref<8x128xi32, #tpu.memory_space<vmem>> -> memref<1x128xi32, #tpu.memory_space<vmem>>
        %dma_wait3A_569 = tpu.memref_squeeze %dma_wait3A_568 : memref<1x128xi32, #tpu.memory_space<vmem>> -> memref<128xi32, #tpu.memory_space<vmem>>
        %dma_wait3A_570 = arith.constant 0 : i32
        %dma_wait3A_571 = tpu.memref_slice %arg13[%dma_wait3A_570] : memref<1024xf32, #tpu.memory_space<vmem_shared>> -> memref<1024xf32, #tpu.memory_space<vmem_shared>>
        tpu.wait_indirect_dma semaphore(%run_scoped3A_557 : memref<!tpu.dma_semaphore, #tpu.memory_space<semaphore_mem>>) src(%dma_wait3A_566 : memref<128xf32, #tpu.memory_space<vmem>>) dst(%dma_wait3A_571 : memref<1024xf32, #tpu.memory_space<vmem_shared>>)
        tpu.yield
      }) : () -> ()
      %run_scoped3A_531 = arith.constant 3 : i32
      %run_scoped3A_532 = arith.constant 3 : i32
      "tpu.region"() ({
        %run_scoped3A_557 = tpu.sem_alloc : memref<!tpu.dma_semaphore, #tpu.memory_space<semaphore_mem>>
        %dma_start3A = arith.constant 0 : i32
        %dma_start3A_558 = tpu.memref_slice %arg6[%run_scoped3A_531, %dma_start3A] : memref<8x128xf32, #tpu.memory_space<vmem>> -> memref<1x128xf32, #tpu.memory_space<vmem>>
        %dma_start3A_559 = tpu.memref_squeeze %dma_start3A_558 : memref<1x128xf32, #tpu.memory_space<vmem>> -> memref<128xf32, #tpu.memory_space<vmem>>
        %dma_start3A_560 = arith.constant 0 : i32
        %dma_start3A_561 = tpu.memref_slice %arg5[%run_scoped3A_532, %dma_start3A_560] : memref<8x128xi32, #tpu.memory_space<vmem>> -> memref<1x128xi32, #tpu.memory_space<vmem>>
        %dma_start3A_562 = tpu.memref_squeeze %dma_start3A_561 : memref<1x128xi32, #tpu.memory_space<vmem>> -> memref<128xi32, #tpu.memory_space<vmem>>
        %dma_start3A_563 = arith.constant 0 : i32
        %dma_start3A_564 = tpu.memref_slice %arg14[%dma_start3A_563] : memref<1024xf32, #tpu.memory_space<vmem_shared>> -> memref<1024xf32, #tpu.memory_space<vmem_shared>>
        tpu.enqueue_indirect_dma source(%dma_start3A_559 : memref<128xf32, #tpu.memory_space<vmem>>) target(%dma_start3A_564 : memref<1024xf32, #tpu.memory_space<vmem_shared>>) offsets(%dma_start3A_562 : memref<128xi32, #tpu.memory_space<vmem>>) semaphore(%run_scoped3A_557 : memref<!tpu.dma_semaphore, #tpu.memory_space<semaphore_mem>>) {add = true}
        %dma_wait3A = arith.constant 0 : i32
        %dma_wait3A_565 = tpu.memref_slice %arg6[%run_scoped3A_531, %dma_wait3A] : memref<8x128xf32, #tpu.memory_space<vmem>> -> memref<1x128xf32, #tpu.memory_space<vmem>>
        %dma_wait3A_566 = tpu.memref_squeeze %dma_wait3A_565 : memref<1x128xf32, #tpu.memory_space<vmem>> -> memref<128xf32, #tpu.memory_space<vmem>>
        %dma_wait3A_567 = arith.constant 0 : i32
        %dma_wait3A_568 = tpu.memref_slice %arg5[%run_scoped3A_532, %dma_wait3A_567] : memref<8x128xi32, #tpu.memory_space<vmem>> -> memref<1x128xi32, #tpu.memory_space<vmem>>
        %dma_wait3A_569 = tpu.memref_squeeze %dma_wait3A_568 : memref<1x128xi32, #tpu.memory_space<vmem>> -> memref<128xi32, #tpu.memory_space<vmem>>
        %dma_wait3A_570 = arith.constant 0 : i32
        %dma_wait3A_571 = tpu.memref_slice %arg14[%dma_wait3A_570] : memref<1024xf32, #tpu.memory_space<vmem_shared>> -> memref<1024xf32, #tpu.memory_space<vmem_shared>>
        tpu.wait_indirect_dma semaphore(%run_scoped3A_557 : memref<!tpu.dma_semaphore, #tpu.memory_space<semaphore_mem>>) src(%dma_wait3A_566 : memref<128xf32, #tpu.memory_space<vmem>>) dst(%dma_wait3A_571 : memref<1024xf32, #tpu.memory_space<vmem_shared>>)
        tpu.yield
      }) : () -> ()
      %run_scoped3A_533 = arith.constant 3 : i32
      %run_scoped3A_534 = arith.constant 3 : i32
      "tpu.region"() ({
        %run_scoped3A_557 = tpu.sem_alloc : memref<!tpu.dma_semaphore, #tpu.memory_space<semaphore_mem>>
        %dma_start3A = arith.constant 0 : i32
        %dma_start3A_558 = tpu.memref_slice %arg7[%run_scoped3A_533, %dma_start3A] : memref<8x128xf32, #tpu.memory_space<vmem>> -> memref<1x128xf32, #tpu.memory_space<vmem>>
        %dma_start3A_559 = tpu.memref_squeeze %dma_start3A_558 : memref<1x128xf32, #tpu.memory_space<vmem>> -> memref<128xf32, #tpu.memory_space<vmem>>
        %dma_start3A_560 = arith.constant 0 : i32
        %dma_start3A_561 = tpu.memref_slice %arg5[%run_scoped3A_534, %dma_start3A_560] : memref<8x128xi32, #tpu.memory_space<vmem>> -> memref<1x128xi32, #tpu.memory_space<vmem>>
        %dma_start3A_562 = tpu.memref_squeeze %dma_start3A_561 : memref<1x128xi32, #tpu.memory_space<vmem>> -> memref<128xi32, #tpu.memory_space<vmem>>
        %dma_start3A_563 = arith.constant 0 : i32
        %dma_start3A_564 = tpu.memref_slice %arg13[%dma_start3A_563] : memref<1024xf32, #tpu.memory_space<vmem_shared>> -> memref<1024xf32, #tpu.memory_space<vmem_shared>>
        tpu.enqueue_indirect_dma source(%dma_start3A_559 : memref<128xf32, #tpu.memory_space<vmem>>) target(%dma_start3A_564 : memref<1024xf32, #tpu.memory_space<vmem_shared>>) offsets(%dma_start3A_562 : memref<128xi32, #tpu.memory_space<vmem>>) semaphore(%run_scoped3A_557 : memref<!tpu.dma_semaphore, #tpu.memory_space<semaphore_mem>>) {add = true}
        %dma_wait3A = arith.constant 0 : i32
        %dma_wait3A_565 = tpu.memref_slice %arg7[%run_scoped3A_533, %dma_wait3A] : memref<8x128xf32, #tpu.memory_space<vmem>> -> memref<1x128xf32, #tpu.memory_space<vmem>>
        %dma_wait3A_566 = tpu.memref_squeeze %dma_wait3A_565 : memref<1x128xf32, #tpu.memory_space<vmem>> -> memref<128xf32, #tpu.memory_space<vmem>>
        %dma_wait3A_567 = arith.constant 0 : i32
        %dma_wait3A_568 = tpu.memref_slice %arg5[%run_scoped3A_534, %dma_wait3A_567] : memref<8x128xi32, #tpu.memory_space<vmem>> -> memref<1x128xi32, #tpu.memory_space<vmem>>
        %dma_wait3A_569 = tpu.memref_squeeze %dma_wait3A_568 : memref<1x128xi32, #tpu.memory_space<vmem>> -> memref<128xi32, #tpu.memory_space<vmem>>
        %dma_wait3A_570 = arith.constant 0 : i32
        %dma_wait3A_571 = tpu.memref_slice %arg13[%dma_wait3A_570] : memref<1024xf32, #tpu.memory_space<vmem_shared>> -> memref<1024xf32, #tpu.memory_space<vmem_shared>>
        tpu.wait_indirect_dma semaphore(%run_scoped3A_557 : memref<!tpu.dma_semaphore, #tpu.memory_space<semaphore_mem>>) src(%dma_wait3A_566 : memref<128xf32, #tpu.memory_space<vmem>>) dst(%dma_wait3A_571 : memref<1024xf32, #tpu.memory_space<vmem_shared>>)
        tpu.yield
      }) : () -> ()
      %run_scoped3A_535 = arith.constant 4 : i32
      %run_scoped3A_536 = arith.constant 4 : i32
      "tpu.region"() ({
        %run_scoped3A_557 = tpu.sem_alloc : memref<!tpu.dma_semaphore, #tpu.memory_space<semaphore_mem>>
        %dma_start3A = arith.constant 0 : i32
        %dma_start3A_558 = tpu.memref_slice %arg6[%run_scoped3A_535, %dma_start3A] : memref<8x128xf32, #tpu.memory_space<vmem>> -> memref<1x128xf32, #tpu.memory_space<vmem>>
        %dma_start3A_559 = tpu.memref_squeeze %dma_start3A_558 : memref<1x128xf32, #tpu.memory_space<vmem>> -> memref<128xf32, #tpu.memory_space<vmem>>
        %dma_start3A_560 = arith.constant 0 : i32
        %dma_start3A_561 = tpu.memref_slice %arg5[%run_scoped3A_536, %dma_start3A_560] : memref<8x128xi32, #tpu.memory_space<vmem>> -> memref<1x128xi32, #tpu.memory_space<vmem>>
        %dma_start3A_562 = tpu.memref_squeeze %dma_start3A_561 : memref<1x128xi32, #tpu.memory_space<vmem>> -> memref<128xi32, #tpu.memory_space<vmem>>
        %dma_start3A_563 = arith.constant 0 : i32
        %dma_start3A_564 = tpu.memref_slice %arg14[%dma_start3A_563] : memref<1024xf32, #tpu.memory_space<vmem_shared>> -> memref<1024xf32, #tpu.memory_space<vmem_shared>>
        tpu.enqueue_indirect_dma source(%dma_start3A_559 : memref<128xf32, #tpu.memory_space<vmem>>) target(%dma_start3A_564 : memref<1024xf32, #tpu.memory_space<vmem_shared>>) offsets(%dma_start3A_562 : memref<128xi32, #tpu.memory_space<vmem>>) semaphore(%run_scoped3A_557 : memref<!tpu.dma_semaphore, #tpu.memory_space<semaphore_mem>>) {add = true}
        %dma_wait3A = arith.constant 0 : i32
        %dma_wait3A_565 = tpu.memref_slice %arg6[%run_scoped3A_535, %dma_wait3A] : memref<8x128xf32, #tpu.memory_space<vmem>> -> memref<1x128xf32, #tpu.memory_space<vmem>>
        %dma_wait3A_566 = tpu.memref_squeeze %dma_wait3A_565 : memref<1x128xf32, #tpu.memory_space<vmem>> -> memref<128xf32, #tpu.memory_space<vmem>>
        %dma_wait3A_567 = arith.constant 0 : i32
        %dma_wait3A_568 = tpu.memref_slice %arg5[%run_scoped3A_536, %dma_wait3A_567] : memref<8x128xi32, #tpu.memory_space<vmem>> -> memref<1x128xi32, #tpu.memory_space<vmem>>
        %dma_wait3A_569 = tpu.memref_squeeze %dma_wait3A_568 : memref<1x128xi32, #tpu.memory_space<vmem>> -> memref<128xi32, #tpu.memory_space<vmem>>
        %dma_wait3A_570 = arith.constant 0 : i32
        %dma_wait3A_571 = tpu.memref_slice %arg14[%dma_wait3A_570] : memref<1024xf32, #tpu.memory_space<vmem_shared>> -> memref<1024xf32, #tpu.memory_space<vmem_shared>>
        tpu.wait_indirect_dma semaphore(%run_scoped3A_557 : memref<!tpu.dma_semaphore, #tpu.memory_space<semaphore_mem>>) src(%dma_wait3A_566 : memref<128xf32, #tpu.memory_space<vmem>>) dst(%dma_wait3A_571 : memref<1024xf32, #tpu.memory_space<vmem_shared>>)
        tpu.yield
      }) : () -> ()
      %run_scoped3A_537 = arith.constant 4 : i32
      %run_scoped3A_538 = arith.constant 4 : i32
      "tpu.region"() ({
        %run_scoped3A_557 = tpu.sem_alloc : memref<!tpu.dma_semaphore, #tpu.memory_space<semaphore_mem>>
        %dma_start3A = arith.constant 0 : i32
        %dma_start3A_558 = tpu.memref_slice %arg7[%run_scoped3A_537, %dma_start3A] : memref<8x128xf32, #tpu.memory_space<vmem>> -> memref<1x128xf32, #tpu.memory_space<vmem>>
        %dma_start3A_559 = tpu.memref_squeeze %dma_start3A_558 : memref<1x128xf32, #tpu.memory_space<vmem>> -> memref<128xf32, #tpu.memory_space<vmem>>
        %dma_start3A_560 = arith.constant 0 : i32
        %dma_start3A_561 = tpu.memref_slice %arg5[%run_scoped3A_538, %dma_start3A_560] : memref<8x128xi32, #tpu.memory_space<vmem>> -> memref<1x128xi32, #tpu.memory_space<vmem>>
        %dma_start3A_562 = tpu.memref_squeeze %dma_start3A_561 : memref<1x128xi32, #tpu.memory_space<vmem>> -> memref<128xi32, #tpu.memory_space<vmem>>
        %dma_start3A_563 = arith.constant 0 : i32
        %dma_start3A_564 = tpu.memref_slice %arg13[%dma_start3A_563] : memref<1024xf32, #tpu.memory_space<vmem_shared>> -> memref<1024xf32, #tpu.memory_space<vmem_shared>>
        tpu.enqueue_indirect_dma source(%dma_start3A_559 : memref<128xf32, #tpu.memory_space<vmem>>) target(%dma_start3A_564 : memref<1024xf32, #tpu.memory_space<vmem_shared>>) offsets(%dma_start3A_562 : memref<128xi32, #tpu.memory_space<vmem>>) semaphore(%run_scoped3A_557 : memref<!tpu.dma_semaphore, #tpu.memory_space<semaphore_mem>>) {add = true}
        %dma_wait3A = arith.constant 0 : i32
        %dma_wait3A_565 = tpu.memref_slice %arg7[%run_scoped3A_537, %dma_wait3A] : memref<8x128xf32, #tpu.memory_space<vmem>> -> memref<1x128xf32, #tpu.memory_space<vmem>>
        %dma_wait3A_566 = tpu.memref_squeeze %dma_wait3A_565 : memref<1x128xf32, #tpu.memory_space<vmem>> -> memref<128xf32, #tpu.memory_space<vmem>>
        %dma_wait3A_567 = arith.constant 0 : i32
        %dma_wait3A_568 = tpu.memref_slice %arg5[%run_scoped3A_538, %dma_wait3A_567] : memref<8x128xi32, #tpu.memory_space<vmem>> -> memref<1x128xi32, #tpu.memory_space<vmem>>
        %dma_wait3A_569 = tpu.memref_squeeze %dma_wait3A_568 : memref<1x128xi32, #tpu.memory_space<vmem>> -> memref<128xi32, #tpu.memory_space<vmem>>
        %dma_wait3A_570 = arith.constant 0 : i32
        %dma_wait3A_571 = tpu.memref_slice %arg13[%dma_wait3A_570] : memref<1024xf32, #tpu.memory_space<vmem_shared>> -> memref<1024xf32, #tpu.memory_space<vmem_shared>>
        tpu.wait_indirect_dma semaphore(%run_scoped3A_557 : memref<!tpu.dma_semaphore, #tpu.memory_space<semaphore_mem>>) src(%dma_wait3A_566 : memref<128xf32, #tpu.memory_space<vmem>>) dst(%dma_wait3A_571 : memref<1024xf32, #tpu.memory_space<vmem_shared>>)
        tpu.yield
      }) : () -> ()
      %run_scoped3A_539 = arith.constant 5 : i32
      %run_scoped3A_540 = arith.constant 5 : i32
      "tpu.region"() ({
        %run_scoped3A_557 = tpu.sem_alloc : memref<!tpu.dma_semaphore, #tpu.memory_space<semaphore_mem>>
        %dma_start3A = arith.constant 0 : i32
        %dma_start3A_558 = tpu.memref_slice %arg6[%run_scoped3A_539, %dma_start3A] : memref<8x128xf32, #tpu.memory_space<vmem>> -> memref<1x128xf32, #tpu.memory_space<vmem>>
        %dma_start3A_559 = tpu.memref_squeeze %dma_start3A_558 : memref<1x128xf32, #tpu.memory_space<vmem>> -> memref<128xf32, #tpu.memory_space<vmem>>
        %dma_start3A_560 = arith.constant 0 : i32
        %dma_start3A_561 = tpu.memref_slice %arg5[%run_scoped3A_540, %dma_start3A_560] : memref<8x128xi32, #tpu.memory_space<vmem>> -> memref<1x128xi32, #tpu.memory_space<vmem>>
        %dma_start3A_562 = tpu.memref_squeeze %dma_start3A_561 : memref<1x128xi32, #tpu.memory_space<vmem>> -> memref<128xi32, #tpu.memory_space<vmem>>
        %dma_start3A_563 = arith.constant 0 : i32
        %dma_start3A_564 = tpu.memref_slice %arg14[%dma_start3A_563] : memref<1024xf32, #tpu.memory_space<vmem_shared>> -> memref<1024xf32, #tpu.memory_space<vmem_shared>>
        tpu.enqueue_indirect_dma source(%dma_start3A_559 : memref<128xf32, #tpu.memory_space<vmem>>) target(%dma_start3A_564 : memref<1024xf32, #tpu.memory_space<vmem_shared>>) offsets(%dma_start3A_562 : memref<128xi32, #tpu.memory_space<vmem>>) semaphore(%run_scoped3A_557 : memref<!tpu.dma_semaphore, #tpu.memory_space<semaphore_mem>>) {add = true}
        %dma_wait3A = arith.constant 0 : i32
        %dma_wait3A_565 = tpu.memref_slice %arg6[%run_scoped3A_539, %dma_wait3A] : memref<8x128xf32, #tpu.memory_space<vmem>> -> memref<1x128xf32, #tpu.memory_space<vmem>>
        %dma_wait3A_566 = tpu.memref_squeeze %dma_wait3A_565 : memref<1x128xf32, #tpu.memory_space<vmem>> -> memref<128xf32, #tpu.memory_space<vmem>>
        %dma_wait3A_567 = arith.constant 0 : i32
        %dma_wait3A_568 = tpu.memref_slice %arg5[%run_scoped3A_540, %dma_wait3A_567] : memref<8x128xi32, #tpu.memory_space<vmem>> -> memref<1x128xi32, #tpu.memory_space<vmem>>
        %dma_wait3A_569 = tpu.memref_squeeze %dma_wait3A_568 : memref<1x128xi32, #tpu.memory_space<vmem>> -> memref<128xi32, #tpu.memory_space<vmem>>
        %dma_wait3A_570 = arith.constant 0 : i32
        %dma_wait3A_571 = tpu.memref_slice %arg14[%dma_wait3A_570] : memref<1024xf32, #tpu.memory_space<vmem_shared>> -> memref<1024xf32, #tpu.memory_space<vmem_shared>>
        tpu.wait_indirect_dma semaphore(%run_scoped3A_557 : memref<!tpu.dma_semaphore, #tpu.memory_space<semaphore_mem>>) src(%dma_wait3A_566 : memref<128xf32, #tpu.memory_space<vmem>>) dst(%dma_wait3A_571 : memref<1024xf32, #tpu.memory_space<vmem_shared>>)
        tpu.yield
      }) : () -> ()
      %run_scoped3A_541 = arith.constant 5 : i32
      %run_scoped3A_542 = arith.constant 5 : i32
      "tpu.region"() ({
        %run_scoped3A_557 = tpu.sem_alloc : memref<!tpu.dma_semaphore, #tpu.memory_space<semaphore_mem>>
        %dma_start3A = arith.constant 0 : i32
        %dma_start3A_558 = tpu.memref_slice %arg7[%run_scoped3A_541, %dma_start3A] : memref<8x128xf32, #tpu.memory_space<vmem>> -> memref<1x128xf32, #tpu.memory_space<vmem>>
        %dma_start3A_559 = tpu.memref_squeeze %dma_start3A_558 : memref<1x128xf32, #tpu.memory_space<vmem>> -> memref<128xf32, #tpu.memory_space<vmem>>
        %dma_start3A_560 = arith.constant 0 : i32
        %dma_start3A_561 = tpu.memref_slice %arg5[%run_scoped3A_542, %dma_start3A_560] : memref<8x128xi32, #tpu.memory_space<vmem>> -> memref<1x128xi32, #tpu.memory_space<vmem>>
        %dma_start3A_562 = tpu.memref_squeeze %dma_start3A_561 : memref<1x128xi32, #tpu.memory_space<vmem>> -> memref<128xi32, #tpu.memory_space<vmem>>
        %dma_start3A_563 = arith.constant 0 : i32
        %dma_start3A_564 = tpu.memref_slice %arg13[%dma_start3A_563] : memref<1024xf32, #tpu.memory_space<vmem_shared>> -> memref<1024xf32, #tpu.memory_space<vmem_shared>>
        tpu.enqueue_indirect_dma source(%dma_start3A_559 : memref<128xf32, #tpu.memory_space<vmem>>) target(%dma_start3A_564 : memref<1024xf32, #tpu.memory_space<vmem_shared>>) offsets(%dma_start3A_562 : memref<128xi32, #tpu.memory_space<vmem>>) semaphore(%run_scoped3A_557 : memref<!tpu.dma_semaphore, #tpu.memory_space<semaphore_mem>>) {add = true}
        %dma_wait3A = arith.constant 0 : i32
        %dma_wait3A_565 = tpu.memref_slice %arg7[%run_scoped3A_541, %dma_wait3A] : memref<8x128xf32, #tpu.memory_space<vmem>> -> memref<1x128xf32, #tpu.memory_space<vmem>>
        %dma_wait3A_566 = tpu.memref_squeeze %dma_wait3A_565 : memref<1x128xf32, #tpu.memory_space<vmem>> -> memref<128xf32, #tpu.memory_space<vmem>>
        %dma_wait3A_567 = arith.constant 0 : i32
        %dma_wait3A_568 = tpu.memref_slice %arg5[%run_scoped3A_542, %dma_wait3A_567] : memref<8x128xi32, #tpu.memory_space<vmem>> -> memref<1x128xi32, #tpu.memory_space<vmem>>
        %dma_wait3A_569 = tpu.memref_squeeze %dma_wait3A_568 : memref<1x128xi32, #tpu.memory_space<vmem>> -> memref<128xi32, #tpu.memory_space<vmem>>
        %dma_wait3A_570 = arith.constant 0 : i32
        %dma_wait3A_571 = tpu.memref_slice %arg13[%dma_wait3A_570] : memref<1024xf32, #tpu.memory_space<vmem_shared>> -> memref<1024xf32, #tpu.memory_space<vmem_shared>>
        tpu.wait_indirect_dma semaphore(%run_scoped3A_557 : memref<!tpu.dma_semaphore, #tpu.memory_space<semaphore_mem>>) src(%dma_wait3A_566 : memref<128xf32, #tpu.memory_space<vmem>>) dst(%dma_wait3A_571 : memref<1024xf32, #tpu.memory_space<vmem_shared>>)
        tpu.yield
      }) : () -> ()
      %run_scoped3A_543 = arith.constant 6 : i32
      %run_scoped3A_544 = arith.constant 6 : i32
      "tpu.region"() ({
        %run_scoped3A_557 = tpu.sem_alloc : memref<!tpu.dma_semaphore, #tpu.memory_space<semaphore_mem>>
        %dma_start3A = arith.constant 0 : i32
        %dma_start3A_558 = tpu.memref_slice %arg6[%run_scoped3A_543, %dma_start3A] : memref<8x128xf32, #tpu.memory_space<vmem>> -> memref<1x128xf32, #tpu.memory_space<vmem>>
        %dma_start3A_559 = tpu.memref_squeeze %dma_start3A_558 : memref<1x128xf32, #tpu.memory_space<vmem>> -> memref<128xf32, #tpu.memory_space<vmem>>
        %dma_start3A_560 = arith.constant 0 : i32
        %dma_start3A_561 = tpu.memref_slice %arg5[%run_scoped3A_544, %dma_start3A_560] : memref<8x128xi32, #tpu.memory_space<vmem>> -> memref<1x128xi32, #tpu.memory_space<vmem>>
        %dma_start3A_562 = tpu.memref_squeeze %dma_start3A_561 : memref<1x128xi32, #tpu.memory_space<vmem>> -> memref<128xi32, #tpu.memory_space<vmem>>
        %dma_start3A_563 = arith.constant 0 : i32
        %dma_start3A_564 = tpu.memref_slice %arg14[%dma_start3A_563] : memref<1024xf32, #tpu.memory_space<vmem_shared>> -> memref<1024xf32, #tpu.memory_space<vmem_shared>>
        tpu.enqueue_indirect_dma source(%dma_start3A_559 : memref<128xf32, #tpu.memory_space<vmem>>) target(%dma_start3A_564 : memref<1024xf32, #tpu.memory_space<vmem_shared>>) offsets(%dma_start3A_562 : memref<128xi32, #tpu.memory_space<vmem>>) semaphore(%run_scoped3A_557 : memref<!tpu.dma_semaphore, #tpu.memory_space<semaphore_mem>>) {add = true}
        %dma_wait3A = arith.constant 0 : i32
        %dma_wait3A_565 = tpu.memref_slice %arg6[%run_scoped3A_543, %dma_wait3A] : memref<8x128xf32, #tpu.memory_space<vmem>> -> memref<1x128xf32, #tpu.memory_space<vmem>>
        %dma_wait3A_566 = tpu.memref_squeeze %dma_wait3A_565 : memref<1x128xf32, #tpu.memory_space<vmem>> -> memref<128xf32, #tpu.memory_space<vmem>>
        %dma_wait3A_567 = arith.constant 0 : i32
        %dma_wait3A_568 = tpu.memref_slice %arg5[%run_scoped3A_544, %dma_wait3A_567] : memref<8x128xi32, #tpu.memory_space<vmem>> -> memref<1x128xi32, #tpu.memory_space<vmem>>
        %dma_wait3A_569 = tpu.memref_squeeze %dma_wait3A_568 : memref<1x128xi32, #tpu.memory_space<vmem>> -> memref<128xi32, #tpu.memory_space<vmem>>
        %dma_wait3A_570 = arith.constant 0 : i32
        %dma_wait3A_571 = tpu.memref_slice %arg14[%dma_wait3A_570] : memref<1024xf32, #tpu.memory_space<vmem_shared>> -> memref<1024xf32, #tpu.memory_space<vmem_shared>>
        tpu.wait_indirect_dma semaphore(%run_scoped3A_557 : memref<!tpu.dma_semaphore, #tpu.memory_space<semaphore_mem>>) src(%dma_wait3A_566 : memref<128xf32, #tpu.memory_space<vmem>>) dst(%dma_wait3A_571 : memref<1024xf32, #tpu.memory_space<vmem_shared>>)
        tpu.yield
      }) : () -> ()
      %run_scoped3A_545 = arith.constant 6 : i32
      %run_scoped3A_546 = arith.constant 6 : i32
      "tpu.region"() ({
        %run_scoped3A_557 = tpu.sem_alloc : memref<!tpu.dma_semaphore, #tpu.memory_space<semaphore_mem>>
        %dma_start3A = arith.constant 0 : i32
        %dma_start3A_558 = tpu.memref_slice %arg7[%run_scoped3A_545, %dma_start3A] : memref<8x128xf32, #tpu.memory_space<vmem>> -> memref<1x128xf32, #tpu.memory_space<vmem>>
        %dma_start3A_559 = tpu.memref_squeeze %dma_start3A_558 : memref<1x128xf32, #tpu.memory_space<vmem>> -> memref<128xf32, #tpu.memory_space<vmem>>
        %dma_start3A_560 = arith.constant 0 : i32
        %dma_start3A_561 = tpu.memref_slice %arg5[%run_scoped3A_546, %dma_start3A_560] : memref<8x128xi32, #tpu.memory_space<vmem>> -> memref<1x128xi32, #tpu.memory_space<vmem>>
        %dma_start3A_562 = tpu.memref_squeeze %dma_start3A_561 : memref<1x128xi32, #tpu.memory_space<vmem>> -> memref<128xi32, #tpu.memory_space<vmem>>
        %dma_start3A_563 = arith.constant 0 : i32
        %dma_start3A_564 = tpu.memref_slice %arg13[%dma_start3A_563] : memref<1024xf32, #tpu.memory_space<vmem_shared>> -> memref<1024xf32, #tpu.memory_space<vmem_shared>>
        tpu.enqueue_indirect_dma source(%dma_start3A_559 : memref<128xf32, #tpu.memory_space<vmem>>) target(%dma_start3A_564 : memref<1024xf32, #tpu.memory_space<vmem_shared>>) offsets(%dma_start3A_562 : memref<128xi32, #tpu.memory_space<vmem>>) semaphore(%run_scoped3A_557 : memref<!tpu.dma_semaphore, #tpu.memory_space<semaphore_mem>>) {add = true}
        %dma_wait3A = arith.constant 0 : i32
        %dma_wait3A_565 = tpu.memref_slice %arg7[%run_scoped3A_545, %dma_wait3A] : memref<8x128xf32, #tpu.memory_space<vmem>> -> memref<1x128xf32, #tpu.memory_space<vmem>>
        %dma_wait3A_566 = tpu.memref_squeeze %dma_wait3A_565 : memref<1x128xf32, #tpu.memory_space<vmem>> -> memref<128xf32, #tpu.memory_space<vmem>>
        %dma_wait3A_567 = arith.constant 0 : i32
        %dma_wait3A_568 = tpu.memref_slice %arg5[%run_scoped3A_546, %dma_wait3A_567] : memref<8x128xi32, #tpu.memory_space<vmem>> -> memref<1x128xi32, #tpu.memory_space<vmem>>
        %dma_wait3A_569 = tpu.memref_squeeze %dma_wait3A_568 : memref<1x128xi32, #tpu.memory_space<vmem>> -> memref<128xi32, #tpu.memory_space<vmem>>
        %dma_wait3A_570 = arith.constant 0 : i32
        %dma_wait3A_571 = tpu.memref_slice %arg13[%dma_wait3A_570] : memref<1024xf32, #tpu.memory_space<vmem_shared>> -> memref<1024xf32, #tpu.memory_space<vmem_shared>>
        tpu.wait_indirect_dma semaphore(%run_scoped3A_557 : memref<!tpu.dma_semaphore, #tpu.memory_space<semaphore_mem>>) src(%dma_wait3A_566 : memref<128xf32, #tpu.memory_space<vmem>>) dst(%dma_wait3A_571 : memref<1024xf32, #tpu.memory_space<vmem_shared>>)
        tpu.yield
      }) : () -> ()
      %run_scoped3A_547 = arith.constant 7 : i32
      %run_scoped3A_548 = arith.constant 7 : i32
      "tpu.region"() ({
        %run_scoped3A_557 = tpu.sem_alloc : memref<!tpu.dma_semaphore, #tpu.memory_space<semaphore_mem>>
        %dma_start3A = arith.constant 0 : i32
        %dma_start3A_558 = tpu.memref_slice %arg6[%run_scoped3A_547, %dma_start3A] : memref<8x128xf32, #tpu.memory_space<vmem>> -> memref<1x128xf32, #tpu.memory_space<vmem>>
        %dma_start3A_559 = tpu.memref_squeeze %dma_start3A_558 : memref<1x128xf32, #tpu.memory_space<vmem>> -> memref<128xf32, #tpu.memory_space<vmem>>
        %dma_start3A_560 = arith.constant 0 : i32
        %dma_start3A_561 = tpu.memref_slice %arg5[%run_scoped3A_548, %dma_start3A_560] : memref<8x128xi32, #tpu.memory_space<vmem>> -> memref<1x128xi32, #tpu.memory_space<vmem>>
        %dma_start3A_562 = tpu.memref_squeeze %dma_start3A_561 : memref<1x128xi32, #tpu.memory_space<vmem>> -> memref<128xi32, #tpu.memory_space<vmem>>
        %dma_start3A_563 = arith.constant 0 : i32
        %dma_start3A_564 = tpu.memref_slice %arg14[%dma_start3A_563] : memref<1024xf32, #tpu.memory_space<vmem_shared>> -> memref<1024xf32, #tpu.memory_space<vmem_shared>>
        tpu.enqueue_indirect_dma source(%dma_start3A_559 : memref<128xf32, #tpu.memory_space<vmem>>) target(%dma_start3A_564 : memref<1024xf32, #tpu.memory_space<vmem_shared>>) offsets(%dma_start3A_562 : memref<128xi32, #tpu.memory_space<vmem>>) semaphore(%run_scoped3A_557 : memref<!tpu.dma_semaphore, #tpu.memory_space<semaphore_mem>>) {add = true}
        %dma_wait3A = arith.constant 0 : i32
        %dma_wait3A_565 = tpu.memref_slice %arg6[%run_scoped3A_547, %dma_wait3A] : memref<8x128xf32, #tpu.memory_space<vmem>> -> memref<1x128xf32, #tpu.memory_space<vmem>>
        %dma_wait3A_566 = tpu.memref_squeeze %dma_wait3A_565 : memref<1x128xf32, #tpu.memory_space<vmem>> -> memref<128xf32, #tpu.memory_space<vmem>>
        %dma_wait3A_567 = arith.constant 0 : i32
        %dma_wait3A_568 = tpu.memref_slice %arg5[%run_scoped3A_548, %dma_wait3A_567] : memref<8x128xi32, #tpu.memory_space<vmem>> -> memref<1x128xi32, #tpu.memory_space<vmem>>
        %dma_wait3A_569 = tpu.memref_squeeze %dma_wait3A_568 : memref<1x128xi32, #tpu.memory_space<vmem>> -> memref<128xi32, #tpu.memory_space<vmem>>
        %dma_wait3A_570 = arith.constant 0 : i32
        %dma_wait3A_571 = tpu.memref_slice %arg14[%dma_wait3A_570] : memref<1024xf32, #tpu.memory_space<vmem_shared>> -> memref<1024xf32, #tpu.memory_space<vmem_shared>>
        tpu.wait_indirect_dma semaphore(%run_scoped3A_557 : memref<!tpu.dma_semaphore, #tpu.memory_space<semaphore_mem>>) src(%dma_wait3A_566 : memref<128xf32, #tpu.memory_space<vmem>>) dst(%dma_wait3A_571 : memref<1024xf32, #tpu.memory_space<vmem_shared>>)
        tpu.yield
      }) : () -> ()
      %run_scoped3A_549 = arith.constant 7 : i32
      %run_scoped3A_550 = arith.constant 7 : i32
      "tpu.region"() ({
        %run_scoped3A_557 = tpu.sem_alloc : memref<!tpu.dma_semaphore, #tpu.memory_space<semaphore_mem>>
        %dma_start3A = arith.constant 0 : i32
        %dma_start3A_558 = tpu.memref_slice %arg7[%run_scoped3A_549, %dma_start3A] : memref<8x128xf32, #tpu.memory_space<vmem>> -> memref<1x128xf32, #tpu.memory_space<vmem>>
        %dma_start3A_559 = tpu.memref_squeeze %dma_start3A_558 : memref<1x128xf32, #tpu.memory_space<vmem>> -> memref<128xf32, #tpu.memory_space<vmem>>
        %dma_start3A_560 = arith.constant 0 : i32
        %dma_start3A_561 = tpu.memref_slice %arg5[%run_scoped3A_550, %dma_start3A_560] : memref<8x128xi32, #tpu.memory_space<vmem>> -> memref<1x128xi32, #tpu.memory_space<vmem>>
        %dma_start3A_562 = tpu.memref_squeeze %dma_start3A_561 : memref<1x128xi32, #tpu.memory_space<vmem>> -> memref<128xi32, #tpu.memory_space<vmem>>
        %dma_start3A_563 = arith.constant 0 : i32
        %dma_start3A_564 = tpu.memref_slice %arg13[%dma_start3A_563] : memref<1024xf32, #tpu.memory_space<vmem_shared>> -> memref<1024xf32, #tpu.memory_space<vmem_shared>>
        tpu.enqueue_indirect_dma source(%dma_start3A_559 : memref<128xf32, #tpu.memory_space<vmem>>) target(%dma_start3A_564 : memref<1024xf32, #tpu.memory_space<vmem_shared>>) offsets(%dma_start3A_562 : memref<128xi32, #tpu.memory_space<vmem>>) semaphore(%run_scoped3A_557 : memref<!tpu.dma_semaphore, #tpu.memory_space<semaphore_mem>>) {add = true}
        %dma_wait3A = arith.constant 0 : i32
        %dma_wait3A_565 = tpu.memref_slice %arg7[%run_scoped3A_549, %dma_wait3A] : memref<8x128xf32, #tpu.memory_space<vmem>> -> memref<1x128xf32, #tpu.memory_space<vmem>>
        %dma_wait3A_566 = tpu.memref_squeeze %dma_wait3A_565 : memref<1x128xf32, #tpu.memory_space<vmem>> -> memref<128xf32, #tpu.memory_space<vmem>>
        %dma_wait3A_567 = arith.constant 0 : i32
        %dma_wait3A_568 = tpu.memref_slice %arg5[%run_scoped3A_550, %dma_wait3A_567] : memref<8x128xi32, #tpu.memory_space<vmem>> -> memref<1x128xi32, #tpu.memory_space<vmem>>
        %dma_wait3A_569 = tpu.memref_squeeze %dma_wait3A_568 : memref<1x128xi32, #tpu.memory_space<vmem>> -> memref<128xi32, #tpu.memory_space<vmem>>
        %dma_wait3A_570 = arith.constant 0 : i32
        %dma_wait3A_571 = tpu.memref_slice %arg13[%dma_wait3A_570] : memref<1024xf32, #tpu.memory_space<vmem_shared>> -> memref<1024xf32, #tpu.memory_space<vmem_shared>>
        tpu.wait_indirect_dma semaphore(%run_scoped3A_557 : memref<!tpu.dma_semaphore, #tpu.memory_space<semaphore_mem>>) src(%dma_wait3A_566 : memref<128xf32, #tpu.memory_space<vmem>>) dst(%dma_wait3A_571 : memref<1024xf32, #tpu.memory_space<vmem_shared>>)
        tpu.yield
      }) : () -> ()
      %barrier3A_551 = arith.constant 0 : index
      tpu.barrier barrier_id(%barrier3A_551)
      %eq3A_552 = arith.constant 0 : i32
      %eq3A_553 = arith.cmpi eq, %arg1, %eq3A_552 : i32
      %convert_element_type3A_554 = arith.extui %eq3A_553 : i1 to i32
      %cond3A_555 = arith.constant 0 : i32
      %cond3A_556 = arith.cmpi ne, %convert_element_type3A_554, %cond3A_555 : i32
      scf.if %cond3A_556 {
        "tpu.region"() ({
          %run_scoped3A_1471 = tpu.sem_alloc : memref<!tpu.dma_semaphore, #tpu.memory_space<semaphore_mem>>
          tpu.enqueue_dma source(%arg13 : memref<1024xf32, #tpu.memory_space<vmem_shared>>) target(%arg8 : memref<1024xf32, #tpu.memory_space<vmem>>) target_semaphore(%run_scoped3A_1471 : memref<!tpu.dma_semaphore, #tpu.memory_space<semaphore_mem>>)
          tpu.wait_dma2 semaphore(%run_scoped3A_1471 : memref<!tpu.dma_semaphore, #tpu.memory_space<semaphore_mem>>) src(%arg13 : memref<1024xf32, #tpu.memory_space<vmem_shared>>) dst(%arg8 : memref<1024xf32, #tpu.memory_space<vmem>>)
          tpu.yield
        }) : () -> ()
        "tpu.region"() ({
          %run_scoped3A_1471 = tpu.sem_alloc : memref<!tpu.dma_semaphore, #tpu.memory_space<semaphore_mem>>
          tpu.enqueue_dma source(%arg14 : memref<1024xf32, #tpu.memory_space<vmem_shared>>) target(%arg9 : memref<1024xf32, #tpu.memory_space<vmem>>) target_semaphore(%run_scoped3A_1471 : memref<!tpu.dma_semaphore, #tpu.memory_space<semaphore_mem>>)
          tpu.wait_dma2 semaphore(%run_scoped3A_1471 : memref<!tpu.dma_semaphore, #tpu.memory_space<semaphore_mem>>) src(%arg14 : memref<1024xf32, #tpu.memory_space<vmem_shared>>) dst(%arg9 : memref<1024xf32, #tpu.memory_space<vmem>>)
          tpu.yield
        }) : () -> ()
        %broadcast_in_dim3A_557 = arith.constant 0.000000e+00 : f32
        %broadcast_in_dim3A_558 = vector.broadcast %broadcast_in_dim3A_557 : f32 to vector<16xf32>
        %get3A = arith.constant 0 : index
        %get3A_559 = tpu.vector_load %arg8[%get3A] {strides = array<i32>} : memref<1024xf32, #tpu.memory_space<vmem>>, vector<16xf32>,
        %get3A_560 = vector.shape_cast %get3A_559 : vector<16xf32> to vector<16xf32>
        %get3A_561 = arith.constant 0 : index
        %get3A_562 = tpu.vector_load %arg9[%get3A_561] {strides = array<i32>} : memref<1024xf32, #tpu.memory_space<vmem>>, vector<16xf32>,
        %get3A_563 = vector.shape_cast %get3A_562 : vector<16xf32> to vector<16xf32>
        %mul3A_564 = arith.constant 6.10351563E-5 : f32
        %mul3A_565 = vector.broadcast %mul3A_564 : f32 to vector<16xf32>
        %mul3A_566 = arith.mulf %get3A_560, %mul3A_565 : vector<16xf32>
        %sub3A = arith.constant 1.000000e+00 : f32
        %sub3A_567 = vector.broadcast %sub3A : f32 to vector<16xf32>
        %sub3A_568 = arith.subf %sub3A_567, %mul3A_566 : vector<16xf32>
        %mul3A_569 = arith.mulf %get3A_563, %sub3A_568 : vector<16xf32>
        %add3A = arith.addf %broadcast_in_dim3A_558, %mul3A_569 : vector<16xf32>
        %get3A_570 = arith.constant 16 : index
        %get3A_571 = tpu.vector_load %arg8[%get3A_570] {strides = array<i32>} : memref<1024xf32, #tpu.memory_space<vmem>>, vector<16xf32>,
        %get3A_572 = vector.shape_cast %get3A_571 : vector<16xf32> to vector<16xf32>
        %get3A_573 = arith.constant 16 : index
        %get3A_574 = tpu.vector_load %arg9[%get3A_573] {strides = array<i32>} : memref<1024xf32, #tpu.memory_space<vmem>>, vector<16xf32>,
        %get3A_575 = vector.shape_cast %get3A_574 : vector<16xf32> to vector<16xf32>
        %mul3A_576 = arith.constant 6.10351563E-5 : f32
        %mul3A_577 = vector.broadcast %mul3A_576 : f32 to vector<16xf32>
        %mul3A_578 = arith.mulf %get3A_572, %mul3A_577 : vector<16xf32>
        %sub3A_579 = arith.constant 1.000000e+00 : f32
        %sub3A_580 = vector.broadcast %sub3A_579 : f32 to vector<16xf32>
        %sub3A_581 = arith.subf %sub3A_580, %mul3A_578 : vector<16xf32>
        %mul3A_582 = arith.mulf %get3A_575, %sub3A_581 : vector<16xf32>
        %add3A_583 = arith.addf %add3A, %mul3A_582 : vector<16xf32>
        %get3A_584 = arith.constant 32 : index
        %get3A_585 = tpu.vector_load %arg8[%get3A_584] {strides = array<i32>} : memref<1024xf32, #tpu.memory_space<vmem>>, vector<16xf32>,
        %get3A_586 = vector.shape_cast %get3A_585 : vector<16xf32> to vector<16xf32>
        %get3A_587 = arith.constant 32 : index
        %get3A_588 = tpu.vector_load %arg9[%get3A_587] {strides = array<i32>} : memref<1024xf32, #tpu.memory_space<vmem>>, vector<16xf32>,
        %get3A_589 = vector.shape_cast %get3A_588 : vector<16xf32> to vector<16xf32>
        %mul3A_590 = arith.constant 6.10351563E-5 : f32
        %mul3A_591 = vector.broadcast %mul3A_590 : f32 to vector<16xf32>
        %mul3A_592 = arith.mulf %get3A_586, %mul3A_591 : vector<16xf32>
        %sub3A_593 = arith.constant 1.000000e+00 : f32
        %sub3A_594 = vector.broadcast %sub3A_593 : f32 to vector<16xf32>
        %sub3A_595 = arith.subf %sub3A_594, %mul3A_592 : vector<16xf32>
        %mul3A_596 = arith.mulf %get3A_589, %sub3A_595 : vector<16xf32>
        %add3A_597 = arith.addf %add3A_583, %mul3A_596 : vector<16xf32>
        %get3A_598 = arith.constant 48 : index
        %get3A_599 = tpu.vector_load %arg8[%get3A_598] {strides = array<i32>} : memref<1024xf32, #tpu.memory_space<vmem>>, vector<16xf32>,
        %get3A_600 = vector.shape_cast %get3A_599 : vector<16xf32> to vector<16xf32>
        %get3A_601 = arith.constant 48 : index
        %get3A_602 = tpu.vector_load %arg9[%get3A_601] {strides = array<i32>} : memref<1024xf32, #tpu.memory_space<vmem>>, vector<16xf32>,
        %get3A_603 = vector.shape_cast %get3A_602 : vector<16xf32> to vector<16xf32>
        %mul3A_604 = arith.constant 6.10351563E-5 : f32
        %mul3A_605 = vector.broadcast %mul3A_604 : f32 to vector<16xf32>
        %mul3A_606 = arith.mulf %get3A_600, %mul3A_605 : vector<16xf32>
        %sub3A_607 = arith.constant 1.000000e+00 : f32
        %sub3A_608 = vector.broadcast %sub3A_607 : f32 to vector<16xf32>
        %sub3A_609 = arith.subf %sub3A_608, %mul3A_606 : vector<16xf32>
        %mul3A_610 = arith.mulf %get3A_603, %sub3A_609 : vector<16xf32>
        %add3A_611 = arith.addf %add3A_597, %mul3A_610 : vector<16xf32>
        %get3A_612 = arith.constant 64 : index
        %get3A_613 = tpu.vector_load %arg8[%get3A_612] {strides = array<i32>} : memref<1024xf32, #tpu.memory_space<vmem>>, vector<16xf32>,
        %get3A_614 = vector.shape_cast %get3A_613 : vector<16xf32> to vector<16xf32>
        %get3A_615 = arith.constant 64 : index
        %get3A_616 = tpu.vector_load %arg9[%get3A_615] {strides = array<i32>} : memref<1024xf32, #tpu.memory_space<vmem>>, vector<16xf32>,
        %get3A_617 = vector.shape_cast %get3A_616 : vector<16xf32> to vector<16xf32>
        %mul3A_618 = arith.constant 6.10351563E-5 : f32
        %mul3A_619 = vector.broadcast %mul3A_618 : f32 to vector<16xf32>
        %mul3A_620 = arith.mulf %get3A_614, %mul3A_619 : vector<16xf32>
        %sub3A_621 = arith.constant 1.000000e+00 : f32
        %sub3A_622 = vector.broadcast %sub3A_621 : f32 to vector<16xf32>
        %sub3A_623 = arith.subf %sub3A_622, %mul3A_620 : vector<16xf32>
        %mul3A_624 = arith.mulf %get3A_617, %sub3A_623 : vector<16xf32>
        %add3A_625 = arith.addf %add3A_611, %mul3A_624 : vector<16xf32>
        %get3A_626 = arith.constant 80 : index
        %get3A_627 = tpu.vector_load %arg8[%get3A_626] {strides = array<i32>} : memref<1024xf32, #tpu.memory_space<vmem>>, vector<16xf32>,
        %get3A_628 = vector.shape_cast %get3A_627 : vector<16xf32> to vector<16xf32>
        %get3A_629 = arith.constant 80 : index
        %get3A_630 = tpu.vector_load %arg9[%get3A_629] {strides = array<i32>} : memref<1024xf32, #tpu.memory_space<vmem>>, vector<16xf32>,
        %get3A_631 = vector.shape_cast %get3A_630 : vector<16xf32> to vector<16xf32>
        %mul3A_632 = arith.constant 6.10351563E-5 : f32
        %mul3A_633 = vector.broadcast %mul3A_632 : f32 to vector<16xf32>
        %mul3A_634 = arith.mulf %get3A_628, %mul3A_633 : vector<16xf32>
        %sub3A_635 = arith.constant 1.000000e+00 : f32
        %sub3A_636 = vector.broadcast %sub3A_635 : f32 to vector<16xf32>
        %sub3A_637 = arith.subf %sub3A_636, %mul3A_634 : vector<16xf32>
        %mul3A_638 = arith.mulf %get3A_631, %sub3A_637 : vector<16xf32>
        %add3A_639 = arith.addf %add3A_625, %mul3A_638 : vector<16xf32>
        %get3A_640 = arith.constant 96 : index
        %get3A_641 = tpu.vector_load %arg8[%get3A_640] {strides = array<i32>} : memref<1024xf32, #tpu.memory_space<vmem>>, vector<16xf32>,
        %get3A_642 = vector.shape_cast %get3A_641 : vector<16xf32> to vector<16xf32>
        %get3A_643 = arith.constant 96 : index
        %get3A_644 = tpu.vector_load %arg9[%get3A_643] {strides = array<i32>} : memref<1024xf32, #tpu.memory_space<vmem>>, vector<16xf32>,
        %get3A_645 = vector.shape_cast %get3A_644 : vector<16xf32> to vector<16xf32>
        %mul3A_646 = arith.constant 6.10351563E-5 : f32
        %mul3A_647 = vector.broadcast %mul3A_646 : f32 to vector<16xf32>
        %mul3A_648 = arith.mulf %get3A_642, %mul3A_647 : vector<16xf32>
        %sub3A_649 = arith.constant 1.000000e+00 : f32
        %sub3A_650 = vector.broadcast %sub3A_649 : f32 to vector<16xf32>
        %sub3A_651 = arith.subf %sub3A_650, %mul3A_648 : vector<16xf32>
        %mul3A_652 = arith.mulf %get3A_645, %sub3A_651 : vector<16xf32>
        %add3A_653 = arith.addf %add3A_639, %mul3A_652 : vector<16xf32>
        %get3A_654 = arith.constant 112 : index
        %get3A_655 = tpu.vector_load %arg8[%get3A_654] {strides = array<i32>} : memref<1024xf32, #tpu.memory_space<vmem>>, vector<16xf32>,
        %get3A_656 = vector.shape_cast %get3A_655 : vector<16xf32> to vector<16xf32>
        %get3A_657 = arith.constant 112 : index
        %get3A_658 = tpu.vector_load %arg9[%get3A_657] {strides = array<i32>} : memref<1024xf32, #tpu.memory_space<vmem>>, vector<16xf32>,
        %get3A_659 = vector.shape_cast %get3A_658 : vector<16xf32> to vector<16xf32>
        %mul3A_660 = arith.constant 6.10351563E-5 : f32
        %mul3A_661 = vector.broadcast %mul3A_660 : f32 to vector<16xf32>
        %mul3A_662 = arith.mulf %get3A_656, %mul3A_661 : vector<16xf32>
        %sub3A_663 = arith.constant 1.000000e+00 : f32
        %sub3A_664 = vector.broadcast %sub3A_663 : f32 to vector<16xf32>
        %sub3A_665 = arith.subf %sub3A_664, %mul3A_662 : vector<16xf32>
        %mul3A_666 = arith.mulf %get3A_659, %sub3A_665 : vector<16xf32>
        %add3A_667 = arith.addf %add3A_653, %mul3A_666 : vector<16xf32>
        %get3A_668 = arith.constant 128 : index
        %get3A_669 = tpu.vector_load %arg8[%get3A_668] {strides = array<i32>} : memref<1024xf32, #tpu.memory_space<vmem>>, vector<16xf32>,
        %get3A_670 = vector.shape_cast %get3A_669 : vector<16xf32> to vector<16xf32>
        %get3A_671 = arith.constant 128 : index
        %get3A_672 = tpu.vector_load %arg9[%get3A_671] {strides = array<i32>} : memref<1024xf32, #tpu.memory_space<vmem>>, vector<16xf32>,
        %get3A_673 = vector.shape_cast %get3A_672 : vector<16xf32> to vector<16xf32>
        %mul3A_674 = arith.constant 6.10351563E-5 : f32
        %mul3A_675 = vector.broadcast %mul3A_674 : f32 to vector<16xf32>
        %mul3A_676 = arith.mulf %get3A_670, %mul3A_675 : vector<16xf32>
        %sub3A_677 = arith.constant 1.000000e+00 : f32
        %sub3A_678 = vector.broadcast %sub3A_677 : f32 to vector<16xf32>
        %sub3A_679 = arith.subf %sub3A_678, %mul3A_676 : vector<16xf32>
        %mul3A_680 = arith.mulf %get3A_673, %sub3A_679 : vector<16xf32>
        %add3A_681 = arith.addf %add3A_667, %mul3A_680 : vector<16xf32>
        %get3A_682 = arith.constant 144 : index
        %get3A_683 = tpu.vector_load %arg8[%get3A_682] {strides = array<i32>} : memref<1024xf32, #tpu.memory_space<vmem>>, vector<16xf32>,
        %get3A_684 = vector.shape_cast %get3A_683 : vector<16xf32> to vector<16xf32>
        %get3A_685 = arith.constant 144 : index
        %get3A_686 = tpu.vector_load %arg9[%get3A_685] {strides = array<i32>} : memref<1024xf32, #tpu.memory_space<vmem>>, vector<16xf32>,
        %get3A_687 = vector.shape_cast %get3A_686 : vector<16xf32> to vector<16xf32>
        %mul3A_688 = arith.constant 6.10351563E-5 : f32
        %mul3A_689 = vector.broadcast %mul3A_688 : f32 to vector<16xf32>
        %mul3A_690 = arith.mulf %get3A_684, %mul3A_689 : vector<16xf32>
        %sub3A_691 = arith.constant 1.000000e+00 : f32
        %sub3A_692 = vector.broadcast %sub3A_691 : f32 to vector<16xf32>
        %sub3A_693 = arith.subf %sub3A_692, %mul3A_690 : vector<16xf32>
        %mul3A_694 = arith.mulf %get3A_687, %sub3A_693 : vector<16xf32>
        %add3A_695 = arith.addf %add3A_681, %mul3A_694 : vector<16xf32>
        %get3A_696 = arith.constant 160 : index
        %get3A_697 = tpu.vector_load %arg8[%get3A_696] {strides = array<i32>} : memref<1024xf32, #tpu.memory_space<vmem>>, vector<16xf32>,
        %get3A_698 = vector.shape_cast %get3A_697 : vector<16xf32> to vector<16xf32>
        %get3A_699 = arith.constant 160 : index
        %get3A_700 = tpu.vector_load %arg9[%get3A_699] {strides = array<i32>} : memref<1024xf32, #tpu.memory_space<vmem>>, vector<16xf32>,
        %get3A_701 = vector.shape_cast %get3A_700 : vector<16xf32> to vector<16xf32>
        %mul3A_702 = arith.constant 6.10351563E-5 : f32
        %mul3A_703 = vector.broadcast %mul3A_702 : f32 to vector<16xf32>
        %mul3A_704 = arith.mulf %get3A_698, %mul3A_703 : vector<16xf32>
        %sub3A_705 = arith.constant 1.000000e+00 : f32
        %sub3A_706 = vector.broadcast %sub3A_705 : f32 to vector<16xf32>
        %sub3A_707 = arith.subf %sub3A_706, %mul3A_704 : vector<16xf32>
        %mul3A_708 = arith.mulf %get3A_701, %sub3A_707 : vector<16xf32>
        %add3A_709 = arith.addf %add3A_695, %mul3A_708 : vector<16xf32>
        %get3A_710 = arith.constant 176 : index
        %get3A_711 = tpu.vector_load %arg8[%get3A_710] {strides = array<i32>} : memref<1024xf32, #tpu.memory_space<vmem>>, vector<16xf32>,
        %get3A_712 = vector.shape_cast %get3A_711 : vector<16xf32> to vector<16xf32>
        %get3A_713 = arith.constant 176 : index
        %get3A_714 = tpu.vector_load %arg9[%get3A_713] {strides = array<i32>} : memref<1024xf32, #tpu.memory_space<vmem>>, vector<16xf32>,
        %get3A_715 = vector.shape_cast %get3A_714 : vector<16xf32> to vector<16xf32>
        %mul3A_716 = arith.constant 6.10351563E-5 : f32
        %mul3A_717 = vector.broadcast %mul3A_716 : f32 to vector<16xf32>
        %mul3A_718 = arith.mulf %get3A_712, %mul3A_717 : vector<16xf32>
        %sub3A_719 = arith.constant 1.000000e+00 : f32
        %sub3A_720 = vector.broadcast %sub3A_719 : f32 to vector<16xf32>
        %sub3A_721 = arith.subf %sub3A_720, %mul3A_718 : vector<16xf32>
        %mul3A_722 = arith.mulf %get3A_715, %sub3A_721 : vector<16xf32>
        %add3A_723 = arith.addf %add3A_709, %mul3A_722 : vector<16xf32>
        %get3A_724 = arith.constant 192 : index
        %get3A_725 = tpu.vector_load %arg8[%get3A_724] {strides = array<i32>} : memref<1024xf32, #tpu.memory_space<vmem>>, vector<16xf32>,
        %get3A_726 = vector.shape_cast %get3A_725 : vector<16xf32> to vector<16xf32>
        %get3A_727 = arith.constant 192 : index
        %get3A_728 = tpu.vector_load %arg9[%get3A_727] {strides = array<i32>} : memref<1024xf32, #tpu.memory_space<vmem>>, vector<16xf32>,
        %get3A_729 = vector.shape_cast %get3A_728 : vector<16xf32> to vector<16xf32>
        %mul3A_730 = arith.constant 6.10351563E-5 : f32
        %mul3A_731 = vector.broadcast %mul3A_730 : f32 to vector<16xf32>
        %mul3A_732 = arith.mulf %get3A_726, %mul3A_731 : vector<16xf32>
        %sub3A_733 = arith.constant 1.000000e+00 : f32
        %sub3A_734 = vector.broadcast %sub3A_733 : f32 to vector<16xf32>
        %sub3A_735 = arith.subf %sub3A_734, %mul3A_732 : vector<16xf32>
        %mul3A_736 = arith.mulf %get3A_729, %sub3A_735 : vector<16xf32>
        %add3A_737 = arith.addf %add3A_723, %mul3A_736 : vector<16xf32>
        %get3A_738 = arith.constant 208 : index
        %get3A_739 = tpu.vector_load %arg8[%get3A_738] {strides = array<i32>} : memref<1024xf32, #tpu.memory_space<vmem>>, vector<16xf32>,
        %get3A_740 = vector.shape_cast %get3A_739 : vector<16xf32> to vector<16xf32>
        %get3A_741 = arith.constant 208 : index
        %get3A_742 = tpu.vector_load %arg9[%get3A_741] {strides = array<i32>} : memref<1024xf32, #tpu.memory_space<vmem>>, vector<16xf32>,
        %get3A_743 = vector.shape_cast %get3A_742 : vector<16xf32> to vector<16xf32>
        %mul3A_744 = arith.constant 6.10351563E-5 : f32
        %mul3A_745 = vector.broadcast %mul3A_744 : f32 to vector<16xf32>
        %mul3A_746 = arith.mulf %get3A_740, %mul3A_745 : vector<16xf32>
        %sub3A_747 = arith.constant 1.000000e+00 : f32
        %sub3A_748 = vector.broadcast %sub3A_747 : f32 to vector<16xf32>
        %sub3A_749 = arith.subf %sub3A_748, %mul3A_746 : vector<16xf32>
        %mul3A_750 = arith.mulf %get3A_743, %sub3A_749 : vector<16xf32>
        %add3A_751 = arith.addf %add3A_737, %mul3A_750 : vector<16xf32>
        %get3A_752 = arith.constant 224 : index
        %get3A_753 = tpu.vector_load %arg8[%get3A_752] {strides = array<i32>} : memref<1024xf32, #tpu.memory_space<vmem>>, vector<16xf32>,
        %get3A_754 = vector.shape_cast %get3A_753 : vector<16xf32> to vector<16xf32>
        %get3A_755 = arith.constant 224 : index
        %get3A_756 = tpu.vector_load %arg9[%get3A_755] {strides = array<i32>} : memref<1024xf32, #tpu.memory_space<vmem>>, vector<16xf32>,
        %get3A_757 = vector.shape_cast %get3A_756 : vector<16xf32> to vector<16xf32>
        %mul3A_758 = arith.constant 6.10351563E-5 : f32
        %mul3A_759 = vector.broadcast %mul3A_758 : f32 to vector<16xf32>
        %mul3A_760 = arith.mulf %get3A_754, %mul3A_759 : vector<16xf32>
        %sub3A_761 = arith.constant 1.000000e+00 : f32
        %sub3A_762 = vector.broadcast %sub3A_761 : f32 to vector<16xf32>
        %sub3A_763 = arith.subf %sub3A_762, %mul3A_760 : vector<16xf32>
        %mul3A_764 = arith.mulf %get3A_757, %sub3A_763 : vector<16xf32>
        %add3A_765 = arith.addf %add3A_751, %mul3A_764 : vector<16xf32>
        %get3A_766 = arith.constant 240 : index
        %get3A_767 = tpu.vector_load %arg8[%get3A_766] {strides = array<i32>} : memref<1024xf32, #tpu.memory_space<vmem>>, vector<16xf32>,
        %get3A_768 = vector.shape_cast %get3A_767 : vector<16xf32> to vector<16xf32>
        %get3A_769 = arith.constant 240 : index
        %get3A_770 = tpu.vector_load %arg9[%get3A_769] {strides = array<i32>} : memref<1024xf32, #tpu.memory_space<vmem>>, vector<16xf32>,
        %get3A_771 = vector.shape_cast %get3A_770 : vector<16xf32> to vector<16xf32>
        %mul3A_772 = arith.constant 6.10351563E-5 : f32
        %mul3A_773 = vector.broadcast %mul3A_772 : f32 to vector<16xf32>
        %mul3A_774 = arith.mulf %get3A_768, %mul3A_773 : vector<16xf32>
        %sub3A_775 = arith.constant 1.000000e+00 : f32
        %sub3A_776 = vector.broadcast %sub3A_775 : f32 to vector<16xf32>
        %sub3A_777 = arith.subf %sub3A_776, %mul3A_774 : vector<16xf32>
        %mul3A_778 = arith.mulf %get3A_771, %sub3A_777 : vector<16xf32>
        %add3A_779 = arith.addf %add3A_765, %mul3A_778 : vector<16xf32>
        %get3A_780 = arith.constant 256 : index
        %get3A_781 = tpu.vector_load %arg8[%get3A_780] {strides = array<i32>} : memref<1024xf32, #tpu.memory_space<vmem>>, vector<16xf32>,
        %get3A_782 = vector.shape_cast %get3A_781 : vector<16xf32> to vector<16xf32>
        %get3A_783 = arith.constant 256 : index
        %get3A_784 = tpu.vector_load %arg9[%get3A_783] {strides = array<i32>} : memref<1024xf32, #tpu.memory_space<vmem>>, vector<16xf32>,
        %get3A_785 = vector.shape_cast %get3A_784 : vector<16xf32> to vector<16xf32>
        %mul3A_786 = arith.constant 6.10351563E-5 : f32
        %mul3A_787 = vector.broadcast %mul3A_786 : f32 to vector<16xf32>
        %mul3A_788 = arith.mulf %get3A_782, %mul3A_787 : vector<16xf32>
        %sub3A_789 = arith.constant 1.000000e+00 : f32
        %sub3A_790 = vector.broadcast %sub3A_789 : f32 to vector<16xf32>
        %sub3A_791 = arith.subf %sub3A_790, %mul3A_788 : vector<16xf32>
        %mul3A_792 = arith.mulf %get3A_785, %sub3A_791 : vector<16xf32>
        %add3A_793 = arith.addf %add3A_779, %mul3A_792 : vector<16xf32>
        %get3A_794 = arith.constant 272 : index
        %get3A_795 = tpu.vector_load %arg8[%get3A_794] {strides = array<i32>} : memref<1024xf32, #tpu.memory_space<vmem>>, vector<16xf32>,
        %get3A_796 = vector.shape_cast %get3A_795 : vector<16xf32> to vector<16xf32>
        %get3A_797 = arith.constant 272 : index
        %get3A_798 = tpu.vector_load %arg9[%get3A_797] {strides = array<i32>} : memref<1024xf32, #tpu.memory_space<vmem>>, vector<16xf32>,
        %get3A_799 = vector.shape_cast %get3A_798 : vector<16xf32> to vector<16xf32>
        %mul3A_800 = arith.constant 6.10351563E-5 : f32
        %mul3A_801 = vector.broadcast %mul3A_800 : f32 to vector<16xf32>
        %mul3A_802 = arith.mulf %get3A_796, %mul3A_801 : vector<16xf32>
        %sub3A_803 = arith.constant 1.000000e+00 : f32
        %sub3A_804 = vector.broadcast %sub3A_803 : f32 to vector<16xf32>
        %sub3A_805 = arith.subf %sub3A_804, %mul3A_802 : vector<16xf32>
        %mul3A_806 = arith.mulf %get3A_799, %sub3A_805 : vector<16xf32>
        %add3A_807 = arith.addf %add3A_793, %mul3A_806 : vector<16xf32>
        %get3A_808 = arith.constant 288 : index
        %get3A_809 = tpu.vector_load %arg8[%get3A_808] {strides = array<i32>} : memref<1024xf32, #tpu.memory_space<vmem>>, vector<16xf32>,
        %get3A_810 = vector.shape_cast %get3A_809 : vector<16xf32> to vector<16xf32>
        %get3A_811 = arith.constant 288 : index
        %get3A_812 = tpu.vector_load %arg9[%get3A_811] {strides = array<i32>} : memref<1024xf32, #tpu.memory_space<vmem>>, vector<16xf32>,
        %get3A_813 = vector.shape_cast %get3A_812 : vector<16xf32> to vector<16xf32>
        %mul3A_814 = arith.constant 6.10351563E-5 : f32
        %mul3A_815 = vector.broadcast %mul3A_814 : f32 to vector<16xf32>
        %mul3A_816 = arith.mulf %get3A_810, %mul3A_815 : vector<16xf32>
        %sub3A_817 = arith.constant 1.000000e+00 : f32
        %sub3A_818 = vector.broadcast %sub3A_817 : f32 to vector<16xf32>
        %sub3A_819 = arith.subf %sub3A_818, %mul3A_816 : vector<16xf32>
        %mul3A_820 = arith.mulf %get3A_813, %sub3A_819 : vector<16xf32>
        %add3A_821 = arith.addf %add3A_807, %mul3A_820 : vector<16xf32>
        %get3A_822 = arith.constant 304 : index
        %get3A_823 = tpu.vector_load %arg8[%get3A_822] {strides = array<i32>} : memref<1024xf32, #tpu.memory_space<vmem>>, vector<16xf32>,
        %get3A_824 = vector.shape_cast %get3A_823 : vector<16xf32> to vector<16xf32>
        %get3A_825 = arith.constant 304 : index
        %get3A_826 = tpu.vector_load %arg9[%get3A_825] {strides = array<i32>} : memref<1024xf32, #tpu.memory_space<vmem>>, vector<16xf32>,
        %get3A_827 = vector.shape_cast %get3A_826 : vector<16xf32> to vector<16xf32>
        %mul3A_828 = arith.constant 6.10351563E-5 : f32
        %mul3A_829 = vector.broadcast %mul3A_828 : f32 to vector<16xf32>
        %mul3A_830 = arith.mulf %get3A_824, %mul3A_829 : vector<16xf32>
        %sub3A_831 = arith.constant 1.000000e+00 : f32
        %sub3A_832 = vector.broadcast %sub3A_831 : f32 to vector<16xf32>
        %sub3A_833 = arith.subf %sub3A_832, %mul3A_830 : vector<16xf32>
        %mul3A_834 = arith.mulf %get3A_827, %sub3A_833 : vector<16xf32>
        %add3A_835 = arith.addf %add3A_821, %mul3A_834 : vector<16xf32>
        %get3A_836 = arith.constant 320 : index
        %get3A_837 = tpu.vector_load %arg8[%get3A_836] {strides = array<i32>} : memref<1024xf32, #tpu.memory_space<vmem>>, vector<16xf32>,
        %get3A_838 = vector.shape_cast %get3A_837 : vector<16xf32> to vector<16xf32>
        %get3A_839 = arith.constant 320 : index
        %get3A_840 = tpu.vector_load %arg9[%get3A_839] {strides = array<i32>} : memref<1024xf32, #tpu.memory_space<vmem>>, vector<16xf32>,
        %get3A_841 = vector.shape_cast %get3A_840 : vector<16xf32> to vector<16xf32>
        %mul3A_842 = arith.constant 6.10351563E-5 : f32
        %mul3A_843 = vector.broadcast %mul3A_842 : f32 to vector<16xf32>
        %mul3A_844 = arith.mulf %get3A_838, %mul3A_843 : vector<16xf32>
        %sub3A_845 = arith.constant 1.000000e+00 : f32
        %sub3A_846 = vector.broadcast %sub3A_845 : f32 to vector<16xf32>
        %sub3A_847 = arith.subf %sub3A_846, %mul3A_844 : vector<16xf32>
        %mul3A_848 = arith.mulf %get3A_841, %sub3A_847 : vector<16xf32>
        %add3A_849 = arith.addf %add3A_835, %mul3A_848 : vector<16xf32>
        %get3A_850 = arith.constant 336 : index
        %get3A_851 = tpu.vector_load %arg8[%get3A_850] {strides = array<i32>} : memref<1024xf32, #tpu.memory_space<vmem>>, vector<16xf32>,
        %get3A_852 = vector.shape_cast %get3A_851 : vector<16xf32> to vector<16xf32>
        %get3A_853 = arith.constant 336 : index
        %get3A_854 = tpu.vector_load %arg9[%get3A_853] {strides = array<i32>} : memref<1024xf32, #tpu.memory_space<vmem>>, vector<16xf32>,
        %get3A_855 = vector.shape_cast %get3A_854 : vector<16xf32> to vector<16xf32>
        %mul3A_856 = arith.constant 6.10351563E-5 : f32
        %mul3A_857 = vector.broadcast %mul3A_856 : f32 to vector<16xf32>
        %mul3A_858 = arith.mulf %get3A_852, %mul3A_857 : vector<16xf32>
        %sub3A_859 = arith.constant 1.000000e+00 : f32
        %sub3A_860 = vector.broadcast %sub3A_859 : f32 to vector<16xf32>
        %sub3A_861 = arith.subf %sub3A_860, %mul3A_858 : vector<16xf32>
        %mul3A_862 = arith.mulf %get3A_855, %sub3A_861 : vector<16xf32>
        %add3A_863 = arith.addf %add3A_849, %mul3A_862 : vector<16xf32>
        %get3A_864 = arith.constant 352 : index
        %get3A_865 = tpu.vector_load %arg8[%get3A_864] {strides = array<i32>} : memref<1024xf32, #tpu.memory_space<vmem>>, vector<16xf32>,
        %get3A_866 = vector.shape_cast %get3A_865 : vector<16xf32> to vector<16xf32>
        %get3A_867 = arith.constant 352 : index
        %get3A_868 = tpu.vector_load %arg9[%get3A_867] {strides = array<i32>} : memref<1024xf32, #tpu.memory_space<vmem>>, vector<16xf32>,
        %get3A_869 = vector.shape_cast %get3A_868 : vector<16xf32> to vector<16xf32>
        %mul3A_870 = arith.constant 6.10351563E-5 : f32
        %mul3A_871 = vector.broadcast %mul3A_870 : f32 to vector<16xf32>
        %mul3A_872 = arith.mulf %get3A_866, %mul3A_871 : vector<16xf32>
        %sub3A_873 = arith.constant 1.000000e+00 : f32
        %sub3A_874 = vector.broadcast %sub3A_873 : f32 to vector<16xf32>
        %sub3A_875 = arith.subf %sub3A_874, %mul3A_872 : vector<16xf32>
        %mul3A_876 = arith.mulf %get3A_869, %sub3A_875 : vector<16xf32>
        %add3A_877 = arith.addf %add3A_863, %mul3A_876 : vector<16xf32>
        %get3A_878 = arith.constant 368 : index
        %get3A_879 = tpu.vector_load %arg8[%get3A_878] {strides = array<i32>} : memref<1024xf32, #tpu.memory_space<vmem>>, vector<16xf32>,
        %get3A_880 = vector.shape_cast %get3A_879 : vector<16xf32> to vector<16xf32>
        %get3A_881 = arith.constant 368 : index
        %get3A_882 = tpu.vector_load %arg9[%get3A_881] {strides = array<i32>} : memref<1024xf32, #tpu.memory_space<vmem>>, vector<16xf32>,
        %get3A_883 = vector.shape_cast %get3A_882 : vector<16xf32> to vector<16xf32>
        %mul3A_884 = arith.constant 6.10351563E-5 : f32
        %mul3A_885 = vector.broadcast %mul3A_884 : f32 to vector<16xf32>
        %mul3A_886 = arith.mulf %get3A_880, %mul3A_885 : vector<16xf32>
        %sub3A_887 = arith.constant 1.000000e+00 : f32
        %sub3A_888 = vector.broadcast %sub3A_887 : f32 to vector<16xf32>
        %sub3A_889 = arith.subf %sub3A_888, %mul3A_886 : vector<16xf32>
        %mul3A_890 = arith.mulf %get3A_883, %sub3A_889 : vector<16xf32>
        %add3A_891 = arith.addf %add3A_877, %mul3A_890 : vector<16xf32>
        %get3A_892 = arith.constant 384 : index
        %get3A_893 = tpu.vector_load %arg8[%get3A_892] {strides = array<i32>} : memref<1024xf32, #tpu.memory_space<vmem>>, vector<16xf32>,
        %get3A_894 = vector.shape_cast %get3A_893 : vector<16xf32> to vector<16xf32>
        %get3A_895 = arith.constant 384 : index
        %get3A_896 = tpu.vector_load %arg9[%get3A_895] {strides = array<i32>} : memref<1024xf32, #tpu.memory_space<vmem>>, vector<16xf32>,
        %get3A_897 = vector.shape_cast %get3A_896 : vector<16xf32> to vector<16xf32>
        %mul3A_898 = arith.constant 6.10351563E-5 : f32
        %mul3A_899 = vector.broadcast %mul3A_898 : f32 to vector<16xf32>
        %mul3A_900 = arith.mulf %get3A_894, %mul3A_899 : vector<16xf32>
        %sub3A_901 = arith.constant 1.000000e+00 : f32
        %sub3A_902 = vector.broadcast %sub3A_901 : f32 to vector<16xf32>
        %sub3A_903 = arith.subf %sub3A_902, %mul3A_900 : vector<16xf32>
        %mul3A_904 = arith.mulf %get3A_897, %sub3A_903 : vector<16xf32>
        %add3A_905 = arith.addf %add3A_891, %mul3A_904 : vector<16xf32>
        %get3A_906 = arith.constant 400 : index
        %get3A_907 = tpu.vector_load %arg8[%get3A_906] {strides = array<i32>} : memref<1024xf32, #tpu.memory_space<vmem>>, vector<16xf32>,
        %get3A_908 = vector.shape_cast %get3A_907 : vector<16xf32> to vector<16xf32>
        %get3A_909 = arith.constant 400 : index
        %get3A_910 = tpu.vector_load %arg9[%get3A_909] {strides = array<i32>} : memref<1024xf32, #tpu.memory_space<vmem>>, vector<16xf32>,
        %get3A_911 = vector.shape_cast %get3A_910 : vector<16xf32> to vector<16xf32>
        %mul3A_912 = arith.constant 6.10351563E-5 : f32
        %mul3A_913 = vector.broadcast %mul3A_912 : f32 to vector<16xf32>
        %mul3A_914 = arith.mulf %get3A_908, %mul3A_913 : vector<16xf32>
        %sub3A_915 = arith.constant 1.000000e+00 : f32
        %sub3A_916 = vector.broadcast %sub3A_915 : f32 to vector<16xf32>
        %sub3A_917 = arith.subf %sub3A_916, %mul3A_914 : vector<16xf32>
        %mul3A_918 = arith.mulf %get3A_911, %sub3A_917 : vector<16xf32>
        %add3A_919 = arith.addf %add3A_905, %mul3A_918 : vector<16xf32>
        %get3A_920 = arith.constant 416 : index
        %get3A_921 = tpu.vector_load %arg8[%get3A_920] {strides = array<i32>} : memref<1024xf32, #tpu.memory_space<vmem>>, vector<16xf32>,
        %get3A_922 = vector.shape_cast %get3A_921 : vector<16xf32> to vector<16xf32>
        %get3A_923 = arith.constant 416 : index
        %get3A_924 = tpu.vector_load %arg9[%get3A_923] {strides = array<i32>} : memref<1024xf32, #tpu.memory_space<vmem>>, vector<16xf32>,
        %get3A_925 = vector.shape_cast %get3A_924 : vector<16xf32> to vector<16xf32>
        %mul3A_926 = arith.constant 6.10351563E-5 : f32
        %mul3A_927 = vector.broadcast %mul3A_926 : f32 to vector<16xf32>
        %mul3A_928 = arith.mulf %get3A_922, %mul3A_927 : vector<16xf32>
        %sub3A_929 = arith.constant 1.000000e+00 : f32
        %sub3A_930 = vector.broadcast %sub3A_929 : f32 to vector<16xf32>
        %sub3A_931 = arith.subf %sub3A_930, %mul3A_928 : vector<16xf32>
        %mul3A_932 = arith.mulf %get3A_925, %sub3A_931 : vector<16xf32>
        %add3A_933 = arith.addf %add3A_919, %mul3A_932 : vector<16xf32>
        %get3A_934 = arith.constant 432 : index
        %get3A_935 = tpu.vector_load %arg8[%get3A_934] {strides = array<i32>} : memref<1024xf32, #tpu.memory_space<vmem>>, vector<16xf32>,
        %get3A_936 = vector.shape_cast %get3A_935 : vector<16xf32> to vector<16xf32>
        %get3A_937 = arith.constant 432 : index
        %get3A_938 = tpu.vector_load %arg9[%get3A_937] {strides = array<i32>} : memref<1024xf32, #tpu.memory_space<vmem>>, vector<16xf32>,
        %get3A_939 = vector.shape_cast %get3A_938 : vector<16xf32> to vector<16xf32>
        %mul3A_940 = arith.constant 6.10351563E-5 : f32
        %mul3A_941 = vector.broadcast %mul3A_940 : f32 to vector<16xf32>
        %mul3A_942 = arith.mulf %get3A_936, %mul3A_941 : vector<16xf32>
        %sub3A_943 = arith.constant 1.000000e+00 : f32
        %sub3A_944 = vector.broadcast %sub3A_943 : f32 to vector<16xf32>
        %sub3A_945 = arith.subf %sub3A_944, %mul3A_942 : vector<16xf32>
        %mul3A_946 = arith.mulf %get3A_939, %sub3A_945 : vector<16xf32>
        %add3A_947 = arith.addf %add3A_933, %mul3A_946 : vector<16xf32>
        %get3A_948 = arith.constant 448 : index
        %get3A_949 = tpu.vector_load %arg8[%get3A_948] {strides = array<i32>} : memref<1024xf32, #tpu.memory_space<vmem>>, vector<16xf32>,
        %get3A_950 = vector.shape_cast %get3A_949 : vector<16xf32> to vector<16xf32>
        %get3A_951 = arith.constant 448 : index
        %get3A_952 = tpu.vector_load %arg9[%get3A_951] {strides = array<i32>} : memref<1024xf32, #tpu.memory_space<vmem>>, vector<16xf32>,
        %get3A_953 = vector.shape_cast %get3A_952 : vector<16xf32> to vector<16xf32>
        %mul3A_954 = arith.constant 6.10351563E-5 : f32
        %mul3A_955 = vector.broadcast %mul3A_954 : f32 to vector<16xf32>
        %mul3A_956 = arith.mulf %get3A_950, %mul3A_955 : vector<16xf32>
        %sub3A_957 = arith.constant 1.000000e+00 : f32
        %sub3A_958 = vector.broadcast %sub3A_957 : f32 to vector<16xf32>
        %sub3A_959 = arith.subf %sub3A_958, %mul3A_956 : vector<16xf32>
        %mul3A_960 = arith.mulf %get3A_953, %sub3A_959 : vector<16xf32>
        %add3A_961 = arith.addf %add3A_947, %mul3A_960 : vector<16xf32>
        %get3A_962 = arith.constant 464 : index
        %get3A_963 = tpu.vector_load %arg8[%get3A_962] {strides = array<i32>} : memref<1024xf32, #tpu.memory_space<vmem>>, vector<16xf32>,
        %get3A_964 = vector.shape_cast %get3A_963 : vector<16xf32> to vector<16xf32>
        %get3A_965 = arith.constant 464 : index
        %get3A_966 = tpu.vector_load %arg9[%get3A_965] {strides = array<i32>} : memref<1024xf32, #tpu.memory_space<vmem>>, vector<16xf32>,
        %get3A_967 = vector.shape_cast %get3A_966 : vector<16xf32> to vector<16xf32>
        %mul3A_968 = arith.constant 6.10351563E-5 : f32
        %mul3A_969 = vector.broadcast %mul3A_968 : f32 to vector<16xf32>
        %mul3A_970 = arith.mulf %get3A_964, %mul3A_969 : vector<16xf32>
        %sub3A_971 = arith.constant 1.000000e+00 : f32
        %sub3A_972 = vector.broadcast %sub3A_971 : f32 to vector<16xf32>
        %sub3A_973 = arith.subf %sub3A_972, %mul3A_970 : vector<16xf32>
        %mul3A_974 = arith.mulf %get3A_967, %sub3A_973 : vector<16xf32>
        %add3A_975 = arith.addf %add3A_961, %mul3A_974 : vector<16xf32>
        %get3A_976 = arith.constant 480 : index
        %get3A_977 = tpu.vector_load %arg8[%get3A_976] {strides = array<i32>} : memref<1024xf32, #tpu.memory_space<vmem>>, vector<16xf32>,
        %get3A_978 = vector.shape_cast %get3A_977 : vector<16xf32> to vector<16xf32>
        %get3A_979 = arith.constant 480 : index
        %get3A_980 = tpu.vector_load %arg9[%get3A_979] {strides = array<i32>} : memref<1024xf32, #tpu.memory_space<vmem>>, vector<16xf32>,
        %get3A_981 = vector.shape_cast %get3A_980 : vector<16xf32> to vector<16xf32>
        %mul3A_982 = arith.constant 6.10351563E-5 : f32
        %mul3A_983 = vector.broadcast %mul3A_982 : f32 to vector<16xf32>
        %mul3A_984 = arith.mulf %get3A_978, %mul3A_983 : vector<16xf32>
        %sub3A_985 = arith.constant 1.000000e+00 : f32
        %sub3A_986 = vector.broadcast %sub3A_985 : f32 to vector<16xf32>
        %sub3A_987 = arith.subf %sub3A_986, %mul3A_984 : vector<16xf32>
        %mul3A_988 = arith.mulf %get3A_981, %sub3A_987 : vector<16xf32>
        %add3A_989 = arith.addf %add3A_975, %mul3A_988 : vector<16xf32>
        %get3A_990 = arith.constant 496 : index
        %get3A_991 = tpu.vector_load %arg8[%get3A_990] {strides = array<i32>} : memref<1024xf32, #tpu.memory_space<vmem>>, vector<16xf32>,
        %get3A_992 = vector.shape_cast %get3A_991 : vector<16xf32> to vector<16xf32>
        %get3A_993 = arith.constant 496 : index
        %get3A_994 = tpu.vector_load %arg9[%get3A_993] {strides = array<i32>} : memref<1024xf32, #tpu.memory_space<vmem>>, vector<16xf32>,
        %get3A_995 = vector.shape_cast %get3A_994 : vector<16xf32> to vector<16xf32>
        %mul3A_996 = arith.constant 6.10351563E-5 : f32
        %mul3A_997 = vector.broadcast %mul3A_996 : f32 to vector<16xf32>
        %mul3A_998 = arith.mulf %get3A_992, %mul3A_997 : vector<16xf32>
        %sub3A_999 = arith.constant 1.000000e+00 : f32
        %sub3A_1000 = vector.broadcast %sub3A_999 : f32 to vector<16xf32>
        %sub3A_1001 = arith.subf %sub3A_1000, %mul3A_998 : vector<16xf32>
        %mul3A_1002 = arith.mulf %get3A_995, %sub3A_1001 : vector<16xf32>
        %add3A_1003 = arith.addf %add3A_989, %mul3A_1002 : vector<16xf32>
        %get3A_1004 = arith.constant 512 : index
        %get3A_1005 = tpu.vector_load %arg8[%get3A_1004] {strides = array<i32>} : memref<1024xf32, #tpu.memory_space<vmem>>, vector<16xf32>,
        %get3A_1006 = vector.shape_cast %get3A_1005 : vector<16xf32> to vector<16xf32>
        %get3A_1007 = arith.constant 512 : index
        %get3A_1008 = tpu.vector_load %arg9[%get3A_1007] {strides = array<i32>} : memref<1024xf32, #tpu.memory_space<vmem>>, vector<16xf32>,
        %get3A_1009 = vector.shape_cast %get3A_1008 : vector<16xf32> to vector<16xf32>
        %mul3A_1010 = arith.constant 6.10351563E-5 : f32
        %mul3A_1011 = vector.broadcast %mul3A_1010 : f32 to vector<16xf32>
        %mul3A_1012 = arith.mulf %get3A_1006, %mul3A_1011 : vector<16xf32>
        %sub3A_1013 = arith.constant 1.000000e+00 : f32
        %sub3A_1014 = vector.broadcast %sub3A_1013 : f32 to vector<16xf32>
        %sub3A_1015 = arith.subf %sub3A_1014, %mul3A_1012 : vector<16xf32>
        %mul3A_1016 = arith.mulf %get3A_1009, %sub3A_1015 : vector<16xf32>
        %add3A_1017 = arith.addf %add3A_1003, %mul3A_1016 : vector<16xf32>
        %get3A_1018 = arith.constant 528 : index
        %get3A_1019 = tpu.vector_load %arg8[%get3A_1018] {strides = array<i32>} : memref<1024xf32, #tpu.memory_space<vmem>>, vector<16xf32>,
        %get3A_1020 = vector.shape_cast %get3A_1019 : vector<16xf32> to vector<16xf32>
        %get3A_1021 = arith.constant 528 : index
        %get3A_1022 = tpu.vector_load %arg9[%get3A_1021] {strides = array<i32>} : memref<1024xf32, #tpu.memory_space<vmem>>, vector<16xf32>,
        %get3A_1023 = vector.shape_cast %get3A_1022 : vector<16xf32> to vector<16xf32>
        %mul3A_1024 = arith.constant 6.10351563E-5 : f32
        %mul3A_1025 = vector.broadcast %mul3A_1024 : f32 to vector<16xf32>
        %mul3A_1026 = arith.mulf %get3A_1020, %mul3A_1025 : vector<16xf32>
        %sub3A_1027 = arith.constant 1.000000e+00 : f32
        %sub3A_1028 = vector.broadcast %sub3A_1027 : f32 to vector<16xf32>
        %sub3A_1029 = arith.subf %sub3A_1028, %mul3A_1026 : vector<16xf32>
        %mul3A_1030 = arith.mulf %get3A_1023, %sub3A_1029 : vector<16xf32>
        %add3A_1031 = arith.addf %add3A_1017, %mul3A_1030 : vector<16xf32>
        %get3A_1032 = arith.constant 544 : index
        %get3A_1033 = tpu.vector_load %arg8[%get3A_1032] {strides = array<i32>} : memref<1024xf32, #tpu.memory_space<vmem>>, vector<16xf32>,
        %get3A_1034 = vector.shape_cast %get3A_1033 : vector<16xf32> to vector<16xf32>
        %get3A_1035 = arith.constant 544 : index
        %get3A_1036 = tpu.vector_load %arg9[%get3A_1035] {strides = array<i32>} : memref<1024xf32, #tpu.memory_space<vmem>>, vector<16xf32>,
        %get3A_1037 = vector.shape_cast %get3A_1036 : vector<16xf32> to vector<16xf32>
        %mul3A_1038 = arith.constant 6.10351563E-5 : f32
        %mul3A_1039 = vector.broadcast %mul3A_1038 : f32 to vector<16xf32>
        %mul3A_1040 = arith.mulf %get3A_1034, %mul3A_1039 : vector<16xf32>
        %sub3A_1041 = arith.constant 1.000000e+00 : f32
        %sub3A_1042 = vector.broadcast %sub3A_1041 : f32 to vector<16xf32>
        %sub3A_1043 = arith.subf %sub3A_1042, %mul3A_1040 : vector<16xf32>
        %mul3A_1044 = arith.mulf %get3A_1037, %sub3A_1043 : vector<16xf32>
        %add3A_1045 = arith.addf %add3A_1031, %mul3A_1044 : vector<16xf32>
        %get3A_1046 = arith.constant 560 : index
        %get3A_1047 = tpu.vector_load %arg8[%get3A_1046] {strides = array<i32>} : memref<1024xf32, #tpu.memory_space<vmem>>, vector<16xf32>,
        %get3A_1048 = vector.shape_cast %get3A_1047 : vector<16xf32> to vector<16xf32>
        %get3A_1049 = arith.constant 560 : index
        %get3A_1050 = tpu.vector_load %arg9[%get3A_1049] {strides = array<i32>} : memref<1024xf32, #tpu.memory_space<vmem>>, vector<16xf32>,
        %get3A_1051 = vector.shape_cast %get3A_1050 : vector<16xf32> to vector<16xf32>
        %mul3A_1052 = arith.constant 6.10351563E-5 : f32
        %mul3A_1053 = vector.broadcast %mul3A_1052 : f32 to vector<16xf32>
        %mul3A_1054 = arith.mulf %get3A_1048, %mul3A_1053 : vector<16xf32>
        %sub3A_1055 = arith.constant 1.000000e+00 : f32
        %sub3A_1056 = vector.broadcast %sub3A_1055 : f32 to vector<16xf32>
        %sub3A_1057 = arith.subf %sub3A_1056, %mul3A_1054 : vector<16xf32>
        %mul3A_1058 = arith.mulf %get3A_1051, %sub3A_1057 : vector<16xf32>
        %add3A_1059 = arith.addf %add3A_1045, %mul3A_1058 : vector<16xf32>
        %get3A_1060 = arith.constant 576 : index
        %get3A_1061 = tpu.vector_load %arg8[%get3A_1060] {strides = array<i32>} : memref<1024xf32, #tpu.memory_space<vmem>>, vector<16xf32>,
        %get3A_1062 = vector.shape_cast %get3A_1061 : vector<16xf32> to vector<16xf32>
        %get3A_1063 = arith.constant 576 : index
        %get3A_1064 = tpu.vector_load %arg9[%get3A_1063] {strides = array<i32>} : memref<1024xf32, #tpu.memory_space<vmem>>, vector<16xf32>,
        %get3A_1065 = vector.shape_cast %get3A_1064 : vector<16xf32> to vector<16xf32>
        %mul3A_1066 = arith.constant 6.10351563E-5 : f32
        %mul3A_1067 = vector.broadcast %mul3A_1066 : f32 to vector<16xf32>
        %mul3A_1068 = arith.mulf %get3A_1062, %mul3A_1067 : vector<16xf32>
        %sub3A_1069 = arith.constant 1.000000e+00 : f32
        %sub3A_1070 = vector.broadcast %sub3A_1069 : f32 to vector<16xf32>
        %sub3A_1071 = arith.subf %sub3A_1070, %mul3A_1068 : vector<16xf32>
        %mul3A_1072 = arith.mulf %get3A_1065, %sub3A_1071 : vector<16xf32>
        %add3A_1073 = arith.addf %add3A_1059, %mul3A_1072 : vector<16xf32>
        %get3A_1074 = arith.constant 592 : index
        %get3A_1075 = tpu.vector_load %arg8[%get3A_1074] {strides = array<i32>} : memref<1024xf32, #tpu.memory_space<vmem>>, vector<16xf32>,
        %get3A_1076 = vector.shape_cast %get3A_1075 : vector<16xf32> to vector<16xf32>
        %get3A_1077 = arith.constant 592 : index
        %get3A_1078 = tpu.vector_load %arg9[%get3A_1077] {strides = array<i32>} : memref<1024xf32, #tpu.memory_space<vmem>>, vector<16xf32>,
        %get3A_1079 = vector.shape_cast %get3A_1078 : vector<16xf32> to vector<16xf32>
        %mul3A_1080 = arith.constant 6.10351563E-5 : f32
        %mul3A_1081 = vector.broadcast %mul3A_1080 : f32 to vector<16xf32>
        %mul3A_1082 = arith.mulf %get3A_1076, %mul3A_1081 : vector<16xf32>
        %sub3A_1083 = arith.constant 1.000000e+00 : f32
        %sub3A_1084 = vector.broadcast %sub3A_1083 : f32 to vector<16xf32>
        %sub3A_1085 = arith.subf %sub3A_1084, %mul3A_1082 : vector<16xf32>
        %mul3A_1086 = arith.mulf %get3A_1079, %sub3A_1085 : vector<16xf32>
        %add3A_1087 = arith.addf %add3A_1073, %mul3A_1086 : vector<16xf32>
        %get3A_1088 = arith.constant 608 : index
        %get3A_1089 = tpu.vector_load %arg8[%get3A_1088] {strides = array<i32>} : memref<1024xf32, #tpu.memory_space<vmem>>, vector<16xf32>,
        %get3A_1090 = vector.shape_cast %get3A_1089 : vector<16xf32> to vector<16xf32>
        %get3A_1091 = arith.constant 608 : index
        %get3A_1092 = tpu.vector_load %arg9[%get3A_1091] {strides = array<i32>} : memref<1024xf32, #tpu.memory_space<vmem>>, vector<16xf32>,
        %get3A_1093 = vector.shape_cast %get3A_1092 : vector<16xf32> to vector<16xf32>
        %mul3A_1094 = arith.constant 6.10351563E-5 : f32
        %mul3A_1095 = vector.broadcast %mul3A_1094 : f32 to vector<16xf32>
        %mul3A_1096 = arith.mulf %get3A_1090, %mul3A_1095 : vector<16xf32>
        %sub3A_1097 = arith.constant 1.000000e+00 : f32
        %sub3A_1098 = vector.broadcast %sub3A_1097 : f32 to vector<16xf32>
        %sub3A_1099 = arith.subf %sub3A_1098, %mul3A_1096 : vector<16xf32>
        %mul3A_1100 = arith.mulf %get3A_1093, %sub3A_1099 : vector<16xf32>
        %add3A_1101 = arith.addf %add3A_1087, %mul3A_1100 : vector<16xf32>
        %get3A_1102 = arith.constant 624 : index
        %get3A_1103 = tpu.vector_load %arg8[%get3A_1102] {strides = array<i32>} : memref<1024xf32, #tpu.memory_space<vmem>>, vector<16xf32>,
        %get3A_1104 = vector.shape_cast %get3A_1103 : vector<16xf32> to vector<16xf32>
        %get3A_1105 = arith.constant 624 : index
        %get3A_1106 = tpu.vector_load %arg9[%get3A_1105] {strides = array<i32>} : memref<1024xf32, #tpu.memory_space<vmem>>, vector<16xf32>,
        %get3A_1107 = vector.shape_cast %get3A_1106 : vector<16xf32> to vector<16xf32>
        %mul3A_1108 = arith.constant 6.10351563E-5 : f32
        %mul3A_1109 = vector.broadcast %mul3A_1108 : f32 to vector<16xf32>
        %mul3A_1110 = arith.mulf %get3A_1104, %mul3A_1109 : vector<16xf32>
        %sub3A_1111 = arith.constant 1.000000e+00 : f32
        %sub3A_1112 = vector.broadcast %sub3A_1111 : f32 to vector<16xf32>
        %sub3A_1113 = arith.subf %sub3A_1112, %mul3A_1110 : vector<16xf32>
        %mul3A_1114 = arith.mulf %get3A_1107, %sub3A_1113 : vector<16xf32>
        %add3A_1115 = arith.addf %add3A_1101, %mul3A_1114 : vector<16xf32>
        %get3A_1116 = arith.constant 640 : index
        %get3A_1117 = tpu.vector_load %arg8[%get3A_1116] {strides = array<i32>} : memref<1024xf32, #tpu.memory_space<vmem>>, vector<16xf32>,
        %get3A_1118 = vector.shape_cast %get3A_1117 : vector<16xf32> to vector<16xf32>
        %get3A_1119 = arith.constant 640 : index
        %get3A_1120 = tpu.vector_load %arg9[%get3A_1119] {strides = array<i32>} : memref<1024xf32, #tpu.memory_space<vmem>>, vector<16xf32>,
        %get3A_1121 = vector.shape_cast %get3A_1120 : vector<16xf32> to vector<16xf32>
        %mul3A_1122 = arith.constant 6.10351563E-5 : f32
        %mul3A_1123 = vector.broadcast %mul3A_1122 : f32 to vector<16xf32>
        %mul3A_1124 = arith.mulf %get3A_1118, %mul3A_1123 : vector<16xf32>
        %sub3A_1125 = arith.constant 1.000000e+00 : f32
        %sub3A_1126 = vector.broadcast %sub3A_1125 : f32 to vector<16xf32>
        %sub3A_1127 = arith.subf %sub3A_1126, %mul3A_1124 : vector<16xf32>
        %mul3A_1128 = arith.mulf %get3A_1121, %sub3A_1127 : vector<16xf32>
        %add3A_1129 = arith.addf %add3A_1115, %mul3A_1128 : vector<16xf32>
        %get3A_1130 = arith.constant 656 : index
        %get3A_1131 = tpu.vector_load %arg8[%get3A_1130] {strides = array<i32>} : memref<1024xf32, #tpu.memory_space<vmem>>, vector<16xf32>,
        %get3A_1132 = vector.shape_cast %get3A_1131 : vector<16xf32> to vector<16xf32>
        %get3A_1133 = arith.constant 656 : index
        %get3A_1134 = tpu.vector_load %arg9[%get3A_1133] {strides = array<i32>} : memref<1024xf32, #tpu.memory_space<vmem>>, vector<16xf32>,
        %get3A_1135 = vector.shape_cast %get3A_1134 : vector<16xf32> to vector<16xf32>
        %mul3A_1136 = arith.constant 6.10351563E-5 : f32
        %mul3A_1137 = vector.broadcast %mul3A_1136 : f32 to vector<16xf32>
        %mul3A_1138 = arith.mulf %get3A_1132, %mul3A_1137 : vector<16xf32>
        %sub3A_1139 = arith.constant 1.000000e+00 : f32
        %sub3A_1140 = vector.broadcast %sub3A_1139 : f32 to vector<16xf32>
        %sub3A_1141 = arith.subf %sub3A_1140, %mul3A_1138 : vector<16xf32>
        %mul3A_1142 = arith.mulf %get3A_1135, %sub3A_1141 : vector<16xf32>
        %add3A_1143 = arith.addf %add3A_1129, %mul3A_1142 : vector<16xf32>
        %get3A_1144 = arith.constant 672 : index
        %get3A_1145 = tpu.vector_load %arg8[%get3A_1144] {strides = array<i32>} : memref<1024xf32, #tpu.memory_space<vmem>>, vector<16xf32>,
        %get3A_1146 = vector.shape_cast %get3A_1145 : vector<16xf32> to vector<16xf32>
        %get3A_1147 = arith.constant 672 : index
        %get3A_1148 = tpu.vector_load %arg9[%get3A_1147] {strides = array<i32>} : memref<1024xf32, #tpu.memory_space<vmem>>, vector<16xf32>,
        %get3A_1149 = vector.shape_cast %get3A_1148 : vector<16xf32> to vector<16xf32>
        %mul3A_1150 = arith.constant 6.10351563E-5 : f32
        %mul3A_1151 = vector.broadcast %mul3A_1150 : f32 to vector<16xf32>
        %mul3A_1152 = arith.mulf %get3A_1146, %mul3A_1151 : vector<16xf32>
        %sub3A_1153 = arith.constant 1.000000e+00 : f32
        %sub3A_1154 = vector.broadcast %sub3A_1153 : f32 to vector<16xf32>
        %sub3A_1155 = arith.subf %sub3A_1154, %mul3A_1152 : vector<16xf32>
        %mul3A_1156 = arith.mulf %get3A_1149, %sub3A_1155 : vector<16xf32>
        %add3A_1157 = arith.addf %add3A_1143, %mul3A_1156 : vector<16xf32>
        %get3A_1158 = arith.constant 688 : index
        %get3A_1159 = tpu.vector_load %arg8[%get3A_1158] {strides = array<i32>} : memref<1024xf32, #tpu.memory_space<vmem>>, vector<16xf32>,
        %get3A_1160 = vector.shape_cast %get3A_1159 : vector<16xf32> to vector<16xf32>
        %get3A_1161 = arith.constant 688 : index
        %get3A_1162 = tpu.vector_load %arg9[%get3A_1161] {strides = array<i32>} : memref<1024xf32, #tpu.memory_space<vmem>>, vector<16xf32>,
        %get3A_1163 = vector.shape_cast %get3A_1162 : vector<16xf32> to vector<16xf32>
        %mul3A_1164 = arith.constant 6.10351563E-5 : f32
        %mul3A_1165 = vector.broadcast %mul3A_1164 : f32 to vector<16xf32>
        %mul3A_1166 = arith.mulf %get3A_1160, %mul3A_1165 : vector<16xf32>
        %sub3A_1167 = arith.constant 1.000000e+00 : f32
        %sub3A_1168 = vector.broadcast %sub3A_1167 : f32 to vector<16xf32>
        %sub3A_1169 = arith.subf %sub3A_1168, %mul3A_1166 : vector<16xf32>
        %mul3A_1170 = arith.mulf %get3A_1163, %sub3A_1169 : vector<16xf32>
        %add3A_1171 = arith.addf %add3A_1157, %mul3A_1170 : vector<16xf32>
        %get3A_1172 = arith.constant 704 : index
        %get3A_1173 = tpu.vector_load %arg8[%get3A_1172] {strides = array<i32>} : memref<1024xf32, #tpu.memory_space<vmem>>, vector<16xf32>,
        %get3A_1174 = vector.shape_cast %get3A_1173 : vector<16xf32> to vector<16xf32>
        %get3A_1175 = arith.constant 704 : index
        %get3A_1176 = tpu.vector_load %arg9[%get3A_1175] {strides = array<i32>} : memref<1024xf32, #tpu.memory_space<vmem>>, vector<16xf32>,
        %get3A_1177 = vector.shape_cast %get3A_1176 : vector<16xf32> to vector<16xf32>
        %mul3A_1178 = arith.constant 6.10351563E-5 : f32
        %mul3A_1179 = vector.broadcast %mul3A_1178 : f32 to vector<16xf32>
        %mul3A_1180 = arith.mulf %get3A_1174, %mul3A_1179 : vector<16xf32>
        %sub3A_1181 = arith.constant 1.000000e+00 : f32
        %sub3A_1182 = vector.broadcast %sub3A_1181 : f32 to vector<16xf32>
        %sub3A_1183 = arith.subf %sub3A_1182, %mul3A_1180 : vector<16xf32>
        %mul3A_1184 = arith.mulf %get3A_1177, %sub3A_1183 : vector<16xf32>
        %add3A_1185 = arith.addf %add3A_1171, %mul3A_1184 : vector<16xf32>
        %get3A_1186 = arith.constant 720 : index
        %get3A_1187 = tpu.vector_load %arg8[%get3A_1186] {strides = array<i32>} : memref<1024xf32, #tpu.memory_space<vmem>>, vector<16xf32>,
        %get3A_1188 = vector.shape_cast %get3A_1187 : vector<16xf32> to vector<16xf32>
        %get3A_1189 = arith.constant 720 : index
        %get3A_1190 = tpu.vector_load %arg9[%get3A_1189] {strides = array<i32>} : memref<1024xf32, #tpu.memory_space<vmem>>, vector<16xf32>,
        %get3A_1191 = vector.shape_cast %get3A_1190 : vector<16xf32> to vector<16xf32>
        %mul3A_1192 = arith.constant 6.10351563E-5 : f32
        %mul3A_1193 = vector.broadcast %mul3A_1192 : f32 to vector<16xf32>
        %mul3A_1194 = arith.mulf %get3A_1188, %mul3A_1193 : vector<16xf32>
        %sub3A_1195 = arith.constant 1.000000e+00 : f32
        %sub3A_1196 = vector.broadcast %sub3A_1195 : f32 to vector<16xf32>
        %sub3A_1197 = arith.subf %sub3A_1196, %mul3A_1194 : vector<16xf32>
        %mul3A_1198 = arith.mulf %get3A_1191, %sub3A_1197 : vector<16xf32>
        %add3A_1199 = arith.addf %add3A_1185, %mul3A_1198 : vector<16xf32>
        %get3A_1200 = arith.constant 736 : index
        %get3A_1201 = tpu.vector_load %arg8[%get3A_1200] {strides = array<i32>} : memref<1024xf32, #tpu.memory_space<vmem>>, vector<16xf32>,
        %get3A_1202 = vector.shape_cast %get3A_1201 : vector<16xf32> to vector<16xf32>
        %get3A_1203 = arith.constant 736 : index
        %get3A_1204 = tpu.vector_load %arg9[%get3A_1203] {strides = array<i32>} : memref<1024xf32, #tpu.memory_space<vmem>>, vector<16xf32>,
        %get3A_1205 = vector.shape_cast %get3A_1204 : vector<16xf32> to vector<16xf32>
        %mul3A_1206 = arith.constant 6.10351563E-5 : f32
        %mul3A_1207 = vector.broadcast %mul3A_1206 : f32 to vector<16xf32>
        %mul3A_1208 = arith.mulf %get3A_1202, %mul3A_1207 : vector<16xf32>
        %sub3A_1209 = arith.constant 1.000000e+00 : f32
        %sub3A_1210 = vector.broadcast %sub3A_1209 : f32 to vector<16xf32>
        %sub3A_1211 = arith.subf %sub3A_1210, %mul3A_1208 : vector<16xf32>
        %mul3A_1212 = arith.mulf %get3A_1205, %sub3A_1211 : vector<16xf32>
        %add3A_1213 = arith.addf %add3A_1199, %mul3A_1212 : vector<16xf32>
        %get3A_1214 = arith.constant 752 : index
        %get3A_1215 = tpu.vector_load %arg8[%get3A_1214] {strides = array<i32>} : memref<1024xf32, #tpu.memory_space<vmem>>, vector<16xf32>,
        %get3A_1216 = vector.shape_cast %get3A_1215 : vector<16xf32> to vector<16xf32>
        %get3A_1217 = arith.constant 752 : index
        %get3A_1218 = tpu.vector_load %arg9[%get3A_1217] {strides = array<i32>} : memref<1024xf32, #tpu.memory_space<vmem>>, vector<16xf32>,
        %get3A_1219 = vector.shape_cast %get3A_1218 : vector<16xf32> to vector<16xf32>
        %mul3A_1220 = arith.constant 6.10351563E-5 : f32
        %mul3A_1221 = vector.broadcast %mul3A_1220 : f32 to vector<16xf32>
        %mul3A_1222 = arith.mulf %get3A_1216, %mul3A_1221 : vector<16xf32>
        %sub3A_1223 = arith.constant 1.000000e+00 : f32
        %sub3A_1224 = vector.broadcast %sub3A_1223 : f32 to vector<16xf32>
        %sub3A_1225 = arith.subf %sub3A_1224, %mul3A_1222 : vector<16xf32>
        %mul3A_1226 = arith.mulf %get3A_1219, %sub3A_1225 : vector<16xf32>
        %add3A_1227 = arith.addf %add3A_1213, %mul3A_1226 : vector<16xf32>
        %get3A_1228 = arith.constant 768 : index
        %get3A_1229 = tpu.vector_load %arg8[%get3A_1228] {strides = array<i32>} : memref<1024xf32, #tpu.memory_space<vmem>>, vector<16xf32>,
        %get3A_1230 = vector.shape_cast %get3A_1229 : vector<16xf32> to vector<16xf32>
        %get3A_1231 = arith.constant 768 : index
        %get3A_1232 = tpu.vector_load %arg9[%get3A_1231] {strides = array<i32>} : memref<1024xf32, #tpu.memory_space<vmem>>, vector<16xf32>,
        %get3A_1233 = vector.shape_cast %get3A_1232 : vector<16xf32> to vector<16xf32>
        %mul3A_1234 = arith.constant 6.10351563E-5 : f32
        %mul3A_1235 = vector.broadcast %mul3A_1234 : f32 to vector<16xf32>
        %mul3A_1236 = arith.mulf %get3A_1230, %mul3A_1235 : vector<16xf32>
        %sub3A_1237 = arith.constant 1.000000e+00 : f32
        %sub3A_1238 = vector.broadcast %sub3A_1237 : f32 to vector<16xf32>
        %sub3A_1239 = arith.subf %sub3A_1238, %mul3A_1236 : vector<16xf32>
        %mul3A_1240 = arith.mulf %get3A_1233, %sub3A_1239 : vector<16xf32>
        %add3A_1241 = arith.addf %add3A_1227, %mul3A_1240 : vector<16xf32>
        %get3A_1242 = arith.constant 784 : index
        %get3A_1243 = tpu.vector_load %arg8[%get3A_1242] {strides = array<i32>} : memref<1024xf32, #tpu.memory_space<vmem>>, vector<16xf32>,
        %get3A_1244 = vector.shape_cast %get3A_1243 : vector<16xf32> to vector<16xf32>
        %get3A_1245 = arith.constant 784 : index
        %get3A_1246 = tpu.vector_load %arg9[%get3A_1245] {strides = array<i32>} : memref<1024xf32, #tpu.memory_space<vmem>>, vector<16xf32>,
        %get3A_1247 = vector.shape_cast %get3A_1246 : vector<16xf32> to vector<16xf32>
        %mul3A_1248 = arith.constant 6.10351563E-5 : f32
        %mul3A_1249 = vector.broadcast %mul3A_1248 : f32 to vector<16xf32>
        %mul3A_1250 = arith.mulf %get3A_1244, %mul3A_1249 : vector<16xf32>
        %sub3A_1251 = arith.constant 1.000000e+00 : f32
        %sub3A_1252 = vector.broadcast %sub3A_1251 : f32 to vector<16xf32>
        %sub3A_1253 = arith.subf %sub3A_1252, %mul3A_1250 : vector<16xf32>
        %mul3A_1254 = arith.mulf %get3A_1247, %sub3A_1253 : vector<16xf32>
        %add3A_1255 = arith.addf %add3A_1241, %mul3A_1254 : vector<16xf32>
        %get3A_1256 = arith.constant 800 : index
        %get3A_1257 = tpu.vector_load %arg8[%get3A_1256] {strides = array<i32>} : memref<1024xf32, #tpu.memory_space<vmem>>, vector<16xf32>,
        %get3A_1258 = vector.shape_cast %get3A_1257 : vector<16xf32> to vector<16xf32>
        %get3A_1259 = arith.constant 800 : index
        %get3A_1260 = tpu.vector_load %arg9[%get3A_1259] {strides = array<i32>} : memref<1024xf32, #tpu.memory_space<vmem>>, vector<16xf32>,
        %get3A_1261 = vector.shape_cast %get3A_1260 : vector<16xf32> to vector<16xf32>
        %mul3A_1262 = arith.constant 6.10351563E-5 : f32
        %mul3A_1263 = vector.broadcast %mul3A_1262 : f32 to vector<16xf32>
        %mul3A_1264 = arith.mulf %get3A_1258, %mul3A_1263 : vector<16xf32>
        %sub3A_1265 = arith.constant 1.000000e+00 : f32
        %sub3A_1266 = vector.broadcast %sub3A_1265 : f32 to vector<16xf32>
        %sub3A_1267 = arith.subf %sub3A_1266, %mul3A_1264 : vector<16xf32>
        %mul3A_1268 = arith.mulf %get3A_1261, %sub3A_1267 : vector<16xf32>
        %add3A_1269 = arith.addf %add3A_1255, %mul3A_1268 : vector<16xf32>
        %get3A_1270 = arith.constant 816 : index
        %get3A_1271 = tpu.vector_load %arg8[%get3A_1270] {strides = array<i32>} : memref<1024xf32, #tpu.memory_space<vmem>>, vector<16xf32>,
        %get3A_1272 = vector.shape_cast %get3A_1271 : vector<16xf32> to vector<16xf32>
        %get3A_1273 = arith.constant 816 : index
        %get3A_1274 = tpu.vector_load %arg9[%get3A_1273] {strides = array<i32>} : memref<1024xf32, #tpu.memory_space<vmem>>, vector<16xf32>,
        %get3A_1275 = vector.shape_cast %get3A_1274 : vector<16xf32> to vector<16xf32>
        %mul3A_1276 = arith.constant 6.10351563E-5 : f32
        %mul3A_1277 = vector.broadcast %mul3A_1276 : f32 to vector<16xf32>
        %mul3A_1278 = arith.mulf %get3A_1272, %mul3A_1277 : vector<16xf32>
        %sub3A_1279 = arith.constant 1.000000e+00 : f32
        %sub3A_1280 = vector.broadcast %sub3A_1279 : f32 to vector<16xf32>
        %sub3A_1281 = arith.subf %sub3A_1280, %mul3A_1278 : vector<16xf32>
        %mul3A_1282 = arith.mulf %get3A_1275, %sub3A_1281 : vector<16xf32>
        %add3A_1283 = arith.addf %add3A_1269, %mul3A_1282 : vector<16xf32>
        %get3A_1284 = arith.constant 832 : index
        %get3A_1285 = tpu.vector_load %arg8[%get3A_1284] {strides = array<i32>} : memref<1024xf32, #tpu.memory_space<vmem>>, vector<16xf32>,
        %get3A_1286 = vector.shape_cast %get3A_1285 : vector<16xf32> to vector<16xf32>
        %get3A_1287 = arith.constant 832 : index
        %get3A_1288 = tpu.vector_load %arg9[%get3A_1287] {strides = array<i32>} : memref<1024xf32, #tpu.memory_space<vmem>>, vector<16xf32>,
        %get3A_1289 = vector.shape_cast %get3A_1288 : vector<16xf32> to vector<16xf32>
        %mul3A_1290 = arith.constant 6.10351563E-5 : f32
        %mul3A_1291 = vector.broadcast %mul3A_1290 : f32 to vector<16xf32>
        %mul3A_1292 = arith.mulf %get3A_1286, %mul3A_1291 : vector<16xf32>
        %sub3A_1293 = arith.constant 1.000000e+00 : f32
        %sub3A_1294 = vector.broadcast %sub3A_1293 : f32 to vector<16xf32>
        %sub3A_1295 = arith.subf %sub3A_1294, %mul3A_1292 : vector<16xf32>
        %mul3A_1296 = arith.mulf %get3A_1289, %sub3A_1295 : vector<16xf32>
        %add3A_1297 = arith.addf %add3A_1283, %mul3A_1296 : vector<16xf32>
        %get3A_1298 = arith.constant 848 : index
        %get3A_1299 = tpu.vector_load %arg8[%get3A_1298] {strides = array<i32>} : memref<1024xf32, #tpu.memory_space<vmem>>, vector<16xf32>,
        %get3A_1300 = vector.shape_cast %get3A_1299 : vector<16xf32> to vector<16xf32>
        %get3A_1301 = arith.constant 848 : index
        %get3A_1302 = tpu.vector_load %arg9[%get3A_1301] {strides = array<i32>} : memref<1024xf32, #tpu.memory_space<vmem>>, vector<16xf32>,
        %get3A_1303 = vector.shape_cast %get3A_1302 : vector<16xf32> to vector<16xf32>
        %mul3A_1304 = arith.constant 6.10351563E-5 : f32
        %mul3A_1305 = vector.broadcast %mul3A_1304 : f32 to vector<16xf32>
        %mul3A_1306 = arith.mulf %get3A_1300, %mul3A_1305 : vector<16xf32>
        %sub3A_1307 = arith.constant 1.000000e+00 : f32
        %sub3A_1308 = vector.broadcast %sub3A_1307 : f32 to vector<16xf32>
        %sub3A_1309 = arith.subf %sub3A_1308, %mul3A_1306 : vector<16xf32>
        %mul3A_1310 = arith.mulf %get3A_1303, %sub3A_1309 : vector<16xf32>
        %add3A_1311 = arith.addf %add3A_1297, %mul3A_1310 : vector<16xf32>
        %get3A_1312 = arith.constant 864 : index
        %get3A_1313 = tpu.vector_load %arg8[%get3A_1312] {strides = array<i32>} : memref<1024xf32, #tpu.memory_space<vmem>>, vector<16xf32>,
        %get3A_1314 = vector.shape_cast %get3A_1313 : vector<16xf32> to vector<16xf32>
        %get3A_1315 = arith.constant 864 : index
        %get3A_1316 = tpu.vector_load %arg9[%get3A_1315] {strides = array<i32>} : memref<1024xf32, #tpu.memory_space<vmem>>, vector<16xf32>,
        %get3A_1317 = vector.shape_cast %get3A_1316 : vector<16xf32> to vector<16xf32>
        %mul3A_1318 = arith.constant 6.10351563E-5 : f32
        %mul3A_1319 = vector.broadcast %mul3A_1318 : f32 to vector<16xf32>
        %mul3A_1320 = arith.mulf %get3A_1314, %mul3A_1319 : vector<16xf32>
        %sub3A_1321 = arith.constant 1.000000e+00 : f32
        %sub3A_1322 = vector.broadcast %sub3A_1321 : f32 to vector<16xf32>
        %sub3A_1323 = arith.subf %sub3A_1322, %mul3A_1320 : vector<16xf32>
        %mul3A_1324 = arith.mulf %get3A_1317, %sub3A_1323 : vector<16xf32>
        %add3A_1325 = arith.addf %add3A_1311, %mul3A_1324 : vector<16xf32>
        %get3A_1326 = arith.constant 880 : index
        %get3A_1327 = tpu.vector_load %arg8[%get3A_1326] {strides = array<i32>} : memref<1024xf32, #tpu.memory_space<vmem>>, vector<16xf32>,
        %get3A_1328 = vector.shape_cast %get3A_1327 : vector<16xf32> to vector<16xf32>
        %get3A_1329 = arith.constant 880 : index
        %get3A_1330 = tpu.vector_load %arg9[%get3A_1329] {strides = array<i32>} : memref<1024xf32, #tpu.memory_space<vmem>>, vector<16xf32>,
        %get3A_1331 = vector.shape_cast %get3A_1330 : vector<16xf32> to vector<16xf32>
        %mul3A_1332 = arith.constant 6.10351563E-5 : f32
        %mul3A_1333 = vector.broadcast %mul3A_1332 : f32 to vector<16xf32>
        %mul3A_1334 = arith.mulf %get3A_1328, %mul3A_1333 : vector<16xf32>
        %sub3A_1335 = arith.constant 1.000000e+00 : f32
        %sub3A_1336 = vector.broadcast %sub3A_1335 : f32 to vector<16xf32>
        %sub3A_1337 = arith.subf %sub3A_1336, %mul3A_1334 : vector<16xf32>
        %mul3A_1338 = arith.mulf %get3A_1331, %sub3A_1337 : vector<16xf32>
        %add3A_1339 = arith.addf %add3A_1325, %mul3A_1338 : vector<16xf32>
        %get3A_1340 = arith.constant 896 : index
        %get3A_1341 = tpu.vector_load %arg8[%get3A_1340] {strides = array<i32>} : memref<1024xf32, #tpu.memory_space<vmem>>, vector<16xf32>,
        %get3A_1342 = vector.shape_cast %get3A_1341 : vector<16xf32> to vector<16xf32>
        %get3A_1343 = arith.constant 896 : index
        %get3A_1344 = tpu.vector_load %arg9[%get3A_1343] {strides = array<i32>} : memref<1024xf32, #tpu.memory_space<vmem>>, vector<16xf32>,
        %get3A_1345 = vector.shape_cast %get3A_1344 : vector<16xf32> to vector<16xf32>
        %mul3A_1346 = arith.constant 6.10351563E-5 : f32
        %mul3A_1347 = vector.broadcast %mul3A_1346 : f32 to vector<16xf32>
        %mul3A_1348 = arith.mulf %get3A_1342, %mul3A_1347 : vector<16xf32>
        %sub3A_1349 = arith.constant 1.000000e+00 : f32
        %sub3A_1350 = vector.broadcast %sub3A_1349 : f32 to vector<16xf32>
        %sub3A_1351 = arith.subf %sub3A_1350, %mul3A_1348 : vector<16xf32>
        %mul3A_1352 = arith.mulf %get3A_1345, %sub3A_1351 : vector<16xf32>
        %add3A_1353 = arith.addf %add3A_1339, %mul3A_1352 : vector<16xf32>
        %get3A_1354 = arith.constant 912 : index
        %get3A_1355 = tpu.vector_load %arg8[%get3A_1354] {strides = array<i32>} : memref<1024xf32, #tpu.memory_space<vmem>>, vector<16xf32>,
        %get3A_1356 = vector.shape_cast %get3A_1355 : vector<16xf32> to vector<16xf32>
        %get3A_1357 = arith.constant 912 : index
        %get3A_1358 = tpu.vector_load %arg9[%get3A_1357] {strides = array<i32>} : memref<1024xf32, #tpu.memory_space<vmem>>, vector<16xf32>,
        %get3A_1359 = vector.shape_cast %get3A_1358 : vector<16xf32> to vector<16xf32>
        %mul3A_1360 = arith.constant 6.10351563E-5 : f32
        %mul3A_1361 = vector.broadcast %mul3A_1360 : f32 to vector<16xf32>
        %mul3A_1362 = arith.mulf %get3A_1356, %mul3A_1361 : vector<16xf32>
        %sub3A_1363 = arith.constant 1.000000e+00 : f32
        %sub3A_1364 = vector.broadcast %sub3A_1363 : f32 to vector<16xf32>
        %sub3A_1365 = arith.subf %sub3A_1364, %mul3A_1362 : vector<16xf32>
        %mul3A_1366 = arith.mulf %get3A_1359, %sub3A_1365 : vector<16xf32>
        %add3A_1367 = arith.addf %add3A_1353, %mul3A_1366 : vector<16xf32>
        %get3A_1368 = arith.constant 928 : index
        %get3A_1369 = tpu.vector_load %arg8[%get3A_1368] {strides = array<i32>} : memref<1024xf32, #tpu.memory_space<vmem>>, vector<16xf32>,
        %get3A_1370 = vector.shape_cast %get3A_1369 : vector<16xf32> to vector<16xf32>
        %get3A_1371 = arith.constant 928 : index
        %get3A_1372 = tpu.vector_load %arg9[%get3A_1371] {strides = array<i32>} : memref<1024xf32, #tpu.memory_space<vmem>>, vector<16xf32>,
        %get3A_1373 = vector.shape_cast %get3A_1372 : vector<16xf32> to vector<16xf32>
        %mul3A_1374 = arith.constant 6.10351563E-5 : f32
        %mul3A_1375 = vector.broadcast %mul3A_1374 : f32 to vector<16xf32>
        %mul3A_1376 = arith.mulf %get3A_1370, %mul3A_1375 : vector<16xf32>
        %sub3A_1377 = arith.constant 1.000000e+00 : f32
        %sub3A_1378 = vector.broadcast %sub3A_1377 : f32 to vector<16xf32>
        %sub3A_1379 = arith.subf %sub3A_1378, %mul3A_1376 : vector<16xf32>
        %mul3A_1380 = arith.mulf %get3A_1373, %sub3A_1379 : vector<16xf32>
        %add3A_1381 = arith.addf %add3A_1367, %mul3A_1380 : vector<16xf32>
        %get3A_1382 = arith.constant 944 : index
        %get3A_1383 = tpu.vector_load %arg8[%get3A_1382] {strides = array<i32>} : memref<1024xf32, #tpu.memory_space<vmem>>, vector<16xf32>,
        %get3A_1384 = vector.shape_cast %get3A_1383 : vector<16xf32> to vector<16xf32>
        %get3A_1385 = arith.constant 944 : index
        %get3A_1386 = tpu.vector_load %arg9[%get3A_1385] {strides = array<i32>} : memref<1024xf32, #tpu.memory_space<vmem>>, vector<16xf32>,
        %get3A_1387 = vector.shape_cast %get3A_1386 : vector<16xf32> to vector<16xf32>
        %mul3A_1388 = arith.constant 6.10351563E-5 : f32
        %mul3A_1389 = vector.broadcast %mul3A_1388 : f32 to vector<16xf32>
        %mul3A_1390 = arith.mulf %get3A_1384, %mul3A_1389 : vector<16xf32>
        %sub3A_1391 = arith.constant 1.000000e+00 : f32
        %sub3A_1392 = vector.broadcast %sub3A_1391 : f32 to vector<16xf32>
        %sub3A_1393 = arith.subf %sub3A_1392, %mul3A_1390 : vector<16xf32>
        %mul3A_1394 = arith.mulf %get3A_1387, %sub3A_1393 : vector<16xf32>
        %add3A_1395 = arith.addf %add3A_1381, %mul3A_1394 : vector<16xf32>
        %get3A_1396 = arith.constant 960 : index
        %get3A_1397 = tpu.vector_load %arg8[%get3A_1396] {strides = array<i32>} : memref<1024xf32, #tpu.memory_space<vmem>>, vector<16xf32>,
        %get3A_1398 = vector.shape_cast %get3A_1397 : vector<16xf32> to vector<16xf32>
        %get3A_1399 = arith.constant 960 : index
        %get3A_1400 = tpu.vector_load %arg9[%get3A_1399] {strides = array<i32>} : memref<1024xf32, #tpu.memory_space<vmem>>, vector<16xf32>,
        %get3A_1401 = vector.shape_cast %get3A_1400 : vector<16xf32> to vector<16xf32>
        %mul3A_1402 = arith.constant 6.10351563E-5 : f32
        %mul3A_1403 = vector.broadcast %mul3A_1402 : f32 to vector<16xf32>
        %mul3A_1404 = arith.mulf %get3A_1398, %mul3A_1403 : vector<16xf32>
        %sub3A_1405 = arith.constant 1.000000e+00 : f32
        %sub3A_1406 = vector.broadcast %sub3A_1405 : f32 to vector<16xf32>
        %sub3A_1407 = arith.subf %sub3A_1406, %mul3A_1404 : vector<16xf32>
        %mul3A_1408 = arith.mulf %get3A_1401, %sub3A_1407 : vector<16xf32>
        %add3A_1409 = arith.addf %add3A_1395, %mul3A_1408 : vector<16xf32>
        %get3A_1410 = arith.constant 976 : index
        %get3A_1411 = tpu.vector_load %arg8[%get3A_1410] {strides = array<i32>} : memref<1024xf32, #tpu.memory_space<vmem>>, vector<16xf32>,
        %get3A_1412 = vector.shape_cast %get3A_1411 : vector<16xf32> to vector<16xf32>
        %get3A_1413 = arith.constant 976 : index
        %get3A_1414 = tpu.vector_load %arg9[%get3A_1413] {strides = array<i32>} : memref<1024xf32, #tpu.memory_space<vmem>>, vector<16xf32>,
        %get3A_1415 = vector.shape_cast %get3A_1414 : vector<16xf32> to vector<16xf32>
        %mul3A_1416 = arith.constant 6.10351563E-5 : f32
        %mul3A_1417 = vector.broadcast %mul3A_1416 : f32 to vector<16xf32>
        %mul3A_1418 = arith.mulf %get3A_1412, %mul3A_1417 : vector<16xf32>
        %sub3A_1419 = arith.constant 1.000000e+00 : f32
        %sub3A_1420 = vector.broadcast %sub3A_1419 : f32 to vector<16xf32>
        %sub3A_1421 = arith.subf %sub3A_1420, %mul3A_1418 : vector<16xf32>
        %mul3A_1422 = arith.mulf %get3A_1415, %sub3A_1421 : vector<16xf32>
        %add3A_1423 = arith.addf %add3A_1409, %mul3A_1422 : vector<16xf32>
        %get3A_1424 = arith.constant 992 : index
        %get3A_1425 = tpu.vector_load %arg8[%get3A_1424] {strides = array<i32>} : memref<1024xf32, #tpu.memory_space<vmem>>, vector<16xf32>,
        %get3A_1426 = vector.shape_cast %get3A_1425 : vector<16xf32> to vector<16xf32>
        %get3A_1427 = arith.constant 992 : index
        %get3A_1428 = tpu.vector_load %arg9[%get3A_1427] {strides = array<i32>} : memref<1024xf32, #tpu.memory_space<vmem>>, vector<16xf32>,
        %get3A_1429 = vector.shape_cast %get3A_1428 : vector<16xf32> to vector<16xf32>
        %mul3A_1430 = arith.constant 6.10351563E-5 : f32
        %mul3A_1431 = vector.broadcast %mul3A_1430 : f32 to vector<16xf32>
        %mul3A_1432 = arith.mulf %get3A_1426, %mul3A_1431 : vector<16xf32>
        %sub3A_1433 = arith.constant 1.000000e+00 : f32
        %sub3A_1434 = vector.broadcast %sub3A_1433 : f32 to vector<16xf32>
        %sub3A_1435 = arith.subf %sub3A_1434, %mul3A_1432 : vector<16xf32>
        %mul3A_1436 = arith.mulf %get3A_1429, %sub3A_1435 : vector<16xf32>
        %add3A_1437 = arith.addf %add3A_1423, %mul3A_1436 : vector<16xf32>
        %get3A_1438 = arith.constant 1008 : index
        %get3A_1439 = tpu.vector_load %arg8[%get3A_1438] {strides = array<i32>} : memref<1024xf32, #tpu.memory_space<vmem>>, vector<16xf32>,
        %get3A_1440 = vector.shape_cast %get3A_1439 : vector<16xf32> to vector<16xf32>
        %get3A_1441 = arith.constant 1008 : index
        %get3A_1442 = tpu.vector_load %arg9[%get3A_1441] {strides = array<i32>} : memref<1024xf32, #tpu.memory_space<vmem>>, vector<16xf32>,
        %get3A_1443 = vector.shape_cast %get3A_1442 : vector<16xf32> to vector<16xf32>
        %mul3A_1444 = arith.constant 6.10351563E-5 : f32
        %mul3A_1445 = vector.broadcast %mul3A_1444 : f32 to vector<16xf32>
        %mul3A_1446 = arith.mulf %get3A_1440, %mul3A_1445 : vector<16xf32>
        %sub3A_1447 = arith.constant 1.000000e+00 : f32
        %sub3A_1448 = vector.broadcast %sub3A_1447 : f32 to vector<16xf32>
        %sub3A_1449 = arith.subf %sub3A_1448, %mul3A_1446 : vector<16xf32>
        %mul3A_1450 = arith.mulf %get3A_1443, %sub3A_1449 : vector<16xf32>
        %add3A_1451 = arith.addf %add3A_1437, %mul3A_1450 : vector<16xf32>
        %mul3A_1452 = arith.constant 6.10351563E-5 : f32
        %mul3A_1453 = vector.broadcast %mul3A_1452 : f32 to vector<16xf32>
        %mul3A_1454 = arith.mulf %add3A_1451, %mul3A_1453 : vector<16xf32>
        %swap3A_1455 = arith.constant 0 : index
        %swap3A_1456 = tpu.vector_load %arg11[%swap3A_1455] {strides = array<i32>} : memref<16xf32, #tpu.memory_space<vmem>>, vector<16xf32>,
        %swap3A_1457 = vector.shape_cast %swap3A_1456 : vector<16xf32> to vector<16xf32>
        %swap3A_1458 = vector.shape_cast %mul3A_1454 : vector<16xf32> to vector<16xf32>
        tpu.vector_store %arg11[%swap3A_1455], %swap3A_1458 {strides = array<i32>} : memref<16xf32, #tpu.memory_space<vmem>>, vector<16xf32>,
        %broadcast_in_dim3A_1459 = arith.constant 0 : i32
        %broadcast_in_dim3A_1460 = vector.broadcast %broadcast_in_dim3A_1459 : i32 to vector<16xi32>
        %swap3A_1461 = arith.constant 0 : index
        %swap3A_1462 = tpu.vector_load %arg12[%swap3A_1461] {strides = array<i32>} : memref<16xi32, #tpu.memory_space<vmem>>, vector<16xi32>,
        %swap3A_1463 = vector.shape_cast %swap3A_1462 : vector<16xi32> to vector<16xi32>
        %swap3A_1464 = vector.shape_cast %broadcast_in_dim3A_1460 : vector<16xi32> to vector<16xi32>
        tpu.vector_store %arg12[%swap3A_1461], %swap3A_1464 {strides = array<i32>} : memref<16xi32, #tpu.memory_space<vmem>>, vector<16xi32>,
        %broadcast_in_dim3A_1465 = arith.constant 0.000000e+00 : f32
        %broadcast_in_dim3A_1466 = vector.broadcast %broadcast_in_dim3A_1465 : f32 to vector<16xf32>
        %swap3A_1467 = arith.constant 0 : index
        %swap3A_1468 = tpu.vector_load %arg10[%swap3A_1467] {strides = array<i32>} : memref<16xf32, #tpu.memory_space<vmem>>, vector<16xf32>,
        %swap3A_1469 = vector.shape_cast %swap3A_1468 : vector<16xf32> to vector<16xf32>
        %swap3A_1470 = vector.shape_cast %broadcast_in_dim3A_1466 : vector<16xf32> to vector<16xf32>
        tpu.vector_store %arg10[%swap3A_1467], %swap3A_1470 {strides = array<i32>} : memref<16xf32, #tpu.memory_space<vmem>>, vector<16xf32>,
        "tpu.region"() ({
          %run_scoped3A_1471 = tpu.sem_alloc : memref<!tpu.dma_semaphore, #tpu.memory_space<semaphore_mem>>
          tpu.enqueue_dma source(%arg10 : memref<16xf32, #tpu.memory_space<vmem>>) target(%arg15 : memref<16xf32, #tpu.memory_space<vmem_shared>>) target_semaphore(%run_scoped3A_1471 : memref<!tpu.dma_semaphore, #tpu.memory_space<semaphore_mem>>)
          tpu.wait_dma2 semaphore(%run_scoped3A_1471 : memref<!tpu.dma_semaphore, #tpu.memory_space<semaphore_mem>>) src(%arg10 : memref<16xf32, #tpu.memory_space<vmem>>) dst(%arg15 : memref<16xf32, #tpu.memory_space<vmem_shared>>)
          tpu.yield
        }) : () -> ()
        "tpu.region"() ({
          %run_scoped3A_1471 = tpu.sem_alloc : memref<!tpu.dma_semaphore, #tpu.memory_space<semaphore_mem>>
          %dma_start3A = arith.constant 0 : i32
          %dma_start3A_1472 = tpu.memref_slice %arg15[%dma_start3A] : memref<16xf32, #tpu.memory_space<vmem_shared>> -> memref<16xf32, #tpu.memory_space<vmem_shared>>
          tpu.enqueue_indirect_dma source(%arg11 : memref<16xf32, #tpu.memory_space<vmem>>) target(%dma_start3A_1472 : memref<16xf32, #tpu.memory_space<vmem_shared>>) offsets(%arg12 : memref<16xi32, #tpu.memory_space<vmem>>) semaphore(%run_scoped3A_1471 : memref<!tpu.dma_semaphore, #tpu.memory_space<semaphore_mem>>) {add = true}
          %dma_wait3A = arith.constant 0 : i32
          %dma_wait3A_1473 = tpu.memref_slice %arg15[%dma_wait3A] : memref<16xf32, #tpu.memory_space<vmem_shared>> -> memref<16xf32, #tpu.memory_space<vmem_shared>>
          tpu.wait_indirect_dma semaphore(%run_scoped3A_1471 : memref<!tpu.dma_semaphore, #tpu.memory_space<semaphore_mem>>) src(%arg11 : memref<16xf32, #tpu.memory_space<vmem>>) dst(%dma_wait3A_1473 : memref<16xf32, #tpu.memory_space<vmem_shared>>)
          tpu.yield
        }) : () -> ()
        "tpu.region"() ({
          %run_scoped3A_1471 = tpu.sem_alloc : memref<!tpu.dma_semaphore, #tpu.memory_space<semaphore_mem>>
          tpu.enqueue_dma source(%arg15 : memref<16xf32, #tpu.memory_space<vmem_shared>>) target(%arg10 : memref<16xf32, #tpu.memory_space<vmem>>) target_semaphore(%run_scoped3A_1471 : memref<!tpu.dma_semaphore, #tpu.memory_space<semaphore_mem>>)
          tpu.wait_dma2 semaphore(%run_scoped3A_1471 : memref<!tpu.dma_semaphore, #tpu.memory_space<semaphore_mem>>) src(%arg15 : memref<16xf32, #tpu.memory_space<vmem_shared>>) dst(%arg10 : memref<16xf32, #tpu.memory_space<vmem>>)
          tpu.yield
        }) : () -> ()
        "tpu.region"() ({
          %run_scoped3A_1471 = tpu.sem_alloc : memref<!tpu.dma_semaphore, #tpu.memory_space<semaphore_mem>>
          tpu.enqueue_dma source(%arg10 : memref<16xf32, #tpu.memory_space<vmem>>) target(%arg4 : memref<16xf32, #tpu.memory_space<hbm>>) target_semaphore(%run_scoped3A_1471 : memref<!tpu.dma_semaphore, #tpu.memory_space<semaphore_mem>>)
          tpu.wait_dma2 semaphore(%run_scoped3A_1471 : memref<!tpu.dma_semaphore, #tpu.memory_space<semaphore_mem>>) src(%arg10 : memref<16xf32, #tpu.memory_space<vmem>>) dst(%arg4 : memref<16xf32, #tpu.memory_space<hbm>>)
          tpu.yield
        }) : () -> ()
      } else {
      }
    } else {
    }
    return
  }
}

module attributes {stable_mosaic.version = 14 : i64} {
  func.func @_tc_body(%arg0: i32, %arg1: memref<1024x1000xf32, #tpu.memory_space<vmem>>, %arg2: memref<1x1024x1xi32, #tpu.memory_space<vmem>>, %arg3: memref<8x128xi32, #tpu.memory_space<vmem>>, %arg4: memref<8x128xf32, #tpu.memory_space<vmem>>) attributes {dimension_semantics = [#tpu.dimension_semantics<arbitrary>], iteration_bounds = array<i64: 16>, scalar_prefetch = 0 : i64, scratch_operands = 0 : i64, tpu.core_type = #tpu.core_type<tc>, window_params = [{transform_indices = @transform_0, window_bounds = array<i64: 1024, 1000>}, {transform_indices = @transform_1, window_bounds = array<i64: 1, 1024, 1>}, {transform_indices = @transform_2, window_bounds = array<i64: 8, 128>}, {transform_indices = @transform_3, window_bounds = array<i64: 8, 128>}]} {
    %get3A = arith.constant 0 : index
    %get3A_0 = arith.constant 0 : index
    %get3A_1 = vector.load %arg1[%get3A, %get3A_0] : memref<1024x1000xf32, #tpu.memory_space<vmem>>, vector<1024x1000xf32>
    %exp3A = math.exp %get3A_1 : vector<1024x1000xf32>
    %iota3A = tpu.iota {dimensions = array<i32: 1>} : vector<1024x1000xi32>
    %bitcast_convert_type3A = tpu.bitcast %exp3A : vector<1024x1000xf32> -> vector<1024x1000xi32>
    %and3A = arith.constant -1024 : i32
    %and3A_2 = vector.broadcast %and3A : i32 to vector<1024x1000xi32>
    %and3A_3 = arith.andi %bitcast_convert_type3A, %and3A_2 : vector<1024x1000xi32>
    %or3A = arith.ori %and3A_3, %iota3A : vector<1024x1000xi32>
    %reduce_min3A = arith.constant dense<2147483647> : vector<1024xi32>
    %reduce_min3A_4 = vector.multi_reduction <minsi>, %or3A, %reduce_min3A [1] : vector<1024x1000xi32> to vector<1024xi32>
    %broadcast_in_dim3A = vector.shape_cast %reduce_min3A_4 : vector<1024xi32> to vector<1024x1xi32>
    %and3A_5 = arith.constant 1023 : i32
    %and3A_6 = vector.broadcast %and3A_5 : i32 to vector<1024x1xi32>
    %and3A_7 = arith.andi %broadcast_in_dim3A, %and3A_6 : vector<1024x1xi32>
    %and3A_8 = arith.constant -1024 : i32
    %and3A_9 = vector.broadcast %and3A_8 : i32 to vector<1024x1xi32>
    %and3A_10 = arith.andi %broadcast_in_dim3A, %and3A_9 : vector<1024x1xi32>
    %bitcast_convert_type3A_11 = tpu.bitcast %and3A_10 : vector<1024x1xi32> -> vector<1024x1xf32>
    %get3A_12 = arith.constant 0 : index
    %get3A_13 = arith.constant 0 : index
    %get3A_14 = arith.constant 0 : index
    %get3A_15 = vector.load %arg2[%get3A_12, %get3A_13, %get3A_14] : memref<1x1024x1xi32, #tpu.memory_space<vmem>>, vector<1x1024x1xi32>
    %get3A_16 = vector.shape_cast %get3A_15 : vector<1x1024x1xi32> to vector<1024x1xi32>
    %eq3A = vector.broadcast %get3A_16 : vector<1024x1xi32> to vector<1024x1000xi32>
    %eq3A_17 = arith.cmpi eq, %iota3A, %eq3A : vector<1024x1000xi32>
    %jit3A = arith.constant 0.000000e+00 : f32
    %broadcast_in_dim3A_18 = vector.broadcast %jit3A : f32 to vector<1024x1000xf32>
    %select_n3A = arith.select %eq3A_17, %exp3A, %broadcast_in_dim3A_18 : vector<1024x1000xi1>, vector<1024x1000xf32>
    %broadcast_in_dim3A_19 = arith.constant 1.000000e+00 : f32
    %broadcast_in_dim3A_20 = vector.broadcast %broadcast_in_dim3A_19 : f32 to vector<1000x1xf32>
    %dot_general3A = arith.constant dense<0.000000e+00> : vector<1024x1xf32>
    %dot_general3A_21 = tpu.matmul %exp3A, %broadcast_in_dim3A_20, %dot_general3A {dimension_numbers = #tpu.dot_dimension_numbers<[1], [0], [0], [1], [0, 0, 1, 1], [], []>, transpose_lhs_hint = false} : vector<1024x1000xf32>, vector<1000x1xf32>, vector<1024x1xf32> -> vector<1024x1xf32>
    %dot_general3A_22 = arith.constant dense<0.000000e+00> : vector<1024x1xf32>
    %dot_general3A_23 = tpu.matmul %select_n3A, %broadcast_in_dim3A_20, %dot_general3A_22 {dimension_numbers = #tpu.dot_dimension_numbers<[1], [0], [0], [1], [0, 0, 1, 1], [], []>, transpose_lhs_hint = false} : vector<1024x1000xf32>, vector<1000x1xf32>, vector<1024x1xf32> -> vector<1024x1xf32>
    %div3A = arith.constant 1.000000e+00 : f32
    %div3A_24 = vector.broadcast %div3A : f32 to vector<1024x1xf32>
    %div3A_25 = arith.divf %div3A_24, %dot_general3A_21 : vector<1024x1xf32>
    %mul3A = arith.mulf %bitcast_convert_type3A_11, %div3A_25 : vector<1024x1xf32>
    %sub3A = arith.constant 1.000000e+00 : f32
    %sub3A_26 = vector.broadcast %sub3A : f32 to vector<1024x1xf32>
    %sub3A_27 = arith.subf %sub3A_26, %mul3A : vector<1024x1xf32>
    %mul3A_28 = arith.mulf %dot_general3A_23, %div3A_25 : vector<1024x1xf32>
    %sub3A_29 = arith.constant 1.000000e+00 : f32
    %sub3A_30 = vector.broadcast %sub3A_29 : f32 to vector<1024x1xf32>
    %sub3A_31 = arith.subf %sub3A_30, %mul3A_28 : vector<1024x1xf32>
    %log3A = math.log %sub3A_31 : vector<1024x1xf32>
    %neg3A = arith.constant 0.000000e+00 : f32
    %neg3A_32 = vector.broadcast %neg3A : f32 to vector<1024x1xf32>
    %neg3A_33 = arith.subf %neg3A_32, %log3A : vector<1024x1xf32>
    %mul3A_34 = arith.mulf %neg3A_33, %sub3A_27 : vector<1024x1xf32>
    %reshape3A = vector.shape_cast %and3A_7 : vector<1024x1xi32> to vector<8x128xi32>
    %swap3A = arith.constant 0 : index
    %swap3A_35 = arith.constant 0 : index
    %swap3A_36 = vector.load %arg3[%swap3A, %swap3A_35] : memref<8x128xi32, #tpu.memory_space<vmem>>, vector<8x128xi32>
    tpu.vector_store %arg3[%swap3A, %swap3A_35], %reshape3A {strides = array<i32>} : memref<8x128xi32, #tpu.memory_space<vmem>>, vector<8x128xi32>,
    %reshape3A_37 = vector.shape_cast %mul3A_34 : vector<1024x1xf32> to vector<8x128xf32>
    %swap3A_38 = arith.constant 0 : index
    %swap3A_39 = arith.constant 0 : index
    %swap3A_40 = vector.load %arg4[%swap3A_38, %swap3A_39] : memref<8x128xf32, #tpu.memory_space<vmem>>, vector<8x128xf32>
    tpu.vector_store %arg4[%swap3A_38, %swap3A_39], %reshape3A_37 {strides = array<i32>} : memref<8x128xf32, #tpu.memory_space<vmem>>, vector<8x128xf32>,
    return
  }
  func.func @transform_0(%arg0: i32) -> (i32, i32) {
    %c0_i32 = arith.constant 0 : i32
    %c0_i32_0 = arith.constant 0 : i32
    return %arg0, %c0_i32 : i32, i32
  }
  func.func @transform_1(%arg0: i32) -> (i32, i32, i32) {
    %c0_i32 = arith.constant 0 : i32
    %c0_i32_0 = arith.constant 0 : i32
    %c0_i32_1 = arith.constant 0 : i32
    return %arg0, %c0_i32, %c0_i32_0 : i32, i32, i32
  }
  func.func @transform_2(%arg0: i32) -> (i32, i32) {
    %c0_i32 = arith.constant 0 : i32
    %c0_i32_0 = arith.constant 0 : i32
    return %arg0, %c0_i32 : i32, i32
  }
  func.func @transform_3(%arg0: i32) -> (i32, i32) {
    %c0_i32 = arith.constant 0 : i32
    %c0_i32_0 = arith.constant 0 : i32
    return %arg0, %c0_i32 : i32, i32
  }
}

</mosaic_0001>

<sc_bundles>
// kernel: _run.4.cloned.1.call-start
scs
__scs_entry_jumppad:
0x0: {  	(pc) =	sbr.rel $0x88, $3  }
0x1: {  	(tag) =	ssettag $0x0;
	lr =	simm.s32 $0x1  }
0x2: {  	[smem:$0x3F9F] =	sst lr;
	_ =	strace $0xD0000000  }
0x3: {  	_ = 	snop  }
0x4: {  	_ = 	snop  }
0x5: {  	_ = 	snop  }
0x6: {  	_ = 	snop  }
0x7: {  	_ = 	snop  }
__scs_overlays_trampoline_lowered:
0x8: {  	[smem:$0x3FAE] =	sst s0  }
0x9: {  	[smem:$0x3FAF] =	sst s1  }
0xa: {  	[smem:$0x3FB0] =	sst s2  }
0xb: {  	[smem:$0x3FB1] =	sst s3  }
0xc: {  	[smem:$0x3FB2] =	sst s4  }
0xd: {  	[smem:$0x3FB3] =	sst s5  }
0xe: {  	[smem:$0x3FB4] =	sst s6  }
0xf: {  	[smem:$0x3FB5] =	sst s7  }
0x10: {  	[smem:$0x3FB6] =	sst s8  }
0x11: {  	[smem:$0x3FB7] =	sst s9;
	s0 =	simm.s32 @!p0 $0x0  }
0x12: {  	s1 =	sld [smem:$0x3F9D];
	s0 =	simm.s32 @p0 $0x1  }
0x13: {  	[smem:$0x3FB8] =	sst s0;
	s0 =	simm.s32 @!p1 $0x0  }
0x14: {  	s2 =	sld [smem:$0x3F9C];
	s0 =	simm.s32 @p1 $0x1  }
0x15: {  	[smem:$0x3FB9] =	sst s0;
	s0 =	simm.s32 @!p2 $0x0  }
0x16: {  	s3 =	sld [smem:$0x3FDB];
	s0 =	simm.s32 @p2 $0x1  }
0x17: {  	s4 =	simm.s32 $0x1BF5;
	[smem:$0x3FBB] =	sst s0  }
0x18: {  	s0 =	sld [smem:$0x3F9E];
	_ =	swait.ge [sflag:s4], $0x0  }
0x19: {  	s7 =	sld [smem:$0x3F9F]  }
0x1a: {  	s8 =	sadd.s32 $0xFFFFE003, lr  }
0x1b: {  	s9 =	sadd.s32 $0xFFFFFEF7, lr;
	s5 =	simm.s32 $0xFFFFFFFF;
	p2 =	slt.u32 s8, $0xFFFFF086  }
0x1c: {  	p1 =	slt.u32 s9, $0xF7A;
	s5 =	simm.s32 @!p2 $0x0  }
0x1d: {  	s5 =	simm.s32 @p1 $0x1;
	p0 =	seq.s32 s7, s2  }
0x1e: {  	s7 =	smul.u32 @!p0 $0xF7A, s2;
	p2 =	seq.s32 @!p0 s5, $0x0  }
0x1f: {  	s9 =	smul.u32 $0xF7A, s1;
	s8 =	simm.s32 @!p0 $0x1BF5;
	p2 =	por !p2, p0  }
0x20: {  	[sflag:s8] =	ssyncset.s32 @!p0 $0xFFFFF086;
	s6 =	sadd.s32 @!p0 s3, s7;
	s7 =	simm.s32 @!p0 $0x108  }
0x21: {  	s3 =	sadd.s32 s3, s9;
	s6 =	sadd.s32 @!p0 $0x88, s6;
	s7 =	simm.s32 @p2 $0x1082  }
0x22: {  	[simem:s7], [sflag:s8] =	dma.local @!p0 [hbm:s6], $0xF7A  }
0x23: {  	s9 =	sor.u32 $0xD0000000, s2;
	s6 =	simm.s32 $0x108;
	_ =	swait.ge @!p0 [sflag:s8], $0x0  }
0x24: {  	s3 =	sadd.s32 $0x88, s3;
	s6 =	simm.s32 @!p1 $0x1082;
	[sflag:s4] =	ssyncset.s32 $0xFFFFF086  }
0x25: {  	[simem:s6], [sflag:s4] =	dma.local [hbm:s3], $0xF7A  }
0x26: {  	[smem:$0x3F9F] =	sst s1;
	(tag) =	ssettag s2;
	_ =	strace s9  }
0x27: {  	s1 =	sld [smem:$0x3FAF]  }
0x28: {  	s2 =	sld [smem:$0x3FB0]  }
0x29: {  	s4 =	sld [smem:$0x3FB2]  }
0x2a: {  	p0 =	seq.s32 s5, $0x0;
	s5 =	sld [smem:$0x3FB3]  }
0x2b: {  	s6 =	sld [smem:$0x3FB4]  }
0x2c: {  	s7 =	sld [smem:$0x3FB5]  }
0x2d: {  	s3 =	simm.s32 $0x108;
	s8 =	sld [smem:$0x3FB6]  }
0x2e: {  	s3 =	simm.s32 @!p0 $0x1082;
	s9 =	sld [smem:$0x3FB7]  }
0x2f: {  	lr =	sadd.s32 s0, s3;
	s0 =	sld [smem:$0x3FAE]  }
0x30: {  	s3 =	sld [smem:$0x3FB1]  }
0x31: {  	[smem:$0x3FBA] =	sst s10  }
0x32: {  	s10 =	sld [smem:$0x3FB8];
	_ =	sdelay $0x3  }
0x33: {  	p0 =	seq.s32 s10, $0x1;
	s10 =	sld [smem:$0x3FBA];
	_ =	sdelay $0x3  }
0x34: {  	[smem:$0x3FBA] =	sst s10  }
0x35: {  	s10 =	sld [smem:$0x3FB9];
	_ =	sdelay $0x3  }
0x36: {  	p1 =	seq.s32 s10, $0x1;
	s10 =	sld [smem:$0x3FBA];
	_ =	sdelay $0x3  }
0x37: {  	[smem:$0x3FBA] =	sst s10  }
0x38: {  	s10 =	sld [smem:$0x3FBB]  }
0x39: {  	_ = 	snop;
	(pc) =	sbr.ind lr, $3  }
0x3a: {  	_ = 	snop  }
0x3b: {  	_ = 	snop  }
0x3c: {  	p2 =	seq.s32 s10, $0x1;
	s10 =	sld [smem:$0x3FBA]  }
0x3d: {  	_ =	shalt  }
0x3e: {  	_ =	shalt  }
0x3f: {  	_ =	shalt  }
0x40: {  	_ =	shalt  }
0x41: {  	_ =	shalt  }
0x42: {  	_ =	shalt  }
0x43: {  	_ =	shalt  }
0x44: {  	_ =	shalt  }
0x45: {  	_ =	shalt  }
0x46: {  	_ =	shalt  }
0x47: {  	_ =	shalt  }
0x48: {  	_ =	shalt  }
0x49: {  	_ =	shalt  }
0x4a: {  	_ =	shalt  }
0x4b: {  	_ =	shalt  }
0x4c: {  	_ =	shalt  }
0x4d: {  	_ =	shalt  }
0x4e: {  	_ =	shalt  }
0x4f: {  	_ =	shalt  }
0x50: {  	_ =	shalt  }
0x51: {  	_ =	shalt  }
0x52: {  	_ =	shalt  }
0x53: {  	_ =	shalt  }
0x54: {  	_ =	shalt  }
0x55: {  	_ =	shalt  }
0x56: {  	_ =	shalt  }
0x57: {  	_ =	shalt  }
0x58: {  	_ =	shalt  }
0x59: {  	_ =	shalt  }
0x5a: {  	_ =	shalt  }
0x5b: {  	_ =	shalt  }
0x5c: {  	_ =	shalt  }
0x5d: {  	_ =	shalt  }
0x5e: {  	_ =	shalt  }
0x5f: {  	_ =	shalt  }
0x60: {  	_ =	shalt  }
0x61: {  	_ =	shalt  }
0x62: {  	_ =	shalt  }
0x63: {  	_ =	shalt  }
0x64: {  	_ =	shalt  }
0x65: {  	_ =	shalt  }
0x66: {  	_ =	shalt  }
0x67: {  	_ =	shalt  }
0x68: {  	_ =	shalt  }
0x69: {  	_ =	shalt  }
0x6a: {  	_ =	shalt  }
0x6b: {  	_ =	shalt  }
0x6c: {  	_ =	shalt  }
0x6d: {  	_ =	shalt  }
0x6e: {  	_ =	shalt  }
0x6f: {  	_ =	shalt  }
0x70: {  	_ =	shalt  }
0x71: {  	_ =	shalt  }
0x72: {  	_ =	shalt  }
0x73: {  	_ =	shalt  }
0x74: {  	_ =	shalt  }
0x75: {  	_ =	shalt  }
0x76: {  	_ =	shalt  }
0x77: {  	_ =	shalt  }
0x78: {  	_ =	shalt  }
0x79: {  	_ =	shalt  }
0x7a: {  	_ =	shalt  }
0x7b: {  	_ =	shalt  }
0x7c: {  	_ =	shalt  }
0x7d: {  	_ =	shalt  }
0x7e: {  	_ =	shalt  }
0x7f: {  	_ =	shalt  }
0x80: {  	_ =	shalt  }
0x81: {  	_ =	shalt  }
0x82: {  	_ =	shalt  }
0x83: {  	_ =	shalt  }
0x84: {  	_ =	shalt  }
0x85: {  	_ =	shalt  }
0x86: {  	_ =	shalt  }
0x87: {  	_ =	shalt  }
.Lfunc_end0:
.L_simem_size_0:
called_computation_lowered:
.L_overlay_start_0:
0x88: {  	s2 =	sld [smem:$0x3FD9]  }
0x89: {  	s3 =	sld [smem:$0x3FFE];
	_ =	sdelay $0x1  }
0x8a: {  	s1 =	srdreg.scid  }
0x8b: {  	s0 =	sand.u32 $0x1, s1  }
0x8c: {  	s17 =	sshll.u32 s0, $0xA;
	s2 =	sadd.s32 s3, s2  }
0x8d: {  	s2 =	sadd.s32 s2, s17  }
0x8e: {  	[smem:$0x3FC6] =	sst s2  }
0x8f: {  	_ = 	snop  }
0x90: {  	s2 =	sld [smem:$0x3FD0];
	(tm) =	ssettm $0x1  }
0x91: {  	s18 =	sld [smem:$0x3FFB];
	_ =	sdelay $0x3  }
0x92: {  	_ =	strace s18  }
0x93: {  	s3 =	sld [smem:$0x3FFC];
	_ =	sdelay $0x3  }
0x94: {  	_ =	strace s3  }
0x95: {  	s3 =	sld [smem:$0x3FFD];
	_ =	sdelay $0x3  }
0x96: {  	_ =	strace s3  }
0x97: {  	_ =	strace $0x8FFFFFFF  }
0x98: {  	s19 =	sld [smem:$0x3FDB];
	_ =	sdelay $0x1  }
0x99: {  	s4 =	simm.s32 $_scs_section_size  }
0x9a: {  	s5 =	simm.s32 $_size__tile_overlayer_lowered;
	s6 =	simm.s32 $_tile_overlayer_lowered  }
0x9b: {  	s22 =	simm.s32 $0x1BFF;
	s21 =	sshll.u32 s6, $0x1;
	s3 =	sadd.s32 s4, s19  }
0x9c: {  	s7 =	simm.s32 $0x0;
	s20 =	sshll.u32 s5, $0x1;
	s5 =	sadd.s32 s21, s3  }
0x9d: {  	[timem:s7], [sflag:s22] =	dma.local [hbm:s5], s20  }
0x9e: {  	_ =	swait.ge [sflag:s22], s20  }
0x9f: {  	s4 =	ssub.s32 $0x0, s20;
	[sflag:s22] =	ssyncset.done $0x0  }
0xa0: {  	[sflag:s22] =	ssyncadd.s32 s4;
	_ =	sdelay $0x1  }
0xa1: {  	s23 =	simm.s32 $0x1B8B  }
0xa2: {  	_ =	swait.ge [sflag:s23], $0x1  }
0xa3: {  	[sflag:s23] =	ssyncset.done $0x0  }
0xa4: {  	s25 =	simm.s32 $0x1B8E;
	s24 =	sld [smem:$0x3FFE];
	[sflag:s23] =	ssyncadd.s32 $0xFFFFFFFF  }
0xa5: {  	s26 =	simm.s32 $execute0_lowered;
	[smem:$0x3FD2] =	sst s25  }
0xa6: {  	s5 =	sshll.u32 s26, $0x1;
	_ =	strace $0x80000046;
	[dreg:$0x1] =	wrdreg $0xFFFFFFFF  }
0xa7: {  	s28 =	simm.s32 $_size_execute0_lowered;
	s3 =	sadd.s32 s3, s5;
	[dreg:$0x0] =	wrdreg $0x0  }
0xa8: {  	s5 =	sshll.u32 s28, $0x1;
	[dreg:$0x2] =	wrdreg s3  }
0xa9: {  	[dreg:$0x3] =	wrdreg s5  }
0xaa: {  	[dreg:$0x4] =	wrdreg $0xC0  }
0xab: {  	_ =	task [dreg:s7], $0x5FFFF  }
0xac: {  	[dreg:$0x1] =	wrdreg $0xFFFFFFFF  }
0xad: {  	[dreg:$0x0] =	wrdreg $0x60  }
0xae: {  	[dreg:$0x2] =	wrdreg s24  }
0xaf: {  	[dreg:$0x3] =	wrdreg s2  }
0xb0: {  	[dreg:$0x4] =	wrdreg $0x15800  }
0xb1: {  	[dreg:$0x5] =	wrdreg $0x15C00  }
0xb2: {  	[dreg:$0x6] =	wrdreg $0x16000  }
0xb3: {  	[dreg:$0x7] =	wrdreg $0x9  }
0xb4: {  	_ =	task.clear_ibuf [dreg:s7], $0x8FFFF;
	_ =	strace $0x90000046  }
0xb5: {  	s29 =	simm.s32 $0x9;
	_ =	strace $0x80000048  }
0xb6: {  	_ =	swait.ge [sflag:s29], $0x1  }
0xb7: {  	[sflag:s29] =	ssyncadd.s32 $0xFFFFFFFF  }
0xb8: {  	_ =	strace $0x90000048  }
0xb9: {  	_ =	sfence  }
0xba: {  	s30 =	sld [smem:$0x0];
	_ =	sdelay $0x2  }
0xbb: {  	s31 =	sshll.u32 s1, $0xD;
	s1 =	sshrl.u32 s1, $0x2  }
0xbc: {  	s3 =	sand.u32 $0x4000, s31;
	s1 =	sadd.s32 s1, s30  }
0xbd: {  	s0 =	sor.u32 s3, s0;
	s1 =	sshll.u32 s1, $0x11  }
0xbe: {  	s0 =	sor.u32 s1, s0  }
0xbf: {  	s0 =	sadd.s32 $0x8F2B, s0  }
0xc0: {  	[sflag:s0] =	ssyncadd.remote.s32 $0x1  }
0xc1: {  	_ =	sfence.sel $0xFFFF  }
0xc2: {  	[dreg:$0x0] =	wrdreg $0xFFFFFFFF;
	(pc) =	sbr.abs _section_cstart, $3  }
0xc3: {  	[dreg:$0x1] =	wrdreg $0xFFFFFFFF  }
0xc4: {  	_ =	task.clear_ibuf [dreg:s7], $0x2FFFF;
	_ =	strace $0x9FFFFFFF  }
0xc5: {  	(tm) =	ssettm $0x7FFFFFFF  }
tec
execute0_lowered:
.L_overlay_start_1:
0x0: {  	(tag) =	ssettag $0x1  }
0x1: {  	s4 =	srdreg.scid  }
0x2: {  	s3 =	rddreg [dreg:$0x0];
	s8 =	sand.u32 $0x1, s4  }
0x3: {  	s1 =	rddreg [dreg:$0x1];
	p1 =	seq.s32 s8, $0x1  }
.Ltmp0:
0x4: {  	s6 =	rddreg [dreg:$0x2];
	(pc) =	sbr.rel @p1 .LBB2_5-.Ltmp0, $4  }
0x5: {  	s5 =	rddreg [dreg:$0x3]  }
0x6: {  	s2 =	rddreg [dreg:$0x4];
	s7 =	simm.s32 $0x0  }
0x7: {  	[smem:$0x7FF] =	sst s7;
	s4 =	stileid.u32  }
0x8: {  	s0 =	rddreg [dreg:$0x5];
	_ =	strace $0x80000047;
	p0 =	sne.s32 s4, $0x0  }
.Ltmp1:
0x9: {  	(pc) =	sbr.rel @p0 .LBB2_3-.Ltmp1, $4  }
0xa: {  	_ = 	snop  }
0xb: {  	s4 =	sshll.u32 s4, $0x7  }
0xc: {  	s4 =	sadd.s32 s4, s3  }
0xd: {  	s3 =	sadd.s32 $0xA00, s4;
	s7 =	sadd.s32 $0x1200, s4  }
0xe: {  	v0 =	vimm.f32 $0.0e+00  }
0xf: {  	[tilespmem:$0xC00] =	vst v0  }
0x10: {  	[tilespmem:$0xC10] =	vst v0  }
0x11: {  	[tilespmem:$0xC20] =	vst v0  }
0x12: {  	[tilespmem:$0xC30] =	vst v0  }
0x13: {  	[tilespmem:$0xC40] =	vst v0  }
0x14: {  	[tilespmem:$0xC50] =	vst v0  }
0x15: {  	[tilespmem:$0xC60] =	vst v0  }
0x16: {  	[tilespmem:$0xC70] =	vst v0  }
0x17: {  	[tilespmem:$0xC80] =	vst v0  }
0x18: {  	[tilespmem:$0xC90] =	vst v0  }
0x19: {  	[tilespmem:$0xCA0] =	vst v0  }
0x1a: {  	[tilespmem:$0xCB0] =	vst v0  }
0x1b: {  	[tilespmem:$0xCC0] =	vst v0  }
0x1c: {  	[tilespmem:$0xCD0] =	vst v0  }
0x1d: {  	[tilespmem:$0xCE0] =	vst v0  }
0x1e: {  	[tilespmem:$0xCF0] =	vst v0  }
0x1f: {  	[tilespmem:$0xD00] =	vst v0  }
0x20: {  	[tilespmem:$0xD10] =	vst v0  }
0x21: {  	[tilespmem:$0xD20] =	vst v0  }
0x22: {  	[tilespmem:$0xD30] =	vst v0  }
0x23: {  	[tilespmem:$0xD40] =	vst v0  }
0x24: {  	[tilespmem:$0xD50] =	vst v0  }
0x25: {  	[tilespmem:$0xD60] =	vst v0  }
0x26: {  	[tilespmem:$0xD70] =	vst v0  }
0x27: {  	[tilespmem:$0xD80] =	vst v0  }
0x28: {  	[tilespmem:$0xD90] =	vst v0  }
0x29: {  	[tilespmem:$0xDA0] =	vst v0  }
0x2a: {  	[tilespmem:$0xDB0] =	vst v0  }
0x2b: {  	[tilespmem:$0xDC0] =	vst v0  }
0x2c: {  	[tilespmem:$0xDD0] =	vst v0  }
0x2d: {  	[tilespmem:$0xDE0] =	vst v0  }
0x2e: {  	[tilespmem:$0xDF0] =	vst v0  }
0x2f: {  	[tilespmem:$0xE00] =	vst v0  }
0x30: {  	[tilespmem:$0xE10] =	vst v0  }
0x31: {  	[tilespmem:$0xE20] =	vst v0  }
0x32: {  	[tilespmem:$0xE30] =	vst v0  }
0x33: {  	[tilespmem:$0xE40] =	vst v0  }
0x34: {  	[tilespmem:$0xE50] =	vst v0  }
0x35: {  	[tilespmem:$0xE60] =	vst v0  }
0x36: {  	[tilespmem:$0xE70] =	vst v0  }
0x37: {  	[tilespmem:$0xE80] =	vst v0  }
0x38: {  	[tilespmem:$0xE90] =	vst v0  }
0x39: {  	[tilespmem:$0xEA0] =	vst v0  }
0x3a: {  	[tilespmem:$0xEB0] =	vst v0  }
0x3b: {  	[tilespmem:$0xEC0] =	vst v0  }
0x3c: {  	[tilespmem:$0xED0] =	vst v0  }
0x3d: {  	[tilespmem:$0xEE0] =	vst v0  }
0x3e: {  	[tilespmem:$0xEF0] =	vst v0  }
0x3f: {  	[tilespmem:$0xF00] =	vst v0  }
0x40: {  	[tilespmem:$0xF10] =	vst v0  }
0x41: {  	[tilespmem:$0xF20] =	vst v0  }
0x42: {  	[tilespmem:$0xF30] =	vst v0  }
0x43: {  	[tilespmem:$0xF40] =	vst v0  }
0x44: {  	[tilespmem:$0xF50] =	vst v0  }
0x45: {  	[tilespmem:$0xF60] =	vst v0  }
0x46: {  	[tilespmem:$0xF70] =	vst v0  }
0x47: {  	[tilespmem:$0xF80] =	vst v0  }
0x48: {  	[tilespmem:$0xF90] =	vst v0  }
0x49: {  	[tilespmem:$0xFA0] =	vst v0  }
0x4a: {  	[tilespmem:$0xFB0] =	vst v0  }
0x4b: {  	[tilespmem:$0xFC0] =	vst v0  }
0x4c: {  	[tilespmem:$0xFD0] =	vst v0  }
0x4d: {  	[tilespmem:$0xFE0] =	vst v0  }
0x4e: {  	s4 =	simm.s32 $0xC00;
	s8 =	simm.s32 $0x1;
	[tilespmem:$0xFF0] =	vst v0  }
0x4f: {  	[spmem:s6] =	stream.linear.scatter [tilespmem:s4], [sflag:$0x1], $0x400, $0x38;
	[tilespmem:$0x1608] =	vst v63  }
0x50: {  	_ =	swait.ge [sflag:s8], $0x400  }
0x51: {  	[sflag:s8] =	ssyncset.done $0x0  }
0x52: {  	[sflag:s8] =	ssyncadd.s32 $0xFFFFFC00  }
0x53: {  	[spmem:s5] =	stream.linear.scatter [tilespmem:s4], [sflag:$0x1], $0x400, $0x38;
	[tilespmem:$0x1608] =	vst v63  }
0x54: {  	_ =	swait.ge [sflag:s8], $0x400  }
0x55: {  	[sflag:s8] =	ssyncset.done $0x0  }
0x56: {  	[sflag:s8] =	ssyncadd.s32 $0xFFFFFC00  }
.LBB2_3:
0x57: {  	v0 =	vimm.f32 $1.000000000e+00  }
0x58: {  	[tilespmem:$0x800] =	vst v0  }
0x59: {  	[tilespmem:$0x810] =	vst v0  }
0x5a: {  	[tilespmem:$0x820] =	vst v0  }
0x5b: {  	[tilespmem:$0x830] =	vst v0  }
0x5c: {  	[tilespmem:$0x840] =	vst v0  }
0x5d: {  	[tilespmem:$0x850] =	vst v0  }
0x5e: {  	[tilespmem:$0x860] =	vst v0  }
0x5f: {  	[tilespmem:$0x870] =	vst v0  }
0x60: {  	[tilespmem:$0x880] =	vst v0  }
0x61: {  	[tilespmem:$0x890] =	vst v0  }
0x62: {  	[tilespmem:$0x8A0] =	vst v0  }
0x63: {  	[tilespmem:$0x8B0] =	vst v0  }
0x64: {  	[tilespmem:$0x8C0] =	vst v0  }
0x65: {  	[tilespmem:$0x8D0] =	vst v0  }
0x66: {  	[tilespmem:$0x8E0] =	vst v0  }
0x67: {  	[tilespmem:$0x8F0] =	vst v0  }
0x68: {  	[tilespmem:$0x900] =	vst v0  }
0x69: {  	[tilespmem:$0x910] =	vst v0  }
0x6a: {  	[tilespmem:$0x920] =	vst v0  }
0x6b: {  	[tilespmem:$0x930] =	vst v0  }
0x6c: {  	[tilespmem:$0x940] =	vst v0  }
0x6d: {  	[tilespmem:$0x950] =	vst v0  }
0x6e: {  	[tilespmem:$0x960] =	vst v0  }
0x6f: {  	[tilespmem:$0x970] =	vst v0  }
0x70: {  	[tilespmem:$0x980] =	vst v0  }
0x71: {  	[tilespmem:$0x990] =	vst v0  }
0x72: {  	[tilespmem:$0x9A0] =	vst v0  }
0x73: {  	[tilespmem:$0x9B0] =	vst v0  }
0x74: {  	[tilespmem:$0x9C0] =	vst v0  }
0x75: {  	[tilespmem:$0x9D0] =	vst v0  }
0x76: {  	[tilespmem:$0x9E0] =	vst v0  }
0x77: {  	[tilespmem:$0x9F0] =	vst v0  }
0x78: {  	[tilespmem:$0xA00] =	vst v0  }
0x79: {  	[tilespmem:$0xA10] =	vst v0  }
0x7a: {  	[tilespmem:$0xA20] =	vst v0  }
0x7b: {  	[tilespmem:$0xA30] =	vst v0  }
0x7c: {  	[tilespmem:$0xA40] =	vst v0  }
0x7d: {  	[tilespmem:$0xA50] =	vst v0  }
0x7e: {  	[tilespmem:$0xA60] =	vst v0  }
0x7f: {  	[tilespmem:$0xA70] =	vst v0  }
0x80: {  	[tilespmem:$0xA80] =	vst v0  }
0x81: {  	[tilespmem:$0xA90] =	vst v0  }
0x82: {  	[tilespmem:$0xAA0] =	vst v0  }
0x83: {  	[tilespmem:$0xAB0] =	vst v0  }
0x84: {  	[tilespmem:$0xAC0] =	vst v0  }
0x85: {  	[tilespmem:$0xAD0] =	vst v0  }
0x86: {  	[tilespmem:$0xAE0] =	vst v0  }
0x87: {  	[tilespmem:$0xAF0] =	vst v0  }
0x88: {  	[tilespmem:$0xB00] =	vst v0  }
0x89: {  	[tilespmem:$0xB10] =	vst v0  }
0x8a: {  	[tilespmem:$0xB20] =	vst v0  }
0x8b: {  	[tilespmem:$0xB30] =	vst v0  }
0x8c: {  	[tilespmem:$0xB40] =	vst v0  }
0x8d: {  	[tilespmem:$0xB50] =	vst v0  }
0x8e: {  	[tilespmem:$0xB60] =	vst v0  }
0x8f: {  	[tilespmem:$0xB70] =	vst v0  }
0x90: {  	[tilespmem:$0xB80] =	vst v0  }
0x91: {  	[tilespmem:$0xB90] =	vst v0  }
0x92: {  	[tilespmem:$0xBA0] =	vst v0  }
0x93: {  	[tilespmem:$0xBB0] =	vst v0  }
0x94: {  	[tilespmem:$0xBC0] =	vst v0  }
0x95: {  	[tilespmem:$0xBD0] =	vst v0  }
0x96: {  	[tilespmem:$0xBE0] =	vst v0  }
0x97: {  	s4 =	simm.s32 $0x0;
	[tilespmem:$0xBF0] =	vst v0  }
0x98: {  	[tilespmem:s4], [sflag:$0x1] =	stream.linear.gather [hbm4b:s3+s4], $0x400, $0x38;
	[tilespmem:$0x1608] =	vst v63  }
0x99: {  	s3 =	simm.s32 $0x1  }
0x9a: {  	_ =	swait.ge [sflag:s3], $0x400  }
0x9b: {  	[sflag:s3] =	ssyncset.done $0x0  }
0x9c: {  	s8 =	simm.s32 $0x400;
	[sflag:s3] =	ssyncadd.s32 $0xFFFFFC00  }
0x9d: {  	[tilespmem:s8], [sflag:$0x1] =	stream.linear.gather [hbm4b:s7+s4], $0x400, $0x38;
	[tilespmem:$0x1608] =	vst v63  }
0x9e: {  	_ =	swait.ge [sflag:s3], $0x400  }
0x9f: {  	[sflag:s3] =	ssyncset.done $0x0  }
0xa0: {  	[sflag:s3] =	ssyncadd.s32 $0xFFFFFC00  }
0xa1: {  	s10 =	simm.s32 $0x80;
	[bflag:$0x0] =	sbarrier.arrive $0xFFFF  }
0xa2: {  	[spmem:s5] =	stream.indirect.scatter.add.f32 [tilespmem:s8], [sflag:$0x1], $0x1, s4, s10, $0xb8;
	[tilespmem:$0x1608] =	vst v63  }
0xa3: {  	_ =	swait.ge [sflag:s3], $0x80  }
0xa4: {  	[sflag:s3] =	ssyncset.done $0x0  }
0xa5: {  	s11 =	simm.s32 $0x800;
	[sflag:s3] =	ssyncadd.s32 $0xFFFFFF80  }
0xa6: {  	[spmem:s6] =	stream.indirect.scatter.add.f32 [tilespmem:s11], [sflag:$0x1], $0x1, s4, s10, $0xb8;
	[tilespmem:$0x1608] =	vst v63  }
0xa7: {  	_ =	swait.ge [sflag:s3], $0x80  }
0xa8: {  	[sflag:s3] =	ssyncset.done $0x0  }
0xa9: {  	s12 =	simm.s32 $0x480;
	[sflag:s3] =	ssyncadd.s32 $0xFFFFFF80  }
0xaa: {  	[spmem:s5] =	stream.indirect.scatter.add.f32 [tilespmem:s12], [sflag:$0x1], $0x1, s10, s10, $0xb8;
	[tilespmem:$0x1608] =	vst v63  }
0xab: {  	_ =	swait.ge [sflag:s3], $0x80  }
0xac: {  	[sflag:s3] =	ssyncset.done $0x0  }
0xad: {  	s13 =	simm.s32 $0x880;
	[sflag:s3] =	ssyncadd.s32 $0xFFFFFF80  }
0xae: {  	[spmem:s6] =	stream.indirect.scatter.add.f32 [tilespmem:s13], [sflag:$0x1], $0x1, s10, s10, $0xb8;
	[tilespmem:$0x1608] =	vst v63  }
0xaf: {  	_ =	swait.ge [sflag:s3], $0x80  }
0xb0: {  	[sflag:s3] =	ssyncset.done $0x0  }
0xb1: {  	s14 =	simm.s32 $0x100;
	s9 =	simm.s32 $0x500;
	[sflag:s3] =	ssyncadd.s32 $0xFFFFFF80  }
0xb2: {  	[spmem:s5] =	stream.indirect.scatter.add.f32 [tilespmem:s9], [sflag:$0x1], $0x1, s14, s10, $0xb8;
	[tilespmem:$0x1608] =	vst v63  }
0xb3: {  	_ =	swait.ge [sflag:s3], $0x80  }
0xb4: {  	[sflag:s3] =	ssyncset.done $0x0  }
0xb5: {  	s15 =	simm.s32 $0x900;
	[sflag:s3] =	ssyncadd.s32 $0xFFFFFF80  }
0xb6: {  	[spmem:s6] =	stream.indirect.scatter.add.f32 [tilespmem:s15], [sflag:$0x1], $0x1, s14, s10, $0xb8;
	[tilespmem:$0x1608] =	vst v63  }
0xb7: {  	_ =	swait.ge [sflag:s3], $0x80  }
0xb8: {  	[sflag:s3] =	ssyncset.done $0x0  }
0xb9: {  	s16 =	simm.s32 $0x180;
	s17 =	simm.s32 $0x580;
	[sflag:s3] =	ssyncadd.s32 $0xFFFFFF80  }
0xba: {  	[spmem:s5] =	stream.indirect.scatter.add.f32 [tilespmem:s17], [sflag:$0x1], $0x1, s16, s10, $0xb8;
	[tilespmem:$0x1608] =	vst v63  }
0xbb: {  	_ =	swait.ge [sflag:s3], $0x80  }
0xbc: {  	[sflag:s3] =	ssyncset.done $0x0  }
0xbd: {  	s18 =	simm.s32 $0x980;
	[sflag:s3] =	ssyncadd.s32 $0xFFFFFF80  }
0xbe: {  	[spmem:s6] =	stream.indirect.scatter.add.f32 [tilespmem:s18], [sflag:$0x1], $0x1, s16, s10, $0xb8;
	[tilespmem:$0x1608] =	vst v63  }
0xbf: {  	_ =	swait.ge [sflag:s3], $0x80  }
0xc0: {  	[sflag:s3] =	ssyncset.done $0x0  }
0xc1: {  	s19 =	simm.s32 $0x200;
	s20 =	simm.s32 $0x600;
	[sflag:s3] =	ssyncadd.s32 $0xFFFFFF80  }
0xc2: {  	[spmem:s5] =	stream.indirect.scatter.add.f32 [tilespmem:s20], [sflag:$0x1], $0x1, s19, s10, $0xb8;
	[tilespmem:$0x1608] =	vst v63  }
0xc3: {  	_ =	swait.ge [sflag:s3], $0x80  }
0xc4: {  	[sflag:s3] =	ssyncset.done $0x0  }
0xc5: {  	s21 =	simm.s32 $0xA00;
	[sflag:s3] =	ssyncadd.s32 $0xFFFFFF80  }
0xc6: {  	[spmem:s6] =	stream.indirect.scatter.add.f32 [tilespmem:s21], [sflag:$0x1], $0x1, s19, s10, $0xb8;
	[tilespmem:$0x1608] =	vst v63  }
0xc7: {  	_ =	swait.ge [sflag:s3], $0x80  }
0xc8: {  	[sflag:s3] =	ssyncset.done $0x0  }
0xc9: {  	s22 =	simm.s32 $0x280;
	s23 =	simm.s32 $0x680;
	[sflag:s3] =	ssyncadd.s32 $0xFFFFFF80  }
0xca: {  	[spmem:s5] =	stream.indirect.scatter.add.f32 [tilespmem:s23], [sflag:$0x1], $0x1, s22, s10, $0xb8;
	[tilespmem:$0x1608] =	vst v63  }
0xcb: {  	_ =	swait.ge [sflag:s3], $0x80  }
0xcc: {  	[sflag:s3] =	ssyncset.done $0x0  }
0xcd: {  	s24 =	simm.s32 $0xA80;
	[sflag:s3] =	ssyncadd.s32 $0xFFFFFF80  }
0xce: {  	[spmem:s6] =	stream.indirect.scatter.add.f32 [tilespmem:s24], [sflag:$0x1], $0x1, s22, s10, $0xb8;
	[tilespmem:$0x1608] =	vst v63  }
0xcf: {  	_ =	swait.ge [sflag:s3], $0x80  }
0xd0: {  	[sflag:s3] =	ssyncset.done $0x0  }
0xd1: {  	s25 =	simm.s32 $0x300;
	s26 =	simm.s32 $0x700;
	[sflag:s3] =	ssyncadd.s32 $0xFFFFFF80  }
0xd2: {  	[spmem:s5] =	stream.indirect.scatter.add.f32 [tilespmem:s26], [sflag:$0x1], $0x1, s25, s10, $0xb8;
	[tilespmem:$0x1608] =	vst v63  }
0xd3: {  	_ =	swait.ge [sflag:s3], $0x80  }
0xd4: {  	[sflag:s3] =	ssyncset.done $0x0  }
0xd5: {  	s28 =	simm.s32 $0xB00;
	[sflag:s3] =	ssyncadd.s32 $0xFFFFFF80  }
0xd6: {  	[spmem:s6] =	stream.indirect.scatter.add.f32 [tilespmem:s28], [sflag:$0x1], $0x1, s25, s10, $0xb8;
	[tilespmem:$0x1608] =	vst v63  }
0xd7: {  	_ =	swait.ge [sflag:s3], $0x80  }
0xd8: {  	[sflag:s3] =	ssyncset.done $0x0  }
0xd9: {  	s29 =	simm.s32 $0x380;
	s30 =	simm.s32 $0x780;
	[sflag:s3] =	ssyncadd.s32 $0xFFFFFF80  }
0xda: {  	[spmem:s5] =	stream.indirect.scatter.add.f32 [tilespmem:s30], [sflag:$0x1], $0x1, s29, s10, $0xb8;
	[tilespmem:$0x1608] =	vst v63  }
0xdb: {  	_ =	swait.ge [sflag:s3], $0x80  }
0xdc: {  	[sflag:s3] =	ssyncset.done $0x0  }
0xdd: {  	s31 =	simm.s32 $0xB80;
	[sflag:s3] =	ssyncadd.s32 $0xFFFFFF80  }
0xde: {  	[spmem:s6] =	stream.indirect.scatter.add.f32 [tilespmem:s31], [sflag:$0x1], $0x1, s29, s10, $0xb8;
	[tilespmem:$0x1608] =	vst v63  }
.Ltmp2:
0xdf: {  	_ =	swait.ge [sflag:s3], $0x80;
	(pc) =	sbr.rel @p0 .LBB2_5-.Ltmp2, $3  }
0xe0: {  	[sflag:s3] =	ssyncset.done $0x0  }
0xe1: {  	[sflag:s3] =	ssyncadd.s32 $0xFFFFFF80  }
0xe2: {  	[bflag:$0x0] =	sbarrier.arrive $0xFFFF;
	_ =	sdelay $0x1  }
0xe3: {  	s7 =	simm.s32 $0xC00  }
0xe4: {  	[tilespmem:s7], [sflag:$0x1] =	stream.linear.gather [spmem:s6], $0x400, $0x38;
	[tilespmem:$0x1608] =	vst v63  }
0xe5: {  	_ =	swait.ge [sflag:s3], $0x400  }
0xe6: {  	[sflag:s3] =	ssyncset.done $0x0  }
0xe7: {  	s28 =	simm.s32 $0x1000;
	[sflag:s3] =	ssyncadd.s32 $0xFFFFFC00  }
0xe8: {  	[tilespmem:s28], [sflag:$0x1] =	stream.linear.gather [spmem:s5], $0x400, $0x38;
	[tilespmem:$0x1608] =	vst v63  }
0xe9: {  	_ =	swait.ge [sflag:s3], $0x400  }
0xea: {  	[sflag:s3] =	ssyncset.done $0x0  }
0xeb: {  	[sflag:s3] =	ssyncadd.s32 $0xFFFFFC00  }
0xec: {  	v0 =	vld [tilespmem:$0xC00];
	_ =	sdelay $0x1  }
0xed: {  	v1 =	vld [tilespmem:$0xC10]  }
0xee: {  	v2 =	vld [tilespmem:$0x1000]  }
0xef: {  	v3 =	vld [tilespmem:$0xC20]  }
0xf0: {  	v5 =	vld [tilespmem:$0xC30];
	v0 =	vmul.f32 $6.103515630e-05, v0  }
0xf1: {  	v4 =	vld [tilespmem:$0x1010]  }
0xf2: {  	v6 =	vld [tilespmem:$0xC40];
	v1 =	vmul.f32 $6.103515630e-05, v1;
	v0 =	vsub.f32 $1.000000000e+00, v0  }
0xf3: {  	v22 =	vld [tilespmem:$0x1020]  }
0xf4: {  	v24 =	vld [tilespmem:$0xC50];
	v3 =	vmul.f32 $6.103515630e-05, v3;
	v1 =	vsub.f32 $1.000000000e+00, v1;
	v0 =	vmul.f32 v0, v2  }
0xf5: {  	v7 =	vld [tilespmem:$0x1030];
	v23 =	vmul.f32 $6.103515630e-05, v5  }
0xf6: {  	v8 =	vld [tilespmem:$0x1040];
	v3 =	vsub.f32 $1.000000000e+00, v3;
	v1 =	vmul.f32 v1, v4;
	v0 =	vadd.f32 $0.0e+00, v0  }
0xf7: {  	v27 =	vld [tilespmem:$0xC60];
	v28 =	vmul.f32 $6.103515630e-05, v6  }
0xf8: {  	v31 =	vld [tilespmem:$0xC70];
	v26 =	vsub.f32 $1.000000000e+00, v23;
	v25 =	vmul.f32 v3, v22;
	v0 =	vadd.f32 v1, v0  }
0xf9: {  	v30 =	vld [tilespmem:$0x1050];
	v5 =	vmul.f32 $6.103515630e-05, v24  }
0xfa: {  	v33 =	vld [tilespmem:$0xC80];
	v29 =	vmul.f32 v26, v7;
	v4 =	vsub.f32 $1.000000000e+00, v28;
	v0 =	vadd.f32 v25, v0  }
0xfb: {  	v32 =	vld [tilespmem:$0x1060];
	v5 =	vsub.f32 $1.000000000e+00, v5  }
0xfc: {  	v34 =	vld [tilespmem:$0x1070];
	v3 =	vmul.f32 $6.103515630e-05, v27;
	v4 =	vmul.f32 v4, v8;
	v0 =	vadd.f32 v29, v0  }
0xfd: {  	v35 =	vld [tilespmem:$0xC90];
	v36 =	vmul.f32 $6.103515630e-05, v31  }
0xfe: {  	v40 =	vld [tilespmem:$0xCA0];
	v2 =	vmul.f32 v5, v30;
	v3 =	vsub.f32 $1.000000000e+00, v3;
	v0 =	vadd.f32 v4, v0  }
0xff: {  	v37 =	vld [tilespmem:$0x1080];
	v39 =	vmul.f32 $6.103515630e-05, v33  }
0x100: {  	v42 =	vld [tilespmem:$0xCB0];
	v38 =	vsub.f32 $1.000000000e+00, v36;
	v1 =	vmul.f32 v3, v32;
	v0 =	vadd.f32 v2, v0  }
0x101: {  	v41 =	vld [tilespmem:$0x1090];
	v5 =	vsub.f32 $1.000000000e+00, v39  }
0x102: {  	v43 =	vld [tilespmem:$0x10A0];
	v3 =	vmul.f32 v38, v34;
	v4 =	vmul.f32 $6.103515630e-05, v35;
	v0 =	vadd.f32 v1, v0  }
0x103: {  	v45 =	vld [tilespmem:$0xCC0];
	v46 =	vmul.f32 $6.103515630e-05, v40  }
0x104: {  	v50 =	vld [tilespmem:$0xCD0];
	v2 =	vmul.f32 v5, v37;
	v44 =	vsub.f32 $1.000000000e+00, v4;
	v0 =	vadd.f32 v3, v0  }
0x105: {  	v47 =	vld [tilespmem:$0x10B0];
	v49 =	vmul.f32 $6.103515630e-05, v42  }
0x106: {  	v52 =	vld [tilespmem:$0xCE0];
	v48 =	vsub.f32 $1.000000000e+00, v46;
	v1 =	vmul.f32 v44, v41;
	v0 =	vadd.f32 v2, v0  }
0x107: {  	v51 =	vld [tilespmem:$0x10C0];
	v5 =	vsub.f32 $1.000000000e+00, v49  }
0x108: {  	v55 =	vld [tilespmem:$0xCF0];
	v4 =	vmul.f32 $6.103515630e-05, v45;
	v3 =	vmul.f32 v48, v43;
	v0 =	vadd.f32 v1, v0  }
0x109: {  	v53 =	vld [tilespmem:$0x10D0];
	v56 =	vmul.f32 $6.103515630e-05, v50  }
0x10a: {  	v60 =	vld [tilespmem:$0xD00];
	v54 =	vsub.f32 $1.000000000e+00, v4;
	v2 =	vmul.f32 v5, v47;
	v0 =	vadd.f32 v3, v0  }
0x10b: {  	v57 =	vld [tilespmem:$0x10E0];
	v59 =	vmul.f32 $6.103515630e-05, v52  }
0x10c: {  	v62 =	vld [tilespmem:$0xD10];
	v58 =	vsub.f32 $1.000000000e+00, v56;
	v1 =	vmul.f32 v54, v51;
	v0 =	vadd.f32 v2, v0  }
0x10d: {  	v61 =	vld [tilespmem:$0x10F0];
	v4 =	vmul.f32 $6.103515630e-05, v55  }
0x10e: {  	v11 =	vld [tilespmem:$0xD20];
	v5 =	vsub.f32 $1.000000000e+00, v59;
	v3 =	vmul.f32 v58, v53;
	v0 =	vadd.f32 v1, v0  }
0x10f: {  	v63 =	vld [tilespmem:$0x1100];
	v12 =	vmul.f32 $6.103515630e-05, v60  }
0x110: {  	v16 =	vld [tilespmem:$0xD30];
	v10 =	vsub.f32 $1.000000000e+00, v4;
	v2 =	vmul.f32 v5, v57;
	v0 =	vadd.f32 v3, v0  }
0x111: {  	v13 =	vld [tilespmem:$0x1110];
	v15 =	vmul.f32 $6.103515630e-05, v62  }
0x112: {  	v17 =	vld [tilespmem:$0x1120];
	v14 =	vsub.f32 $1.000000000e+00, v12;
	v1 =	vmul.f32 v10, v61;
	v0 =	vadd.f32 v2, v0  }
0x113: {  	v18 =	vld [tilespmem:$0xD40];
	v4 =	vmul.f32 $6.103515630e-05, v11  }
0x114: {  	v21 =	vld [tilespmem:$0xD50];
	v5 =	vsub.f32 $1.000000000e+00, v15;
	v3 =	vmul.f32 v14, v63;
	v0 =	vadd.f32 v1, v0  }
0x115: {  	v19 =	vld [tilespmem:$0x1130];
	v22 =	vmul.f32 $6.103515630e-05, v16  }
0x116: {  	v26 =	vld [tilespmem:$0xD60];
	v20 =	vsub.f32 $1.000000000e+00, v4;
	v2 =	vmul.f32 v5, v13;
	v0 =	vadd.f32 v3, v0  }
0x117: {  	v23 =	vld [tilespmem:$0x1140];
	v24 =	vsub.f32 $1.000000000e+00, v22  }
0x118: {  	v27 =	vld [tilespmem:$0x1150];
	v25 =	vmul.f32 $6.103515630e-05, v18;
	v1 =	vmul.f32 v20, v17;
	v0 =	vadd.f32 v2, v0  }
0x119: {  	v28 =	vld [tilespmem:$0xD70];
	v4 =	vmul.f32 $6.103515630e-05, v21  }
0x11a: {  	v31 =	vld [tilespmem:$0xD80];
	v5 =	vsub.f32 $1.000000000e+00, v25;
	v3 =	vmul.f32 v24, v19;
	v0 =	vadd.f32 v1, v0  }
0x11b: {  	v32 =	vmul.f32 $6.103515630e-05, v26;
	v29 =	vld [tilespmem:$0x1160]  }
0x11c: {  	v36 =	vld [tilespmem:$0xD90];
	v30 =	vsub.f32 $1.000000000e+00, v4;
	v2 =	vmul.f32 v5, v23;
	v0 =	vadd.f32 v3, v0  }
0x11d: {  	v33 =	vld [tilespmem:$0x1170];
	v34 =	vsub.f32 $1.000000000e+00, v32  }
0x11e: {  	v38 =	vld [tilespmem:$0xDA0];
	v35 =	vmul.f32 $6.103515630e-05, v28;
	v1 =	vmul.f32 v30, v27;
	v0 =	vadd.f32 v2, v0  }
0x11f: {  	v37 =	vld [tilespmem:$0x1180];
	v4 =	vmul.f32 $6.103515630e-05, v31  }
0x120: {  	v41 =	vld [tilespmem:$0xDB0];
	v5 =	vsub.f32 $1.000000000e+00, v35;
	v3 =	vmul.f32 v34, v29;
	v0 =	vadd.f32 v1, v0  }
0x121: {  	v39 =	vld [tilespmem:$0x1190];
	v42 =	vmul.f32 $6.103515630e-05, v36  }
0x122: {  	v46 =	vld [tilespmem:$0xDC0];
	v40 =	vsub.f32 $1.000000000e+00, v4;
	v2 =	vmul.f32 v5, v33;
	v0 =	vadd.f32 v3, v0  }
0x123: {  	v45 =	vmul.f32 $6.103515630e-05, v38;
	v43 =	vld [tilespmem:$0x11A0]  }
0x124: {  	v44 =	vsub.f32 $1.000000000e+00, v42;
	v48 =	vld [tilespmem:$0xDD0];
	v1 =	vmul.f32 v40, v37;
	v0 =	vadd.f32 v2, v0  }
0x125: {  	v47 =	vld [tilespmem:$0x11B0];
	v4 =	vmul.f32 $6.103515630e-05, v41  }
0x126: {  	v51 =	vld [tilespmem:$0xDE0];
	v5 =	vsub.f32 $1.000000000e+00, v45;
	v3 =	vmul.f32 v44, v39;
	v0 =	vadd.f32 v1, v0  }
0x127: {  	v52 =	vmul.f32 $6.103515630e-05, v46;
	v49 =	vld [tilespmem:$0x11C0]  }
0x128: {  	v56 =	vld [tilespmem:$0xDF0];
	v50 =	vsub.f32 $1.000000000e+00, v4;
	v2 =	vmul.f32 v5, v43;
	v0 =	vadd.f32 v3, v0  }
0x129: {  	v54 =	vsub.f32 $1.000000000e+00, v52;
	v53 =	vld [tilespmem:$0x11D0]  }
0x12a: {  	v55 =	vmul.f32 $6.103515630e-05, v48;
	v58 =	vld [tilespmem:$0xE00];
	v1 =	vmul.f32 v50, v47;
	v0 =	vadd.f32 v2, v0  }
0x12b: {  	v57 =	vld [tilespmem:$0x11E0];
	v4 =	vmul.f32 $6.103515630e-05, v51  }
0x12c: {  	v61 =	vld [tilespmem:$0xE10];
	v5 =	vsub.f32 $1.000000000e+00, v55;
	v3 =	vmul.f32 v54, v49;
	v0 =	vadd.f32 v1, v0  }
0x12d: {  	v62 =	vmul.f32 $6.103515630e-05, v56;
	v59 =	vld [tilespmem:$0x11F0]  }
0x12e: {  	v12 =	vld [tilespmem:$0xE20];
	v60 =	vsub.f32 $1.000000000e+00, v4;
	v2 =	vmul.f32 v5, v53;
	v0 =	vadd.f32 v3, v0  }
0x12f: {  	v10 =	vsub.f32 $1.000000000e+00, v62;
	v63 =	vld [tilespmem:$0x1200]  }
0x130: {  	v11 =	vmul.f32 $6.103515630e-05, v58;
	v14 =	vld [tilespmem:$0xE30];
	v1 =	vmul.f32 v60, v57;
	v0 =	vadd.f32 v2, v0  }
0x131: {  	v13 =	vld [tilespmem:$0x1210];
	v4 =	vmul.f32 $6.103515630e-05, v61  }
0x132: {  	v17 =	vld [tilespmem:$0xE40];
	v5 =	vsub.f32 $1.000000000e+00, v11;
	v3 =	vmul.f32 v10, v59;
	v0 =	vadd.f32 v1, v0  }
0x133: {  	v18 =	vmul.f32 $6.103515630e-05, v12;
	v15 =	vld [tilespmem:$0x1220]  }
0x134: {  	v22 =	vld [tilespmem:$0xE50];
	v16 =	vsub.f32 $1.000000000e+00, v4;
	v2 =	vmul.f32 v5, v63;
	v0 =	vadd.f32 v3, v0  }
0x135: {  	v20 =	vsub.f32 $1.000000000e+00, v18;
	v19 =	vld [tilespmem:$0x1230]  }
0x136: {  	v21 =	vmul.f32 $6.103515630e-05, v14;
	v24 =	vld [tilespmem:$0xE60];
	v1 =	vmul.f32 v16, v13;
	v0 =	vadd.f32 v2, v0  }
0x137: {  	v23 =	vld [tilespmem:$0x1240];
	v4 =	vmul.f32 $6.103515630e-05, v17  }
0x138: {  	v27 =	vld [tilespmem:$0xE70];
	v5 =	vsub.f32 $1.000000000e+00, v21;
	v3 =	vmul.f32 v20, v15;
	v0 =	vadd.f32 v1, v0  }
0x139: {  	v28 =	vmul.f32 $6.103515630e-05, v22;
	v25 =	vld [tilespmem:$0x1250]  }
0x13a: {  	v32 =	vld [tilespmem:$0xE80];
	v26 =	vsub.f32 $1.000000000e+00, v4;
	v2 =	vmul.f32 v5, v19;
	v0 =	vadd.f32 v3, v0  }
0x13b: {  	v30 =	vsub.f32 $1.000000000e+00, v28;
	v29 =	vld [tilespmem:$0x1260]  }
0x13c: {  	v31 =	vmul.f32 $6.103515630e-05, v24;
	v34 =	vld [tilespmem:$0xE90];
	v1 =	vmul.f32 v26, v23;
	v0 =	vadd.f32 v2, v0  }
0x13d: {  	v33 =	vld [tilespmem:$0x1270];
	v4 =	vmul.f32 $6.103515630e-05, v27  }
0x13e: {  	v37 =	vld [tilespmem:$0xEA0];
	v5 =	vsub.f32 $1.000000000e+00, v31;
	v3 =	vmul.f32 v30, v25;
	v0 =	vadd.f32 v1, v0  }
0x13f: {  	v38 =	vmul.f32 $6.103515630e-05, v32;
	v35 =	vld [tilespmem:$0x1280]  }
0x140: {  	v42 =	vld [tilespmem:$0xEB0];
	v36 =	vsub.f32 $1.000000000e+00, v4;
	v2 =	vmul.f32 v5, v29;
	v0 =	vadd.f32 v3, v0  }
0x141: {  	v40 =	vsub.f32 $1.000000000e+00, v38;
	v39 =	vld [tilespmem:$0x1290]  }
0x142: {  	v41 =	vmul.f32 $6.103515630e-05, v34;
	v44 =	vld [tilespmem:$0xEC0];
	v1 =	vmul.f32 v36, v33;
	v0 =	vadd.f32 v2, v0  }
0x143: {  	v43 =	vld [tilespmem:$0x12A0];
	v4 =	vmul.f32 $6.103515630e-05, v37  }
0x144: {  	v47 =	vld [tilespmem:$0xED0];
	v5 =	vsub.f32 $1.000000000e+00, v41;
	v3 =	vmul.f32 v40, v35;
	v0 =	vadd.f32 v1, v0  }
0x145: {  	v48 =	vmul.f32 $6.103515630e-05, v42;
	v45 =	vld [tilespmem:$0x12B0]  }
0x146: {  	v52 =	vld [tilespmem:$0xEE0];
	v46 =	vsub.f32 $1.000000000e+00, v4;
	v2 =	vmul.f32 v5, v39;
	v0 =	vadd.f32 v3, v0  }
0x147: {  	v50 =	vsub.f32 $1.000000000e+00, v48;
	v49 =	vld [tilespmem:$0x12C0]  }
0x148: {  	v51 =	vmul.f32 $6.103515630e-05, v44;
	v54 =	vld [tilespmem:$0xEF0];
	v1 =	vmul.f32 v46, v43;
	v0 =	vadd.f32 v2, v0  }
0x149: {  	v53 =	vld [tilespmem:$0x12D0];
	v4 =	vmul.f32 $6.103515630e-05, v47  }
0x14a: {  	v57 =	vld [tilespmem:$0xF00];
	v5 =	vsub.f32 $1.000000000e+00, v51;
	v3 =	vmul.f32 v50, v45;
	v0 =	vadd.f32 v1, v0  }
0x14b: {  	v58 =	vmul.f32 $6.103515630e-05, v52;
	v55 =	vld [tilespmem:$0x12E0]  }
0x14c: {  	v62 =	vld [tilespmem:$0xF10];
	v56 =	vsub.f32 $1.000000000e+00, v4;
	v2 =	vmul.f32 v5, v49;
	v0 =	vadd.f32 v3, v0  }
0x14d: {  	v60 =	vsub.f32 $1.000000000e+00, v58;
	v59 =	vld [tilespmem:$0x12F0]  }
0x14e: {  	v12 =	vld [tilespmem:$0xF20];
	v61 =	vmul.f32 $6.103515630e-05, v54;
	v1 =	vmul.f32 v56, v53;
	v0 =	vadd.f32 v2, v0  }
0x14f: {  	v63 =	vld [tilespmem:$0x1300];
	v4 =	vmul.f32 $6.103515630e-05, v57  }
0x150: {  	v15 =	vld [tilespmem:$0xF30];
	v5 =	vsub.f32 $1.000000000e+00, v61;
	v3 =	vmul.f32 v60, v55;
	v0 =	vadd.f32 v1, v0  }
0x151: {  	v13 =	vld [tilespmem:$0x1310];
	v16 =	vmul.f32 $6.103515630e-05, v62  }
0x152: {  	v14 =	vsub.f32 $1.000000000e+00, v4;
	v20 =	vld [tilespmem:$0xF40];
	v2 =	vmul.f32 v5, v59;
	v0 =	vadd.f32 v3, v0  }
0x153: {  	v17 =	vld [tilespmem:$0x1320];
	v18 =	vsub.f32 $1.000000000e+00, v16  }
0x154: {  	v22 =	vld [tilespmem:$0xF50];
	v19 =	vmul.f32 $6.103515630e-05, v12;
	v1 =	vmul.f32 v14, v63;
	v0 =	vadd.f32 v2, v0  }
0x155: {  	v21 =	vld [tilespmem:$0x1330];
	v4 =	vmul.f32 $6.103515630e-05, v15  }
0x156: {  	v25 =	vld [tilespmem:$0xF60];
	v5 =	vsub.f32 $1.000000000e+00, v19;
	v3 =	vmul.f32 v18, v13;
	v0 =	vadd.f32 v1, v0  }
0x157: {  	v23 =	vld [tilespmem:$0x1340];
	v26 =	vmul.f32 $6.103515630e-05, v20  }
0x158: {  	v30 =	vld [tilespmem:$0xF70];
	v24 =	vsub.f32 $1.000000000e+00, v4;
	v2 =	vmul.f32 v5, v17;
	v0 =	vadd.f32 v3, v0  }
0x159: {  	v27 =	vld [tilespmem:$0x1350];
	v28 =	vsub.f32 $1.000000000e+00, v26  }
0x15a: {  	v32 =	vld [tilespmem:$0xF80];
	v29 =	vmul.f32 $6.103515630e-05, v22;
	v1 =	vmul.f32 v24, v21;
	v0 =	vadd.f32 v2, v0  }
0x15b: {  	v31 =	vld [tilespmem:$0x1360];
	v4 =	vmul.f32 $6.103515630e-05, v25  }
0x15c: {  	v35 =	vld [tilespmem:$0xF90];
	v5 =	vsub.f32 $1.000000000e+00, v29;
	v3 =	vmul.f32 v28, v23;
	v0 =	vadd.f32 v1, v0  }
0x15d: {  	v33 =	vld [tilespmem:$0x1370];
	v36 =	vmul.f32 $6.103515630e-05, v30  }
0x15e: {  	v40 =	vld [tilespmem:$0xFA0];
	v34 =	vsub.f32 $1.000000000e+00, v4;
	v2 =	vmul.f32 v5, v27;
	v0 =	vadd.f32 v3, v0  }
0x15f: {  	v37 =	vld [tilespmem:$0x1380];
	v38 =	vsub.f32 $1.000000000e+00, v36  }
0x160: {  	v42 =	vld [tilespmem:$0xFB0];
	v39 =	vmul.f32 $6.103515630e-05, v32;
	v1 =	vmul.f32 v34, v31;
	v0 =	vadd.f32 v2, v0  }
0x161: {  	v41 =	vld [tilespmem:$0x1390];
	v4 =	vmul.f32 $6.103515630e-05, v35  }
0x162: {  	v45 =	vld [tilespmem:$0xFC0];
	v5 =	vsub.f32 $1.000000000e+00, v39;
	v3 =	vmul.f32 v38, v33;
	v0 =	vadd.f32 v1, v0  }
0x163: {  	v43 =	vld [tilespmem:$0x13A0];
	v46 =	vmul.f32 $6.103515630e-05, v40  }
0x164: {  	v50 =	vld [tilespmem:$0xFD0];
	v44 =	vsub.f32 $1.000000000e+00, v4;
	v2 =	vmul.f32 v5, v37;
	v0 =	vadd.f32 v3, v0  }
0x165: {  	v47 =	vld [tilespmem:$0x13B0];
	v48 =	vsub.f32 $1.000000000e+00, v46  }
0x166: {  	v52 =	vld [tilespmem:$0xFE0];
	v49 =	vmul.f32 $6.103515630e-05, v42;
	v1 =	vmul.f32 v44, v41;
	v0 =	vadd.f32 v2, v0  }
0x167: {  	v51 =	vld [tilespmem:$0x13C0];
	v4 =	vmul.f32 $6.103515630e-05, v45  }
0x168: {  	v55 =	vld [tilespmem:$0xFF0];
	v5 =	vsub.f32 $1.000000000e+00, v49;
	v3 =	vmul.f32 v48, v43;
	v0 =	vadd.f32 v1, v0  }
0x169: {  	v53 =	vld [tilespmem:$0x13D0];
	v56 =	vmul.f32 $6.103515630e-05, v50  }
0x16a: {  	v54 =	vsub.f32 $1.000000000e+00, v4;
	v2 =	vmul.f32 v5, v47;
	v0 =	vadd.f32 v3, v0  }
0x16b: {  	v57 =	vld [tilespmem:$0x13E0];
	v58 =	vsub.f32 $1.000000000e+00, v56  }
0x16c: {  	v59 =	vmul.f32 $6.103515630e-05, v52;
	v1 =	vmul.f32 v54, v51;
	v0 =	vadd.f32 v2, v0  }
0x16d: {  	v60 =	vld [tilespmem:$0x13F0];
	v4 =	vmul.f32 $6.103515630e-05, v55  }
0x16e: {  	v5 =	vsub.f32 $1.000000000e+00, v59;
	v3 =	vmul.f32 v58, v53;
	v0 =	vadd.f32 v1, v0;
	_ =	sdelay $0x1  }
0x16f: {  	v61 =	vsub.f32 $1.000000000e+00, v4;
	v2 =	vmul.f32 v5, v57;
	v0 =	vadd.f32 v3, v0;
	_ =	sdelay $0x1  }
0x170: {  	v1 =	vmul.f32 v61, v60;
	v0 =	vadd.f32 v2, v0;
	_ =	sdelay $0x1  }
0x171: {  	v0 =	vadd.f32 v1, v0  }
0x172: {  	v62 =	vimm.s32 $0x0  }
0x173: {  	[tilespmem:$0x1500] =	vst v62;
	v63 =	vimm.f32 $0.0e+00;
	v0 =	vmul.f32 $6.103515630e-05, v0  }
0x174: {  	[tilespmem:$0x1400] =	vst v63  }
0x175: {  	s29 =	simm.s32 $0x1400;
	[tilespmem:$0x1480] =	vst v0  }
0x176: {  	[spmem:s2] =	stream.linear.scatter [tilespmem:s29], [sflag:$0x1], $0x80, $0x38;
	[tilespmem:$0x1608] =	vst v63  }
0x177: {  	_ =	swait.ge [sflag:s3], $0x80  }
0x178: {  	s30 =	simm.s32 $0x10;
	[sflag:s3] =	ssyncset.done $0x0  }
0x179: {  	s31 =	simm.s32 $0x1500;
	s8 =	simm.s32 $0x1480;
	[sflag:s3] =	ssyncadd.s32 $0xFFFFFF80  }
0x17a: {  	[spmem:s2] =	stream.indirect.scatter.add.f32 [tilespmem:s8], [sflag:$0x1], $0x1, s31, s30, $0xb8;
	[tilespmem:$0x1608] =	vst v63  }
0x17b: {  	_ =	swait.ge [sflag:s3], $0x10  }
0x17c: {  	[sflag:s3] =	ssyncset.done $0x0  }
0x17d: {  	[sflag:s3] =	ssyncadd.s32 $0xFFFFFFF0  }
0x17e: {  	[tilespmem:s29], [sflag:$0x1] =	stream.linear.gather [spmem:s2], $0x80, $0x38;
	[tilespmem:$0x1608] =	vst v63  }
0x17f: {  	_ =	swait.ge [sflag:s3], $0x80  }
0x180: {  	[sflag:s3] =	ssyncset.done $0x0  }
0x181: {  	[sflag:s3] =	ssyncadd.s32 $0xFFFFFF80  }
0x182: {  	[hbm4b:s1+s4] =	stream.linear.scatter [tilespmem:s29], [sflag:$0x1], $0x80, $0x38;
	[tilespmem:$0x1608] =	vst v63  }
0x183: {  	_ =	swait.ge [sflag:s3], $0x80  }
0x184: {  	[sflag:s3] =	ssyncset.done $0x0  }
0x185: {  	[sflag:s3] =	ssyncadd.s32 $0xFFFFFF80  }
.LBB2_5:
0x186: {  	_ =	sfence.sel $0x180000  }
0x187: {  	[bflag:$0x0] =	sbarrier.arrive $0xFFFF  }
0x188: {  	_ =	strace $0x90000047  }
0x189: {  	s0 =	sadd.s32 @!p0 $0x100000, s0;
	[bflag:$0x2] =	sbarrier.arrive $0xFFFF  }
0x18a: {  	[sflag:s0] =	ssyncadd.tile.s32 @!p0 $0x1;
	_ =	shalt  }
.Lfunc_end2:
_tile_overlayer_lowered:
.L_overlay_start_2:
0x18b: {  	(tag) =	ssettag $0x2  }
0x18c: {  	s0 =	rddreg [dreg:$0x0];
	s2 =	stileid.u32  }
0x18d: {  	s1 =	rddreg [dreg:$0x1];
	p0 =	sne.s32 s2, $0x0  }
0x18e: {  	s3 =	rddreg [dreg:$0x2];
	[bflag:$0x3] =	sbarrier.arrive $0xFFFF;
	s2 =	simm.s32 @!p0 $0x1C01  }
0x18f: {  	[timem:s3], [sflag:s2] =	dma.local @!p0 [hbm:s0], s1  }
0x190: {  	s0 =	simm.s32 @!p0 $0x1  }
0x191: {  	_ =	swait.ge @!p0 [sflag:s0], s1  }
0x192: {  	s1 =	ssub.s32 @!p0 $0x0, s1;
	[sflag:s0] =	ssyncset.done @!p0 $0x0  }
0x193: {  	[sflag:s0] =	ssyncadd.s32 @!p0 s1  }
0x194: {  	[bflag:$0x3] =	sbarrier.arrive $0xFFFF  }
0x195: {  	_ =	shalt  }

</sc_bundles>
